<compile_context>
chip_gen: v7x
topology: tpu7x:2x2x1
jax: 0.10.2.dev20260603
libtpu: 0.0.44.dev20260713+nightly
codegen_flags: <defaults>
</compile_context>

<pallas_src>
import jax
import jax.numpy as jnp
from jax import lax
from jax.experimental import pallas as pl
from jax.experimental.pallas import tpu as pltpu
from jax.experimental.pallas import tpu_sc as plsc
import numpy as np

_Z = np.int32(0)

_N = 10000
_E = 320000
_D = 128
_H = 64
_C = 40
_CP = 48
_K = 10
_ALPHA = 0.1
_NC = 2
_NS = 16
_NW = _NC * _NS
_EPW = _E // _NW
_B = 125
_NCH = _EPW // _B
_NP = 10240
_RPT = _NP // _NS
_BN = 2000





def _sc_mesh():
    return plsc.VectorSubcoreMesh(core_axis_name="c", subcore_axis_name="s",
                                  num_cores=_NC, num_subcores=_NS)



def _deg_body(src_hbm, dst_hbm, ones_hbm, zeros_hbm, osrc_hbm, odst_hbm,
              src_i, dst_i, ones_v, dsrc_sh, ddst_sh):
    c = lax.axis_index("c")
    s = lax.axis_index("s")
    wid = c * _NS + s
    pltpu.sync_copy(src_hbm.at[wid], src_i)
    pltpu.sync_copy(dst_hbm.at[wid], dst_i)
    pltpu.sync_copy(ones_hbm, ones_v)
    rows = pl.ds(s * _RPT, _RPT)
    pltpu.sync_copy(zeros_hbm.at[rows], dsrc_sh.at[rows])
    pltpu.sync_copy(zeros_hbm.at[rows], ddst_sh.at[rows])
    plsc.subcore_barrier()

    def body(j, carry):
        pltpu.sync_copy(ones_v, dsrc_sh.at[src_i.at[j]], add=True)
        pltpu.sync_copy(ones_v, ddst_sh.at[dst_i.at[j]], add=True)
        return carry

    lax.fori_loop(jnp.int32(0), jnp.int32(_NCH), body, jnp.int32(0))
    plsc.subcore_barrier()
    orow = pl.ds(c * _NP + s * _RPT, _RPT)
    pltpu.sync_copy(dsrc_sh.at[rows], osrc_hbm.at[orow])
    pltpu.sync_copy(ddst_sh.at[rows], odst_hbm.at[orow])


def _deg(src, dst, ones16, zeros16):
    f = pl.kernel(
        _deg_body,
        out_type=(jax.ShapeDtypeStruct((_NC * _NP, 16), jnp.float32),
                  jax.ShapeDtypeStruct((_NC * _NP, 16), jnp.float32)),
        mesh=_sc_mesh(),
        compiler_params=pltpu.CompilerParams(use_tc_tiling_on_sc=False),
        scratch_types=[
            pltpu.VMEM((_NCH, _B), jnp.int32),
            pltpu.VMEM((_NCH, _B), jnp.int32),
            pltpu.VMEM((_B, 16), jnp.float32),
            pltpu.VMEM_SHARED((_NP, 16), jnp.float32),
            pltpu.VMEM_SHARED((_NP, 16), jnp.float32),
        ],
    )
    return f(src, dst, ones16, zeros16)



_HALF = _NP // _NC
_CRT = _HALF // _NS
_CRH = _CRT // 2


def _xbarrier(xsem, c, s):
    plsc.subcore_barrier()

    @pl.when(s == 0)
    def _():
        pltpu.semaphore_signal(xsem, 1, core_index=jnp.int32(1) - c)
        pltpu.semaphore_wait(xsem, 1)

    plsc.subcore_barrier()


def _fused_body(gin_hbm, bb_hbm, g0t_hbm, src_hbm, dst_hbm, zeros_hbm,
                g_hbm, x_hbm,
                src_i, dst_i, buf0, buf1, buf2, buf3,
                cb_own, cb_oth, cb_own1, cb_oth1, cb_bb, cb_g0t,
                agg_sh, gs0, gs1, gs2, gs3, xsem):
    c = lax.axis_index("c")
    s = lax.axis_index("s")
    wid = c * _NS + s
    rows = pl.ds(s * _RPT, _RPT)
    hrow = c * _HALF + s * _CRT
    crows = pl.ds(hrow, _CRT)
    pltpu.sync_copy(src_hbm.at[wid], src_i)
    pltpu.sync_copy(dst_hbm.at[wid], dst_i)
    pltpu.sync_copy(zeros_hbm.at[rows], agg_sh.at[rows])
    for hh in range(2):
        hc = pl.ds(hrow + hh * _CRH, _CRH)
        pltpu.sync_copy(gin_hbm.at[hc], cb_own)
        pltpu.sync_copy(cb_own, g_hbm.at[hc])
    pltpu.sync_copy(bb_hbm.at[crows], cb_bb)
    _xbarrier(xsem, c, s)

    bufs = (buf0, buf1, buf2, buf3)
    gsems = (gs0, gs1, gs2, gs3)
    _NBUF = 4

    def step(k, carry):
        for t in range(_NBUF - 1):
            pltpu.async_copy(g_hbm.at[src_i.at[jnp.int32(t)]], bufs[t],
                             gsems[t])

        def body(jj, carry2):
            for t in range(_NBUF):
                j = jj * jnp.int32(_NBUF) + t
                nb = (t + _NBUF - 1) % _NBUF
                pltpu.make_async_copy(g_hbm.at[src_i.at[j]], bufs[t],
                                      gsems[t]).wait()

                @pl.when(j + _NBUF - 1 < _NCH)
                def _():
                    pltpu.async_copy(g_hbm.at[src_i.at[j + _NBUF - 1]],
                                     bufs[nb], gsems[nb])

                pltpu.sync_copy(bufs[t], agg_sh.at[dst_i.at[j]], add=True)
            return carry2

        lax.fori_loop(jnp.int32(0), jnp.int32(_NCH // _NBUF), body,
                      jnp.int32(0))
        plsc.subcore_barrier()
        orow = (jnp.int32(1) - c) * _HALF + s * _CRT
        pltpu.sync_copy(agg_sh.at[pl.ds(orow, _CRT)],
                        x_hbm.at[pl.ds(c * _NP + orow, _CRT)])

        @pl.when(k == _K - 1)
        def _():
            pltpu.sync_copy(agg_sh.at[crows],
                            x_hbm.at[pl.ds(c * _NP + hrow, _CRT)])

        @pl.when(k < _K - 1)
        def _():
            _xbarrier(xsem, c, s)
            oth_base = (jnp.int32(1) - c) * _NP + hrow
            owns = (cb_own, cb_own1)
            oths = (cb_oth, cb_oth1)
            for hh in range(2):
                hc = pl.ds(hrow + hh * _CRH, _CRH)
                pltpu.async_copy(agg_sh.at[hc], owns[hh], gsems[2 * hh])
                pltpu.async_copy(
                    x_hbm.at[pl.ds(oth_base + hh * _CRH, _CRH)], oths[hh],
                    gsems[2 * hh + 1])
            pltpu.sync_copy(zeros_hbm.at[pl.ds(orow, _CRT)],
                            agg_sh.at[pl.ds(orow, _CRT)])
            for hh in range(2):
                hc = pl.ds(hrow + hh * _CRH, _CRH)
                pltpu.make_async_copy(agg_sh.at[hc], owns[hh],
                                      gsems[2 * hh]).wait()
                pltpu.sync_copy(zeros_hbm.at[hc], agg_sh.at[hc])
                pltpu.sync_copy(g0t_hbm.at[hc], cb_g0t)
                pltpu.make_async_copy(
                    x_hbm.at[pl.ds(oth_base + hh * _CRH, _CRH)], oths[hh],
                    gsems[2 * hh + 1]).wait()

                def crow(r, carry3, _hh=hh):
                    for t in range(_CP // 16):
                        sl = pl.ds(t * 16, 16)
                        rb = r + jnp.int32(_hh * _CRH)
                        owns[_hh][r, sl] = (cb_bb[rb, sl]
                                            * (owns[_hh][r, sl]
                                               + oths[_hh][r, sl])
                                            + cb_g0t[r, sl])
                    return carry3

                lax.fori_loop(jnp.int32(0), jnp.int32(_CRH), crow,
                              jnp.int32(0))
                pltpu.sync_copy(owns[hh], g_hbm.at[hc])
            _xbarrier(xsem, c, s)

        return carry

    lax.fori_loop(jnp.int32(0), jnp.int32(_K), step, jnp.int32(0))


def _fused(g, bb, g0t, src, dst, zeros):
    f = pl.kernel(
        _fused_body,
        out_type=(jax.ShapeDtypeStruct((_NP, _CP), jnp.float32),
                  jax.ShapeDtypeStruct((_NC * _NP, _CP), jnp.float32)),
        mesh=_sc_mesh(),
        compiler_params=pltpu.CompilerParams(use_tc_tiling_on_sc=False),
        scratch_types=[
            pltpu.VMEM((_NCH, _B), jnp.int32),
            pltpu.VMEM((_NCH, _B), jnp.int32),
            pltpu.VMEM((_B, _CP), jnp.float32),
            pltpu.VMEM((_B, _CP), jnp.float32),
            pltpu.VMEM((_B, _CP), jnp.float32),
            pltpu.VMEM((_B, _CP), jnp.float32),
            pltpu.VMEM((_CRH, _CP), jnp.float32),
            pltpu.VMEM((_CRH, _CP), jnp.float32),
            pltpu.VMEM((_CRH, _CP), jnp.float32),
            pltpu.VMEM((_CRH, _CP), jnp.float32),
            pltpu.VMEM((_CRT, _CP), jnp.float32),
            pltpu.VMEM((_CRH, _CP), jnp.float32),
            pltpu.VMEM_SHARED((_NP, _CP), jnp.float32),
            pltpu.SemaphoreType.DMA,
            pltpu.SemaphoreType.DMA,
            pltpu.SemaphoreType.DMA,
            pltpu.SemaphoreType.DMA,
            pltpu.SemaphoreType.REGULAR,
        ],
    )
    _, x = f(g, bb, g0t, src, dst, zeros)
    return x



def _mlp_body(x_ref, w0_ref, b0_ref, w1_ref, b1_ref, ps_ref, pd_ref,
              g_ref, g0t_ref, bb_ref, af_ref, c0_ref):
    h = jnp.dot(x_ref[...], w0_ref[...], preferred_element_type=jnp.float32)
    h = jnp.maximum(h + b0_ref[...], 0.0)
    h0 = jnp.dot(h, w1_ref[...], preferred_element_type=jnp.float32) + b1_ref[...]
    degs = ps_ref[0, :, 0] + ps_ref[1, :, 0]
    degd = pd_ref[0, :, 0] + pd_ref[1, :, 0]
    ns = lax.rsqrt(jnp.maximum(degs, 1.0))[:, None]
    nd = lax.rsqrt(jnp.maximum(degd, 1.0))[:, None]
    g_ref[...] = h0 * ns
    g0t_ref[...] = (_ALPHA * ns) * h0
    bb_ref[...] = jnp.broadcast_to((1.0 - _ALPHA) * ns * nd, h0.shape)
    af_ref[...] = jnp.broadcast_to((1.0 - _ALPHA) * nd, h0.shape)
    c0_ref[...] = _ALPHA * h0


def _mlp(x, W0, b0, W1p, b1p, ps, pd):
    grid = _N // _BN
    out = jax.ShapeDtypeStruct((_N, _CP), jnp.float32)
    return pl.pallas_call(
        _mlp_body,
        grid=(grid,),
        in_specs=[
            pl.BlockSpec((_BN, _D), lambda i: (i, _Z)),
            pl.BlockSpec((_D, _H), lambda i: (_Z, _Z)),
            pl.BlockSpec((1, _H), lambda i: (_Z, _Z)),
            pl.BlockSpec((_H, _CP), lambda i: (_Z, _Z)),
            pl.BlockSpec((1, _CP), lambda i: (_Z, _Z)),
            pl.BlockSpec((_NC, _BN, 16), lambda i: (_Z, i, _Z)),
            pl.BlockSpec((_NC, _BN, 16), lambda i: (_Z, i, _Z)),
        ],
        out_specs=[pl.BlockSpec((_BN, _CP), lambda i: (i, _Z))] * 5,
        out_shape=[out] * 5,
    )(x, W0, b0, W1p, b1p, ps, pd)


def _fin_body(p_ref, af_ref, c0_ref, o_ref):
    o_ref[...] = (af_ref[...] * (p_ref[0] + p_ref[1]) + c0_ref[...])[:, :_C]


def _final(p, af, c0):
    grid = _N // _BN
    return pl.pallas_call(
        _fin_body,
        grid=(grid,),
        in_specs=[
            pl.BlockSpec((_NC, _BN, _CP), lambda i: (_Z, i, _Z)),
            pl.BlockSpec((_BN, _CP), lambda i: (i, _Z)),
            pl.BlockSpec((_BN, _CP), lambda i: (i, _Z)),
        ],
        out_specs=pl.BlockSpec((_BN, _C), lambda i: (i, _Z)),
        out_shape=jax.ShapeDtypeStruct((_N, _C), jnp.float32),
    )(p.reshape(_NC, _NP, _CP), af, c0)



def kernel(features, edge_index, W0, b0, W1, b1):
    src = edge_index[0].astype(jnp.int32).reshape(_NW, _NCH, _B)
    dst = edge_index[1].astype(jnp.int32).reshape(_NW, _NCH, _B)
    W1p = jnp.pad(W1, ((0, 0), (0, _CP - _C)))
    b1p = jnp.pad(b1, (0, _CP - _C)).reshape(1, _CP)
    b0r = b0.reshape(1, _H)
    zeros = jnp.zeros((_NP, _CP), jnp.float32)
    zeros16 = jnp.zeros((_NP, 16), jnp.float32)
    ones16 = jnp.ones((_B, 16), jnp.float32)

    psrc, pdst = _deg(src, dst, ones16, zeros16)
    psrc = psrc.reshape(_NC, _NP, 16)
    pdst = pdst.reshape(_NC, _NP, 16)
    g, g0t, bb, af, c0 = _mlp(features.astype(jnp.float32), W0, b0r, W1p, b1p,
                              psrc, pdst)
    padn = ((0, _NP - _N), (0, 0))
    g = jnp.pad(g, padn)
    bb = jnp.pad(bb, padn)
    g0t = jnp.pad(g0t, padn)
    p = _fused(g, bb, g0t, src, dst, zeros)
    return _final(p, af, c0)

# --- scband reference (transcript-rebuilt; emitter-appended) ---
"""Pipeline reference for scband-appnp-26079041421834 (READ-ONLY COPY).

The authoritative reference and input builder live on the scoring server;
editing this copy changes nothing except your own understanding.
"""

import jax
jax.config.update("jax_enable_x64", True)
import jax.numpy as jnp
import numpy as np

N = 10000
E = 320000
D = 128
H = 64
C = 40
K = 10
ALPHA = 0.1


def setup_inputs(seed: int = 0) -> dict:
    key = jax.random.key(seed)
    k1, k2, k3, k4 = jax.random.split(key, 4)
    features = jax.random.normal(k1, (N, D), dtype=jnp.float32)
    edge_index = jax.random.randint(k2, (2, E), 0, N, dtype=jnp.int64)
    W0 = (jax.random.normal(k3, (D, H), dtype=jnp.float32) * (1.0 / np.sqrt(D))).astype(jnp.float32)
    b0 = jnp.zeros((H,), dtype=jnp.float32)
    W1 = (jax.random.normal(k4, (H, C), dtype=jnp.float32) * (1.0 / np.sqrt(H))).astype(jnp.float32)
    b1 = jnp.zeros((C,), dtype=jnp.float32)
    return {"features": features, "edge_index": edge_index, "W0": W0, "b0": b0, "W1": W1, "b1": b1}


def reference(features, edge_index, W0, b0, W1, b1):
    # MLP part of APPNP (feat_drop=0, so dropout is identity)
    h = jnp.maximum(features @ W0 + b0, 0.0)  # activation = relu
    h = h @ W1 + b1
    # APPNPConv propagation with symmetric normalization (edge_drop=0)
    src = edge_index[0]
    dst = edge_index[1]
    ones = jnp.ones((edge_index.shape[1],), dtype=h.dtype)
    deg_out = jax.ops.segment_sum(ones, src, num_segments=N)
    deg_in = jax.ops.segment_sum(ones, dst, num_segments=N)
    norm_src = 1.0 / jnp.sqrt(jnp.clip(deg_out, 1.0, None))
    norm_dst = 1.0 / jnp.sqrt(jnp.clip(deg_in, 1.0, None))
    h0 = h
    for _ in range(K):
        m = (h * norm_src[:, None])[src]              # gather along edges
        agg = jax.ops.segment_sum(m, dst, num_segments=N)  # scatter-add
        h = (1.0 - ALPHA) * agg * norm_dst[:, None] + ALPHA * h0
    return h

if __name__ == "__main__":
    import jax
    _d = setup_inputs()
    print(jax.jit(kernel)(*tuple(_d.values())))

</pallas_src>

<mosaic_0001>
#map = affine_map<(d0, d1) -> (0, 0, 0)>
#map1 = affine_map<(d0, d1) -> (0, 0)>
module attributes {stable_mosaic.version = 14 : i64} {
  func.func @_deg_body(%arg0: i32, %arg1: i32, %arg2: memref<32x80x125xi32, #tpu.memory_space<hbm>>, %arg3: memref<32x80x125xi32, #tpu.memory_space<hbm>>, %arg4: memref<125x16xf32, #tpu.memory_space<hbm>>, %arg5: memref<10240x16xf32, #tpu.memory_space<hbm>>, %arg6: memref<20480x16xf32, #tpu.memory_space<hbm>>, %arg7: memref<20480x16xf32, #tpu.memory_space<hbm>>, %arg8: memref<80x125xi32, #tpu.memory_space<vmem>>, %arg9: memref<80x125xi32, #tpu.memory_space<vmem>>, %arg10: memref<125x16xf32, #tpu.memory_space<vmem>>, %arg11: memref<10240x16xf32, #tpu.memory_space<vmem_shared>>, %arg12: memref<10240x16xf32, #tpu.memory_space<vmem_shared>>) attributes {dimension_semantics = [#tpu.dimension_semantics<core_parallel>, #tpu.dimension_semantics<subcore_parallel>], iteration_bounds = array<i64: 2, 16>, scalar_prefetch = 0 : i64, scratch_operands = 5 : i64, tpu.core_type = #tpu.core_type<sc_vector_subcore>, window_params = [{transform_indices = #map}, {transform_indices = #map}, {transform_indices = #map1}, {transform_indices = #map1}, {transform_indices = #map1}, {transform_indices = #map1}]} {
    %mul3A = arith.constant 16 : i32
    %mul3A_0 = arith.muli %arg0, %mul3A : i32
    %add3A = arith.addi %mul3A_0, %arg1 : i32
    "tpu.region"() ({
      %run_scoped3A = tpu.sem_alloc : memref<!tpu.dma_semaphore, #tpu.memory_space<semaphore_mem>>
      %dma_start3A = arith.constant 0 : i32
      %dma_start3A_19 = arith.constant 0 : i32
      %dma_start3A_20 = tpu.memref_slice %arg2[%add3A, %dma_start3A, %dma_start3A_19] : memref<32x80x125xi32, #tpu.memory_space<hbm>> -> memref<1x80x125xi32, #tpu.memory_space<hbm>>
      %dma_start3A_21 = tpu.memref_squeeze %dma_start3A_20 : memref<1x80x125xi32, #tpu.memory_space<hbm>> -> memref<80x125xi32, #tpu.memory_space<hbm>>
      %dma_start3A_22 = arith.constant 0 : i32
      %dma_start3A_23 = arith.constant 0 : i32
      %dma_start3A_24 = tpu.memref_slice %arg2[%add3A, %dma_start3A_22, %dma_start3A_23] : memref<32x80x125xi32, #tpu.memory_space<hbm>> -> memref<1x80x125xi32, #tpu.memory_space<hbm>>
      %dma_start3A_25 = tpu.memref_squeeze %dma_start3A_24 : memref<1x80x125xi32, #tpu.memory_space<hbm>> -> memref<80x125xi32, #tpu.memory_space<hbm>>
      tpu.enqueue_dma source(%dma_start3A_25 : memref<80x125xi32, #tpu.memory_space<hbm>>) target(%arg8 : memref<80x125xi32, #tpu.memory_space<vmem>>) target_semaphore(%run_scoped3A : memref<!tpu.dma_semaphore, #tpu.memory_space<semaphore_mem>>)
      %dma_wait3A = arith.constant 0 : i32
      %dma_wait3A_26 = arith.constant 0 : i32
      %dma_wait3A_27 = tpu.memref_slice %arg2[%add3A, %dma_wait3A, %dma_wait3A_26] : memref<32x80x125xi32, #tpu.memory_space<hbm>> -> memref<1x80x125xi32, #tpu.memory_space<hbm>>
      %dma_wait3A_28 = tpu.memref_squeeze %dma_wait3A_27 : memref<1x80x125xi32, #tpu.memory_space<hbm>> -> memref<80x125xi32, #tpu.memory_space<hbm>>
      %dma_wait3A_29 = arith.constant 0 : i32
      %dma_wait3A_30 = arith.constant 0 : i32
      %dma_wait3A_31 = tpu.memref_slice %arg2[%add3A, %dma_wait3A_29, %dma_wait3A_30] : memref<32x80x125xi32, #tpu.memory_space<hbm>> -> memref<1x80x125xi32, #tpu.memory_space<hbm>>
      %dma_wait3A_32 = tpu.memref_squeeze %dma_wait3A_31 : memref<1x80x125xi32, #tpu.memory_space<hbm>> -> memref<80x125xi32, #tpu.memory_space<hbm>>
      tpu.wait_dma2 semaphore(%run_scoped3A : memref<!tpu.dma_semaphore, #tpu.memory_space<semaphore_mem>>) src(%dma_wait3A_32 : memref<80x125xi32, #tpu.memory_space<hbm>>) dst(%arg8 : memref<80x125xi32, #tpu.memory_space<vmem>>)
      tpu.yield
    }) : () -> ()
    "tpu.region"() ({
      %run_scoped3A = tpu.sem_alloc : memref<!tpu.dma_semaphore, #tpu.memory_space<semaphore_mem>>
      %dma_start3A = arith.constant 0 : i32
      %dma_start3A_19 = arith.constant 0 : i32
      %dma_start3A_20 = tpu.memref_slice %arg3[%add3A, %dma_start3A, %dma_start3A_19] : memref<32x80x125xi32, #tpu.memory_space<hbm>> -> memref<1x80x125xi32, #tpu.memory_space<hbm>>
      %dma_start3A_21 = tpu.memref_squeeze %dma_start3A_20 : memref<1x80x125xi32, #tpu.memory_space<hbm>> -> memref<80x125xi32, #tpu.memory_space<hbm>>
      %dma_start3A_22 = arith.constant 0 : i32
      %dma_start3A_23 = arith.constant 0 : i32
      %dma_start3A_24 = tpu.memref_slice %arg3[%add3A, %dma_start3A_22, %dma_start3A_23] : memref<32x80x125xi32, #tpu.memory_space<hbm>> -> memref<1x80x125xi32, #tpu.memory_space<hbm>>
      %dma_start3A_25 = tpu.memref_squeeze %dma_start3A_24 : memref<1x80x125xi32, #tpu.memory_space<hbm>> -> memref<80x125xi32, #tpu.memory_space<hbm>>
      tpu.enqueue_dma source(%dma_start3A_25 : memref<80x125xi32, #tpu.memory_space<hbm>>) target(%arg9 : memref<80x125xi32, #tpu.memory_space<vmem>>) target_semaphore(%run_scoped3A : memref<!tpu.dma_semaphore, #tpu.memory_space<semaphore_mem>>)
      %dma_wait3A = arith.constant 0 : i32
      %dma_wait3A_26 = arith.constant 0 : i32
      %dma_wait3A_27 = tpu.memref_slice %arg3[%add3A, %dma_wait3A, %dma_wait3A_26] : memref<32x80x125xi32, #tpu.memory_space<hbm>> -> memref<1x80x125xi32, #tpu.memory_space<hbm>>
      %dma_wait3A_28 = tpu.memref_squeeze %dma_wait3A_27 : memref<1x80x125xi32, #tpu.memory_space<hbm>> -> memref<80x125xi32, #tpu.memory_space<hbm>>
      %dma_wait3A_29 = arith.constant 0 : i32
      %dma_wait3A_30 = arith.constant 0 : i32
      %dma_wait3A_31 = tpu.memref_slice %arg3[%add3A, %dma_wait3A_29, %dma_wait3A_30] : memref<32x80x125xi32, #tpu.memory_space<hbm>> -> memref<1x80x125xi32, #tpu.memory_space<hbm>>
      %dma_wait3A_32 = tpu.memref_squeeze %dma_wait3A_31 : memref<1x80x125xi32, #tpu.memory_space<hbm>> -> memref<80x125xi32, #tpu.memory_space<hbm>>
      tpu.wait_dma2 semaphore(%run_scoped3A : memref<!tpu.dma_semaphore, #tpu.memory_space<semaphore_mem>>) src(%dma_wait3A_32 : memref<80x125xi32, #tpu.memory_space<hbm>>) dst(%arg9 : memref<80x125xi32, #tpu.memory_space<vmem>>)
      tpu.yield
    }) : () -> ()
    "tpu.region"() ({
      %run_scoped3A = tpu.sem_alloc : memref<!tpu.dma_semaphore, #tpu.memory_space<semaphore_mem>>
      tpu.enqueue_dma source(%arg4 : memref<125x16xf32, #tpu.memory_space<hbm>>) target(%arg10 : memref<125x16xf32, #tpu.memory_space<vmem>>) target_semaphore(%run_scoped3A : memref<!tpu.dma_semaphore, #tpu.memory_space<semaphore_mem>>)
      tpu.wait_dma2 semaphore(%run_scoped3A : memref<!tpu.dma_semaphore, #tpu.memory_space<semaphore_mem>>) src(%arg4 : memref<125x16xf32, #tpu.memory_space<hbm>>) dst(%arg10 : memref<125x16xf32, #tpu.memory_space<vmem>>)
      tpu.yield
    }) : () -> ()
    %mul3A_1 = arith.constant 640 : i32
    %mul3A_2 = arith.muli %arg1, %mul3A_1 : i32
    "tpu.region"() ({
      %run_scoped3A = tpu.sem_alloc : memref<!tpu.dma_semaphore, #tpu.memory_space<semaphore_mem>>
      %dma_start3A = arith.constant 0 : i32
      %dma_start3A_19 = tpu.memref_slice %arg11[%mul3A_2, %dma_start3A] : memref<10240x16xf32, #tpu.memory_space<vmem_shared>> -> memref<640x16xf32, #tpu.memory_space<vmem_shared>>
      %dma_start3A_20 = arith.constant 0 : i32
      %dma_start3A_21 = tpu.memref_slice %arg5[%mul3A_2, %dma_start3A_20] : memref<10240x16xf32, #tpu.memory_space<hbm>> -> memref<640x16xf32, #tpu.memory_space<hbm>>
      tpu.enqueue_dma source(%dma_start3A_21 : memref<640x16xf32, #tpu.memory_space<hbm>>) target(%dma_start3A_19 : memref<640x16xf32, #tpu.memory_space<vmem_shared>>) target_semaphore(%run_scoped3A : memref<!tpu.dma_semaphore, #tpu.memory_space<semaphore_mem>>)
      %dma_wait3A = arith.constant 0 : i32
      %dma_wait3A_22 = tpu.memref_slice %arg11[%mul3A_2, %dma_wait3A] : memref<10240x16xf32, #tpu.memory_space<vmem_shared>> -> memref<640x16xf32, #tpu.memory_space<vmem_shared>>
      %dma_wait3A_23 = arith.constant 0 : i32
      %dma_wait3A_24 = tpu.memref_slice %arg5[%mul3A_2, %dma_wait3A_23] : memref<10240x16xf32, #tpu.memory_space<hbm>> -> memref<640x16xf32, #tpu.memory_space<hbm>>
      tpu.wait_dma2 semaphore(%run_scoped3A : memref<!tpu.dma_semaphore, #tpu.memory_space<semaphore_mem>>) src(%dma_wait3A_24 : memref<640x16xf32, #tpu.memory_space<hbm>>) dst(%dma_wait3A_22 : memref<640x16xf32, #tpu.memory_space<vmem_shared>>)
      tpu.yield
    }) : () -> ()
    "tpu.region"() ({
      %run_scoped3A = tpu.sem_alloc : memref<!tpu.dma_semaphore, #tpu.memory_space<semaphore_mem>>
      %dma_start3A = arith.constant 0 : i32
      %dma_start3A_19 = tpu.memref_slice %arg12[%mul3A_2, %dma_start3A] : memref<10240x16xf32, #tpu.memory_space<vmem_shared>> -> memref<640x16xf32, #tpu.memory_space<vmem_shared>>
      %dma_start3A_20 = arith.constant 0 : i32
      %dma_start3A_21 = tpu.memref_slice %arg5[%mul3A_2, %dma_start3A_20] : memref<10240x16xf32, #tpu.memory_space<hbm>> -> memref<640x16xf32, #tpu.memory_space<hbm>>
      tpu.enqueue_dma source(%dma_start3A_21 : memref<640x16xf32, #tpu.memory_space<hbm>>) target(%dma_start3A_19 : memref<640x16xf32, #tpu.memory_space<vmem_shared>>) target_semaphore(%run_scoped3A : memref<!tpu.dma_semaphore, #tpu.memory_space<semaphore_mem>>)
      %dma_wait3A = arith.constant 0 : i32
      %dma_wait3A_22 = tpu.memref_slice %arg12[%mul3A_2, %dma_wait3A] : memref<10240x16xf32, #tpu.memory_space<vmem_shared>> -> memref<640x16xf32, #tpu.memory_space<vmem_shared>>
      %dma_wait3A_23 = arith.constant 0 : i32
      %dma_wait3A_24 = tpu.memref_slice %arg5[%mul3A_2, %dma_wait3A_23] : memref<10240x16xf32, #tpu.memory_space<hbm>> -> memref<640x16xf32, #tpu.memory_space<hbm>>
      tpu.wait_dma2 semaphore(%run_scoped3A : memref<!tpu.dma_semaphore, #tpu.memory_space<semaphore_mem>>) src(%dma_wait3A_24 : memref<640x16xf32, #tpu.memory_space<hbm>>) dst(%dma_wait3A_22 : memref<640x16xf32, #tpu.memory_space<vmem_shared>>)
      tpu.yield
    }) : () -> ()
    %barrier3A = arith.constant 0 : index
    tpu.barrier barrier_id(%barrier3A)
    %while3A = arith.constant 0 : i32
    %while3A_3 = arith.constant 0 : i32
    %while3A_4 = arith.constant 80 : i32
    %while3A_5 = arith.subi %while3A_4, %while3A_3 : i32
    %while3A_6 = arith.addi %while3A_3, %while3A_5 : i32
    %while3A_7 = arith.constant 1 : i32
    %while3A_8 = arith.divsi %while3A_5, %while3A_7 : i32
    %while3A_9 = arith.muli %while3A_8, %while3A_7 : i32
    %while3A_10 = arith.addi %while3A_3, %while3A_9 : i32
    %while3A_11 = arith.constant 1 : i32
    scf.for %while3A_19 = %while3A_3 to %while3A_10 step %while3A_11  : i32 {
      "tpu.region"() ({
        %run_scoped3A = tpu.sem_alloc : memref<!tpu.dma_semaphore, #tpu.memory_space<semaphore_mem>>
        %dma_start3A = arith.constant 0 : i32
        %dma_start3A_20 = tpu.memref_slice %arg8[%while3A_19, %dma_start3A] : memref<80x125xi32, #tpu.memory_space<vmem>> -> memref<1x125xi32, #tpu.memory_space<vmem>>
        %dma_start3A_21 = tpu.memref_squeeze %dma_start3A_20 : memref<1x125xi32, #tpu.memory_space<vmem>> -> memref<125xi32, #tpu.memory_space<vmem>>
        %dma_start3A_22 = arith.constant 0 : i32
        %dma_start3A_23 = arith.constant 0 : i32
        %dma_start3A_24 = tpu.memref_slice %arg11[%dma_start3A_22, %dma_start3A_23] : memref<10240x16xf32, #tpu.memory_space<vmem_shared>> -> memref<10240x16xf32, #tpu.memory_space<vmem_shared>>
        tpu.enqueue_indirect_dma source(%arg10 : memref<125x16xf32, #tpu.memory_space<vmem>>) target(%dma_start3A_24 : memref<10240x16xf32, #tpu.memory_space<vmem_shared>>) offsets(%dma_start3A_21 : memref<125xi32, #tpu.memory_space<vmem>>) semaphore(%run_scoped3A : memref<!tpu.dma_semaphore, #tpu.memory_space<semaphore_mem>>) {add = true}
        %dma_wait3A = arith.constant 0 : i32
        %dma_wait3A_25 = tpu.memref_slice %arg8[%while3A_19, %dma_wait3A] : memref<80x125xi32, #tpu.memory_space<vmem>> -> memref<1x125xi32, #tpu.memory_space<vmem>>
        %dma_wait3A_26 = tpu.memref_squeeze %dma_wait3A_25 : memref<1x125xi32, #tpu.memory_space<vmem>> -> memref<125xi32, #tpu.memory_space<vmem>>
        %dma_wait3A_27 = arith.constant 0 : i32
        %dma_wait3A_28 = arith.constant 0 : i32
        %dma_wait3A_29 = tpu.memref_slice %arg11[%dma_wait3A_27, %dma_wait3A_28] : memref<10240x16xf32, #tpu.memory_space<vmem_shared>> -> memref<10240x16xf32, #tpu.memory_space<vmem_shared>>
        tpu.wait_indirect_dma semaphore(%run_scoped3A : memref<!tpu.dma_semaphore, #tpu.memory_space<semaphore_mem>>) src(%arg10 : memref<125x16xf32, #tpu.memory_space<vmem>>) dst(%dma_wait3A_29 : memref<10240x16xf32, #tpu.memory_space<vmem_shared>>)
        tpu.yield
      }) : () -> ()
      "tpu.region"() ({
        %run_scoped3A = tpu.sem_alloc : memref<!tpu.dma_semaphore, #tpu.memory_space<semaphore_mem>>
        %dma_start3A = arith.constant 0 : i32
        %dma_start3A_20 = tpu.memref_slice %arg9[%while3A_19, %dma_start3A] : memref<80x125xi32, #tpu.memory_space<vmem>> -> memref<1x125xi32, #tpu.memory_space<vmem>>
        %dma_start3A_21 = tpu.memref_squeeze %dma_start3A_20 : memref<1x125xi32, #tpu.memory_space<vmem>> -> memref<125xi32, #tpu.memory_space<vmem>>
        %dma_start3A_22 = arith.constant 0 : i32
        %dma_start3A_23 = arith.constant 0 : i32
        %dma_start3A_24 = tpu.memref_slice %arg12[%dma_start3A_22, %dma_start3A_23] : memref<10240x16xf32, #tpu.memory_space<vmem_shared>> -> memref<10240x16xf32, #tpu.memory_space<vmem_shared>>
        tpu.enqueue_indirect_dma source(%arg10 : memref<125x16xf32, #tpu.memory_space<vmem>>) target(%dma_start3A_24 : memref<10240x16xf32, #tpu.memory_space<vmem_shared>>) offsets(%dma_start3A_21 : memref<125xi32, #tpu.memory_space<vmem>>) semaphore(%run_scoped3A : memref<!tpu.dma_semaphore, #tpu.memory_space<semaphore_mem>>) {add = true}
        %dma_wait3A = arith.constant 0 : i32
        %dma_wait3A_25 = tpu.memref_slice %arg9[%while3A_19, %dma_wait3A] : memref<80x125xi32, #tpu.memory_space<vmem>> -> memref<1x125xi32, #tpu.memory_space<vmem>>
        %dma_wait3A_26 = tpu.memref_squeeze %dma_wait3A_25 : memref<1x125xi32, #tpu.memory_space<vmem>> -> memref<125xi32, #tpu.memory_space<vmem>>
        %dma_wait3A_27 = arith.constant 0 : i32
        %dma_wait3A_28 = arith.constant 0 : i32
        %dma_wait3A_29 = tpu.memref_slice %arg12[%dma_wait3A_27, %dma_wait3A_28] : memref<10240x16xf32, #tpu.memory_space<vmem_shared>> -> memref<10240x16xf32, #tpu.memory_space<vmem_shared>>
        tpu.wait_indirect_dma semaphore(%run_scoped3A : memref<!tpu.dma_semaphore, #tpu.memory_space<semaphore_mem>>) src(%arg10 : memref<125x16xf32, #tpu.memory_space<vmem>>) dst(%dma_wait3A_29 : memref<10240x16xf32, #tpu.memory_space<vmem_shared>>)
        tpu.yield
      }) : () -> ()
    }
    %while3A_12 = arith.constant 1 : i32
    scf.for %while3A_19 = %while3A_10 to %while3A_6 step %while3A_12  : i32 {
      "tpu.region"() ({
        %run_scoped3A = tpu.sem_alloc : memref<!tpu.dma_semaphore, #tpu.memory_space<semaphore_mem>>
        %dma_start3A = arith.constant 0 : i32
        %dma_start3A_20 = tpu.memref_slice %arg8[%while3A_19, %dma_start3A] : memref<80x125xi32, #tpu.memory_space<vmem>> -> memref<1x125xi32, #tpu.memory_space<vmem>>
        %dma_start3A_21 = tpu.memref_squeeze %dma_start3A_20 : memref<1x125xi32, #tpu.memory_space<vmem>> -> memref<125xi32, #tpu.memory_space<vmem>>
        %dma_start3A_22 = arith.constant 0 : i32
        %dma_start3A_23 = arith.constant 0 : i32
        %dma_start3A_24 = tpu.memref_slice %arg11[%dma_start3A_22, %dma_start3A_23] : memref<10240x16xf32, #tpu.memory_space<vmem_shared>> -> memref<10240x16xf32, #tpu.memory_space<vmem_shared>>
        tpu.enqueue_indirect_dma source(%arg10 : memref<125x16xf32, #tpu.memory_space<vmem>>) target(%dma_start3A_24 : memref<10240x16xf32, #tpu.memory_space<vmem_shared>>) offsets(%dma_start3A_21 : memref<125xi32, #tpu.memory_space<vmem>>) semaphore(%run_scoped3A : memref<!tpu.dma_semaphore, #tpu.memory_space<semaphore_mem>>) {add = true}
        %dma_wait3A = arith.constant 0 : i32
        %dma_wait3A_25 = tpu.memref_slice %arg8[%while3A_19, %dma_wait3A] : memref<80x125xi32, #tpu.memory_space<vmem>> -> memref<1x125xi32, #tpu.memory_space<vmem>>
        %dma_wait3A_26 = tpu.memref_squeeze %dma_wait3A_25 : memref<1x125xi32, #tpu.memory_space<vmem>> -> memref<125xi32, #tpu.memory_space<vmem>>
        %dma_wait3A_27 = arith.constant 0 : i32
        %dma_wait3A_28 = arith.constant 0 : i32
        %dma_wait3A_29 = tpu.memref_slice %arg11[%dma_wait3A_27, %dma_wait3A_28] : memref<10240x16xf32, #tpu.memory_space<vmem_shared>> -> memref<10240x16xf32, #tpu.memory_space<vmem_shared>>
        tpu.wait_indirect_dma semaphore(%run_scoped3A : memref<!tpu.dma_semaphore, #tpu.memory_space<semaphore_mem>>) src(%arg10 : memref<125x16xf32, #tpu.memory_space<vmem>>) dst(%dma_wait3A_29 : memref<10240x16xf32, #tpu.memory_space<vmem_shared>>)
        tpu.yield
      }) : () -> ()
      "tpu.region"() ({
        %run_scoped3A = tpu.sem_alloc : memref<!tpu.dma_semaphore, #tpu.memory_space<semaphore_mem>>
        %dma_start3A = arith.constant 0 : i32
        %dma_start3A_20 = tpu.memref_slice %arg9[%while3A_19, %dma_start3A] : memref<80x125xi32, #tpu.memory_space<vmem>> -> memref<1x125xi32, #tpu.memory_space<vmem>>
        %dma_start3A_21 = tpu.memref_squeeze %dma_start3A_20 : memref<1x125xi32, #tpu.memory_space<vmem>> -> memref<125xi32, #tpu.memory_space<vmem>>
        %dma_start3A_22 = arith.constant 0 : i32
        %dma_start3A_23 = arith.constant 0 : i32
        %dma_start3A_24 = tpu.memref_slice %arg12[%dma_start3A_22, %dma_start3A_23] : memref<10240x16xf32, #tpu.memory_space<vmem_shared>> -> memref<10240x16xf32, #tpu.memory_space<vmem_shared>>
        tpu.enqueue_indirect_dma source(%arg10 : memref<125x16xf32, #tpu.memory_space<vmem>>) target(%dma_start3A_24 : memref<10240x16xf32, #tpu.memory_space<vmem_shared>>) offsets(%dma_start3A_21 : memref<125xi32, #tpu.memory_space<vmem>>) semaphore(%run_scoped3A : memref<!tpu.dma_semaphore, #tpu.memory_space<semaphore_mem>>) {add = true}
        %dma_wait3A = arith.constant 0 : i32
        %dma_wait3A_25 = tpu.memref_slice %arg9[%while3A_19, %dma_wait3A] : memref<80x125xi32, #tpu.memory_space<vmem>> -> memref<1x125xi32, #tpu.memory_space<vmem>>
        %dma_wait3A_26 = tpu.memref_squeeze %dma_wait3A_25 : memref<1x125xi32, #tpu.memory_space<vmem>> -> memref<125xi32, #tpu.memory_space<vmem>>
        %dma_wait3A_27 = arith.constant 0 : i32
        %dma_wait3A_28 = arith.constant 0 : i32
        %dma_wait3A_29 = tpu.memref_slice %arg12[%dma_wait3A_27, %dma_wait3A_28] : memref<10240x16xf32, #tpu.memory_space<vmem_shared>> -> memref<10240x16xf32, #tpu.memory_space<vmem_shared>>
        tpu.wait_indirect_dma semaphore(%run_scoped3A : memref<!tpu.dma_semaphore, #tpu.memory_space<semaphore_mem>>) src(%arg10 : memref<125x16xf32, #tpu.memory_space<vmem>>) dst(%dma_wait3A_29 : memref<10240x16xf32, #tpu.memory_space<vmem_shared>>)
        tpu.yield
      }) : () -> ()
    }
    %barrier3A_13 = arith.constant 0 : index
    tpu.barrier barrier_id(%barrier3A_13)
    %mul3A_14 = arith.constant 10240 : i32
    %mul3A_15 = arith.muli %arg0, %mul3A_14 : i32
    %mul3A_16 = arith.constant 640 : i32
    %mul3A_17 = arith.muli %arg1, %mul3A_16 : i32
    %add3A_18 = arith.addi %mul3A_15, %mul3A_17 : i32
    "tpu.region"() ({
      %run_scoped3A = tpu.sem_alloc : memref<!tpu.dma_semaphore, #tpu.memory_space<semaphore_mem>>
      %dma_start3A = arith.constant 0 : i32
      %dma_start3A_19 = tpu.memref_slice %arg6[%add3A_18, %dma_start3A] : memref<20480x16xf32, #tpu.memory_space<hbm>> -> memref<640x16xf32, #tpu.memory_space<hbm>>
      %dma_start3A_20 = arith.constant 0 : i32
      %dma_start3A_21 = tpu.memref_slice %arg11[%mul3A_2, %dma_start3A_20] : memref<10240x16xf32, #tpu.memory_space<vmem_shared>> -> memref<640x16xf32, #tpu.memory_space<vmem_shared>>
      tpu.enqueue_dma source(%dma_start3A_21 : memref<640x16xf32, #tpu.memory_space<vmem_shared>>) target(%dma_start3A_19 : memref<640x16xf32, #tpu.memory_space<hbm>>) target_semaphore(%run_scoped3A : memref<!tpu.dma_semaphore, #tpu.memory_space<semaphore_mem>>)
      %dma_wait3A = arith.constant 0 : i32
      %dma_wait3A_22 = tpu.memref_slice %arg6[%add3A_18, %dma_wait3A] : memref<20480x16xf32, #tpu.memory_space<hbm>> -> memref<640x16xf32, #tpu.memory_space<hbm>>
      %dma_wait3A_23 = arith.constant 0 : i32
      %dma_wait3A_24 = tpu.memref_slice %arg11[%mul3A_2, %dma_wait3A_23] : memref<10240x16xf32, #tpu.memory_space<vmem_shared>> -> memref<640x16xf32, #tpu.memory_space<vmem_shared>>
      tpu.wait_dma2 semaphore(%run_scoped3A : memref<!tpu.dma_semaphore, #tpu.memory_space<semaphore_mem>>) src(%dma_wait3A_24 : memref<640x16xf32, #tpu.memory_space<vmem_shared>>) dst(%dma_wait3A_22 : memref<640x16xf32, #tpu.memory_space<hbm>>)
      tpu.yield
    }) : () -> ()
    "tpu.region"() ({
      %run_scoped3A = tpu.sem_alloc : memref<!tpu.dma_semaphore, #tpu.memory_space<semaphore_mem>>
      %dma_start3A = arith.constant 0 : i32
      %dma_start3A_19 = tpu.memref_slice %arg7[%add3A_18, %dma_start3A] : memref<20480x16xf32, #tpu.memory_space<hbm>> -> memref<640x16xf32, #tpu.memory_space<hbm>>
      %dma_start3A_20 = arith.constant 0 : i32
      %dma_start3A_21 = tpu.memref_slice %arg12[%mul3A_2, %dma_start3A_20] : memref<10240x16xf32, #tpu.memory_space<vmem_shared>> -> memref<640x16xf32, #tpu.memory_space<vmem_shared>>
      tpu.enqueue_dma source(%dma_start3A_21 : memref<640x16xf32, #tpu.memory_space<vmem_shared>>) target(%dma_start3A_19 : memref<640x16xf32, #tpu.memory_space<hbm>>) target_semaphore(%run_scoped3A : memref<!tpu.dma_semaphore, #tpu.memory_space<semaphore_mem>>)
      %dma_wait3A = arith.constant 0 : i32
      %dma_wait3A_22 = tpu.memref_slice %arg7[%add3A_18, %dma_wait3A] : memref<20480x16xf32, #tpu.memory_space<hbm>> -> memref<640x16xf32, #tpu.memory_space<hbm>>
      %dma_wait3A_23 = arith.constant 0 : i32
      %dma_wait3A_24 = tpu.memref_slice %arg12[%mul3A_2, %dma_wait3A_23] : memref<10240x16xf32, #tpu.memory_space<vmem_shared>> -> memref<640x16xf32, #tpu.memory_space<vmem_shared>>
      tpu.wait_dma2 semaphore(%run_scoped3A : memref<!tpu.dma_semaphore, #tpu.memory_space<semaphore_mem>>) src(%dma_wait3A_24 : memref<640x16xf32, #tpu.memory_space<vmem_shared>>) dst(%dma_wait3A_22 : memref<640x16xf32, #tpu.memory_space<hbm>>)
      tpu.yield
    }) : () -> ()
    return
  }
}

#map = affine_map<(d0, d1) -> (0, 0)>
#map1 = affine_map<(d0, d1) -> (0, 0, 0)>
module attributes {stable_mosaic.version = 14 : i64} {
  func.func @_fused_body(%arg0: i32, %arg1: i32, %arg2: memref<10240x48xf32, #tpu.memory_space<hbm>>, %arg3: memref<10240x48xf32, #tpu.memory_space<hbm>>, %arg4: memref<10240x48xf32, #tpu.memory_space<hbm>>, %arg5: memref<32x80x125xi32, #tpu.memory_space<hbm>>, %arg6: memref<32x80x125xi32, #tpu.memory_space<hbm>>, %arg7: memref<10240x48xf32, #tpu.memory_space<hbm>>, %arg8: memref<10240x48xf32, #tpu.memory_space<hbm>>, %arg9: memref<20480x48xf32, #tpu.memory_space<hbm>>, %arg10: memref<80x125xi32, #tpu.memory_space<vmem>>, %arg11: memref<80x125xi32, #tpu.memory_space<vmem>>, %arg12: memref<125x48xf32, #tpu.memory_space<vmem>>, %arg13: memref<125x48xf32, #tpu.memory_space<vmem>>, %arg14: memref<125x48xf32, #tpu.memory_space<vmem>>, %arg15: memref<125x48xf32, #tpu.memory_space<vmem>>, %arg16: memref<160x48xf32, #tpu.memory_space<vmem>>, %arg17: memref<160x48xf32, #tpu.memory_space<vmem>>, %arg18: memref<160x48xf32, #tpu.memory_space<vmem>>, %arg19: memref<160x48xf32, #tpu.memory_space<vmem>>, %arg20: memref<320x48xf32, #tpu.memory_space<vmem>>, %arg21: memref<160x48xf32, #tpu.memory_space<vmem>>, %arg22: memref<10240x48xf32, #tpu.memory_space<vmem_shared>>, %arg23: memref<!tpu.dma_semaphore, #tpu.memory_space<semaphore_mem>>, %arg24: memref<!tpu.dma_semaphore, #tpu.memory_space<semaphore_mem>>, %arg25: memref<!tpu.dma_semaphore, #tpu.memory_space<semaphore_mem>>, %arg26: memref<!tpu.dma_semaphore, #tpu.memory_space<semaphore_mem>>, %arg27: memref<!tpu.semaphore, #tpu.memory_space<semaphore_mem>>) attributes {dimension_semantics = [#tpu.dimension_semantics<core_parallel>, #tpu.dimension_semantics<subcore_parallel>], iteration_bounds = array<i64: 2, 16>, scalar_prefetch = 0 : i64, scratch_operands = 18 : i64, tpu.core_type = #tpu.core_type<sc_vector_subcore>, window_params = [{transform_indices = #map}, {transform_indices = #map}, {transform_indices = #map}, {transform_indices = #map1}, {transform_indices = #map1}, {transform_indices = #map}, {transform_indices = #map}, {transform_indices = #map}]} {
    %mul3A = arith.constant 16 : i32
    %mul3A_0 = arith.muli %arg0, %mul3A : i32
    %add3A = arith.addi %mul3A_0, %arg1 : i32
    %mul3A_1 = arith.constant 640 : i32
    %mul3A_2 = arith.muli %arg1, %mul3A_1 : i32
    %mul3A_3 = arith.constant 5120 : i32
    %mul3A_4 = arith.muli %arg0, %mul3A_3 : i32
    %mul3A_5 = arith.constant 320 : i32
    %mul3A_6 = arith.muli %arg1, %mul3A_5 : i32
    %add3A_7 = arith.addi %mul3A_4, %mul3A_6 : i32
    "tpu.region"() ({
      %run_scoped3A = tpu.sem_alloc : memref<!tpu.dma_semaphore, #tpu.memory_space<semaphore_mem>>
      %dma_start3A = arith.constant 0 : i32
      %dma_start3A_25 = arith.constant 0 : i32
      %dma_start3A_26 = tpu.memref_slice %arg5[%add3A, %dma_start3A, %dma_start3A_25] : memref<32x80x125xi32, #tpu.memory_space<hbm>> -> memref<1x80x125xi32, #tpu.memory_space<hbm>>
      %dma_start3A_27 = tpu.memref_squeeze %dma_start3A_26 : memref<1x80x125xi32, #tpu.memory_space<hbm>> -> memref<80x125xi32, #tpu.memory_space<hbm>>
      %dma_start3A_28 = arith.constant 0 : i32
      %dma_start3A_29 = arith.constant 0 : i32
      %dma_start3A_30 = tpu.memref_slice %arg5[%add3A, %dma_start3A_28, %dma_start3A_29] : memref<32x80x125xi32, #tpu.memory_space<hbm>> -> memref<1x80x125xi32, #tpu.memory_space<hbm>>
      %dma_start3A_31 = tpu.memref_squeeze %dma_start3A_30 : memref<1x80x125xi32, #tpu.memory_space<hbm>> -> memref<80x125xi32, #tpu.memory_space<hbm>>
      tpu.enqueue_dma source(%dma_start3A_31 : memref<80x125xi32, #tpu.memory_space<hbm>>) target(%arg10 : memref<80x125xi32, #tpu.memory_space<vmem>>) target_semaphore(%run_scoped3A : memref<!tpu.dma_semaphore, #tpu.memory_space<semaphore_mem>>)
      %dma_wait3A = arith.constant 0 : i32
      %dma_wait3A_32 = arith.constant 0 : i32
      %dma_wait3A_33 = tpu.memref_slice %arg5[%add3A, %dma_wait3A, %dma_wait3A_32] : memref<32x80x125xi32, #tpu.memory_space<hbm>> -> memref<1x80x125xi32, #tpu.memory_space<hbm>>
      %dma_wait3A_34 = tpu.memref_squeeze %dma_wait3A_33 : memref<1x80x125xi32, #tpu.memory_space<hbm>> -> memref<80x125xi32, #tpu.memory_space<hbm>>
      %dma_wait3A_35 = arith.constant 0 : i32
      %dma_wait3A_36 = arith.constant 0 : i32
      %dma_wait3A_37 = tpu.memref_slice %arg5[%add3A, %dma_wait3A_35, %dma_wait3A_36] : memref<32x80x125xi32, #tpu.memory_space<hbm>> -> memref<1x80x125xi32, #tpu.memory_space<hbm>>
      %dma_wait3A_38 = tpu.memref_squeeze %dma_wait3A_37 : memref<1x80x125xi32, #tpu.memory_space<hbm>> -> memref<80x125xi32, #tpu.memory_space<hbm>>
      tpu.wait_dma2 semaphore(%run_scoped3A : memref<!tpu.dma_semaphore, #tpu.memory_space<semaphore_mem>>) src(%dma_wait3A_38 : memref<80x125xi32, #tpu.memory_space<hbm>>) dst(%arg10 : memref<80x125xi32, #tpu.memory_space<vmem>>)
      tpu.yield
    }) : () -> ()
    "tpu.region"() ({
      %run_scoped3A = tpu.sem_alloc : memref<!tpu.dma_semaphore, #tpu.memory_space<semaphore_mem>>
      %dma_start3A = arith.constant 0 : i32
      %dma_start3A_25 = arith.constant 0 : i32
      %dma_start3A_26 = tpu.memref_slice %arg6[%add3A, %dma_start3A, %dma_start3A_25] : memref<32x80x125xi32, #tpu.memory_space<hbm>> -> memref<1x80x125xi32, #tpu.memory_space<hbm>>
      %dma_start3A_27 = tpu.memref_squeeze %dma_start3A_26 : memref<1x80x125xi32, #tpu.memory_space<hbm>> -> memref<80x125xi32, #tpu.memory_space<hbm>>
      %dma_start3A_28 = arith.constant 0 : i32
      %dma_start3A_29 = arith.constant 0 : i32
      %dma_start3A_30 = tpu.memref_slice %arg6[%add3A, %dma_start3A_28, %dma_start3A_29] : memref<32x80x125xi32, #tpu.memory_space<hbm>> -> memref<1x80x125xi32, #tpu.memory_space<hbm>>
      %dma_start3A_31 = tpu.memref_squeeze %dma_start3A_30 : memref<1x80x125xi32, #tpu.memory_space<hbm>> -> memref<80x125xi32, #tpu.memory_space<hbm>>
      tpu.enqueue_dma source(%dma_start3A_31 : memref<80x125xi32, #tpu.memory_space<hbm>>) target(%arg11 : memref<80x125xi32, #tpu.memory_space<vmem>>) target_semaphore(%run_scoped3A : memref<!tpu.dma_semaphore, #tpu.memory_space<semaphore_mem>>)
      %dma_wait3A = arith.constant 0 : i32
      %dma_wait3A_32 = arith.constant 0 : i32
      %dma_wait3A_33 = tpu.memref_slice %arg6[%add3A, %dma_wait3A, %dma_wait3A_32] : memref<32x80x125xi32, #tpu.memory_space<hbm>> -> memref<1x80x125xi32, #tpu.memory_space<hbm>>
      %dma_wait3A_34 = tpu.memref_squeeze %dma_wait3A_33 : memref<1x80x125xi32, #tpu.memory_space<hbm>> -> memref<80x125xi32, #tpu.memory_space<hbm>>
      %dma_wait3A_35 = arith.constant 0 : i32
      %dma_wait3A_36 = arith.constant 0 : i32
      %dma_wait3A_37 = tpu.memref_slice %arg6[%add3A, %dma_wait3A_35, %dma_wait3A_36] : memref<32x80x125xi32, #tpu.memory_space<hbm>> -> memref<1x80x125xi32, #tpu.memory_space<hbm>>
      %dma_wait3A_38 = tpu.memref_squeeze %dma_wait3A_37 : memref<1x80x125xi32, #tpu.memory_space<hbm>> -> memref<80x125xi32, #tpu.memory_space<hbm>>
      tpu.wait_dma2 semaphore(%run_scoped3A : memref<!tpu.dma_semaphore, #tpu.memory_space<semaphore_mem>>) src(%dma_wait3A_38 : memref<80x125xi32, #tpu.memory_space<hbm>>) dst(%arg11 : memref<80x125xi32, #tpu.memory_space<vmem>>)
      tpu.yield
    }) : () -> ()
    "tpu.region"() ({
      %run_scoped3A = tpu.sem_alloc : memref<!tpu.dma_semaphore, #tpu.memory_space<semaphore_mem>>
      %dma_start3A = arith.constant 0 : i32
      %dma_start3A_25 = tpu.memref_slice %arg22[%mul3A_2, %dma_start3A] : memref<10240x48xf32, #tpu.memory_space<vmem_shared>> -> memref<640x48xf32, #tpu.memory_space<vmem_shared>>
      %dma_start3A_26 = arith.constant 0 : i32
      %dma_start3A_27 = tpu.memref_slice %arg7[%mul3A_2, %dma_start3A_26] : memref<10240x48xf32, #tpu.memory_space<hbm>> -> memref<640x48xf32, #tpu.memory_space<hbm>>
      tpu.enqueue_dma source(%dma_start3A_27 : memref<640x48xf32, #tpu.memory_space<hbm>>) target(%dma_start3A_25 : memref<640x48xf32, #tpu.memory_space<vmem_shared>>) target_semaphore(%run_scoped3A : memref<!tpu.dma_semaphore, #tpu.memory_space<semaphore_mem>>)
      %dma_wait3A = arith.constant 0 : i32
      %dma_wait3A_28 = tpu.memref_slice %arg22[%mul3A_2, %dma_wait3A] : memref<10240x48xf32, #tpu.memory_space<vmem_shared>> -> memref<640x48xf32, #tpu.memory_space<vmem_shared>>
      %dma_wait3A_29 = arith.constant 0 : i32
      %dma_wait3A_30 = tpu.memref_slice %arg7[%mul3A_2, %dma_wait3A_29] : memref<10240x48xf32, #tpu.memory_space<hbm>> -> memref<640x48xf32, #tpu.memory_space<hbm>>
      tpu.wait_dma2 semaphore(%run_scoped3A : memref<!tpu.dma_semaphore, #tpu.memory_space<semaphore_mem>>) src(%dma_wait3A_30 : memref<640x48xf32, #tpu.memory_space<hbm>>) dst(%dma_wait3A_28 : memref<640x48xf32, #tpu.memory_space<vmem_shared>>)
      tpu.yield
    }) : () -> ()
    %add3A_8 = arith.constant 0 : i32
    %add3A_9 = arith.addi %add3A_7, %add3A_8 : i32
    "tpu.region"() ({
      %run_scoped3A = tpu.sem_alloc : memref<!tpu.dma_semaphore, #tpu.memory_space<semaphore_mem>>
      %dma_start3A = arith.constant 0 : i32
      %dma_start3A_25 = tpu.memref_slice %arg2[%add3A_9, %dma_start3A] : memref<10240x48xf32, #tpu.memory_space<hbm>> -> memref<160x48xf32, #tpu.memory_space<hbm>>
      %dma_start3A_26 = arith.constant 0 : i32
      %dma_start3A_27 = tpu.memref_slice %arg2[%add3A_9, %dma_start3A_26] : memref<10240x48xf32, #tpu.memory_space<hbm>> -> memref<160x48xf32, #tpu.memory_space<hbm>>
      tpu.enqueue_dma source(%dma_start3A_27 : memref<160x48xf32, #tpu.memory_space<hbm>>) target(%arg16 : memref<160x48xf32, #tpu.memory_space<vmem>>) target_semaphore(%run_scoped3A : memref<!tpu.dma_semaphore, #tpu.memory_space<semaphore_mem>>)
      %dma_wait3A = arith.constant 0 : i32
      %dma_wait3A_28 = tpu.memref_slice %arg2[%add3A_9, %dma_wait3A] : memref<10240x48xf32, #tpu.memory_space<hbm>> -> memref<160x48xf32, #tpu.memory_space<hbm>>
      %dma_wait3A_29 = arith.constant 0 : i32
      %dma_wait3A_30 = tpu.memref_slice %arg2[%add3A_9, %dma_wait3A_29] : memref<10240x48xf32, #tpu.memory_space<hbm>> -> memref<160x48xf32, #tpu.memory_space<hbm>>
      tpu.wait_dma2 semaphore(%run_scoped3A : memref<!tpu.dma_semaphore, #tpu.memory_space<semaphore_mem>>) src(%dma_wait3A_30 : memref<160x48xf32, #tpu.memory_space<hbm>>) dst(%arg16 : memref<160x48xf32, #tpu.memory_space<vmem>>)
      tpu.yield
    }) : () -> ()
    "tpu.region"() ({
      %run_scoped3A = tpu.sem_alloc : memref<!tpu.dma_semaphore, #tpu.memory_space<semaphore_mem>>
      %dma_start3A = arith.constant 0 : i32
      %dma_start3A_25 = tpu.memref_slice %arg8[%add3A_9, %dma_start3A] : memref<10240x48xf32, #tpu.memory_space<hbm>> -> memref<160x48xf32, #tpu.memory_space<hbm>>
      %dma_start3A_26 = arith.constant 0 : i32
      %dma_start3A_27 = tpu.memref_slice %arg8[%add3A_9, %dma_start3A_26] : memref<10240x48xf32, #tpu.memory_space<hbm>> -> memref<160x48xf32, #tpu.memory_space<hbm>>
      tpu.enqueue_dma source(%arg16 : memref<160x48xf32, #tpu.memory_space<vmem>>) target(%dma_start3A_27 : memref<160x48xf32, #tpu.memory_space<hbm>>) target_semaphore(%run_scoped3A : memref<!tpu.dma_semaphore, #tpu.memory_space<semaphore_mem>>)
      %dma_wait3A = arith.constant 0 : i32
      %dma_wait3A_28 = tpu.memref_slice %arg8[%add3A_9, %dma_wait3A] : memref<10240x48xf32, #tpu.memory_space<hbm>> -> memref<160x48xf32, #tpu.memory_space<hbm>>
      %dma_wait3A_29 = arith.constant 0 : i32
      %dma_wait3A_30 = tpu.memref_slice %arg8[%add3A_9, %dma_wait3A_29] : memref<10240x48xf32, #tpu.memory_space<hbm>> -> memref<160x48xf32, #tpu.memory_space<hbm>>
      tpu.wait_dma2 semaphore(%run_scoped3A : memref<!tpu.dma_semaphore, #tpu.memory_space<semaphore_mem>>) src(%arg16 : memref<160x48xf32, #tpu.memory_space<vmem>>) dst(%dma_wait3A_30 : memref<160x48xf32, #tpu.memory_space<hbm>>)
      tpu.yield
    }) : () -> ()
    %add3A_10 = arith.constant 160 : i32
    %add3A_11 = arith.addi %add3A_7, %add3A_10 : i32
    "tpu.region"() ({
      %run_scoped3A = tpu.sem_alloc : memref<!tpu.dma_semaphore, #tpu.memory_space<semaphore_mem>>
      %dma_start3A = arith.constant 0 : i32
      %dma_start3A_25 = tpu.memref_slice %arg2[%add3A_11, %dma_start3A] : memref<10240x48xf32, #tpu.memory_space<hbm>> -> memref<160x48xf32, #tpu.memory_space<hbm>>
      %dma_start3A_26 = arith.constant 0 : i32
      %dma_start3A_27 = tpu.memref_slice %arg2[%add3A_11, %dma_start3A_26] : memref<10240x48xf32, #tpu.memory_space<hbm>> -> memref<160x48xf32, #tpu.memory_space<hbm>>
      tpu.enqueue_dma source(%dma_start3A_27 : memref<160x48xf32, #tpu.memory_space<hbm>>) target(%arg16 : memref<160x48xf32, #tpu.memory_space<vmem>>) target_semaphore(%run_scoped3A : memref<!tpu.dma_semaphore, #tpu.memory_space<semaphore_mem>>)
      %dma_wait3A = arith.constant 0 : i32
      %dma_wait3A_28 = tpu.memref_slice %arg2[%add3A_11, %dma_wait3A] : memref<10240x48xf32, #tpu.memory_space<hbm>> -> memref<160x48xf32, #tpu.memory_space<hbm>>
      %dma_wait3A_29 = arith.constant 0 : i32
      %dma_wait3A_30 = tpu.memref_slice %arg2[%add3A_11, %dma_wait3A_29] : memref<10240x48xf32, #tpu.memory_space<hbm>> -> memref<160x48xf32, #tpu.memory_space<hbm>>
      tpu.wait_dma2 semaphore(%run_scoped3A : memref<!tpu.dma_semaphore, #tpu.memory_space<semaphore_mem>>) src(%dma_wait3A_30 : memref<160x48xf32, #tpu.memory_space<hbm>>) dst(%arg16 : memref<160x48xf32, #tpu.memory_space<vmem>>)
      tpu.yield
    }) : () -> ()
    "tpu.region"() ({
      %run_scoped3A = tpu.sem_alloc : memref<!tpu.dma_semaphore, #tpu.memory_space<semaphore_mem>>
      %dma_start3A = arith.constant 0 : i32
      %dma_start3A_25 = tpu.memref_slice %arg8[%add3A_11, %dma_start3A] : memref<10240x48xf32, #tpu.memory_space<hbm>> -> memref<160x48xf32, #tpu.memory_space<hbm>>
      %dma_start3A_26 = arith.constant 0 : i32
      %dma_start3A_27 = tpu.memref_slice %arg8[%add3A_11, %dma_start3A_26] : memref<10240x48xf32, #tpu.memory_space<hbm>> -> memref<160x48xf32, #tpu.memory_space<hbm>>
      tpu.enqueue_dma source(%arg16 : memref<160x48xf32, #tpu.memory_space<vmem>>) target(%dma_start3A_27 : memref<160x48xf32, #tpu.memory_space<hbm>>) target_semaphore(%run_scoped3A : memref<!tpu.dma_semaphore, #tpu.memory_space<semaphore_mem>>)
      %dma_wait3A = arith.constant 0 : i32
      %dma_wait3A_28 = tpu.memref_slice %arg8[%add3A_11, %dma_wait3A] : memref<10240x48xf32, #tpu.memory_space<hbm>> -> memref<160x48xf32, #tpu.memory_space<hbm>>
      %dma_wait3A_29 = arith.constant 0 : i32
      %dma_wait3A_30 = tpu.memref_slice %arg8[%add3A_11, %dma_wait3A_29] : memref<10240x48xf32, #tpu.memory_space<hbm>> -> memref<160x48xf32, #tpu.memory_space<hbm>>
      tpu.wait_dma2 semaphore(%run_scoped3A : memref<!tpu.dma_semaphore, #tpu.memory_space<semaphore_mem>>) src(%arg16 : memref<160x48xf32, #tpu.memory_space<vmem>>) dst(%dma_wait3A_30 : memref<160x48xf32, #tpu.memory_space<hbm>>)
      tpu.yield
    }) : () -> ()
    "tpu.region"() ({
      %run_scoped3A = tpu.sem_alloc : memref<!tpu.dma_semaphore, #tpu.memory_space<semaphore_mem>>
      %dma_start3A = arith.constant 0 : i32
      %dma_start3A_25 = tpu.memref_slice %arg3[%add3A_7, %dma_start3A] : memref<10240x48xf32, #tpu.memory_space<hbm>> -> memref<320x48xf32, #tpu.memory_space<hbm>>
      %dma_start3A_26 = arith.constant 0 : i32
      %dma_start3A_27 = tpu.memref_slice %arg3[%add3A_7, %dma_start3A_26] : memref<10240x48xf32, #tpu.memory_space<hbm>> -> memref<320x48xf32, #tpu.memory_space<hbm>>
      tpu.enqueue_dma source(%dma_start3A_27 : memref<320x48xf32, #tpu.memory_space<hbm>>) target(%arg20 : memref<320x48xf32, #tpu.memory_space<vmem>>) target_semaphore(%run_scoped3A : memref<!tpu.dma_semaphore, #tpu.memory_space<semaphore_mem>>)
      %dma_wait3A = arith.constant 0 : i32
      %dma_wait3A_28 = tpu.memref_slice %arg3[%add3A_7, %dma_wait3A] : memref<10240x48xf32, #tpu.memory_space<hbm>> -> memref<320x48xf32, #tpu.memory_space<hbm>>
      %dma_wait3A_29 = arith.constant 0 : i32
      %dma_wait3A_30 = tpu.memref_slice %arg3[%add3A_7, %dma_wait3A_29] : memref<10240x48xf32, #tpu.memory_space<hbm>> -> memref<320x48xf32, #tpu.memory_space<hbm>>
      tpu.wait_dma2 semaphore(%run_scoped3A : memref<!tpu.dma_semaphore, #tpu.memory_space<semaphore_mem>>) src(%dma_wait3A_30 : memref<320x48xf32, #tpu.memory_space<hbm>>) dst(%arg20 : memref<320x48xf32, #tpu.memory_space<vmem>>)
      tpu.yield
    }) : () -> ()
    %barrier3A = arith.constant 0 : index
    tpu.barrier barrier_id(%barrier3A)
    %eq3A = arith.constant 0 : i32
    %eq3A_12 = arith.cmpi eq, %arg1, %eq3A : i32
    %convert_element_type3A = arith.extui %eq3A_12 : i1 to i32
    %cond3A = arith.constant 0 : i32
    %cond3A_13 = arith.cmpi ne, %convert_element_type3A, %cond3A : i32
    scf.if %cond3A_13 {
      %sub3A = arith.constant 1 : i32
      %sub3A_25 = arith.subi %sub3A, %arg0 : i32
      %semaphore_signal3A = arith.constant 1 : i32
      tpu.sem_signal %arg27, %semaphore_signal3A core_id %sub3A_25 : memref<!tpu.semaphore, #tpu.memory_space<semaphore_mem>>
      %semaphore_wait3A = arith.constant 1 : i32
      %semaphore_wait3A_26 = arith.constant true
      tpu.sem_wait %arg27, %semaphore_wait3A : memref<!tpu.semaphore, #tpu.memory_space<semaphore_mem>>
    } else {
    }
    %barrier3A_14 = arith.constant 0 : index
    tpu.barrier barrier_id(%barrier3A_14)
    %while3A = arith.constant 0 : i32
    %while3A_15 = arith.constant 0 : i32
    %while3A_16 = arith.constant 10 : i32
    %while3A_17 = arith.subi %while3A_16, %while3A_15 : i32
    %while3A_18 = arith.addi %while3A_15, %while3A_17 : i32
    %while3A_19 = arith.constant 1 : i32
    %while3A_20 = arith.divsi %while3A_17, %while3A_19 : i32
    %while3A_21 = arith.muli %while3A_20, %while3A_19 : i32
    %while3A_22 = arith.addi %while3A_15, %while3A_21 : i32
    %while3A_23 = arith.constant 1 : i32
    scf.for %while3A_25 = %while3A_15 to %while3A_22 step %while3A_23  : i32 {
      %dma_start3A = arith.constant 0 : i32
      %dma_start3A_26 = arith.constant 0 : i32
      %dma_start3A_27 = tpu.memref_slice %arg10[%dma_start3A, %dma_start3A_26] : memref<80x125xi32, #tpu.memory_space<vmem>> -> memref<1x125xi32, #tpu.memory_space<vmem>>
      %dma_start3A_28 = tpu.memref_squeeze %dma_start3A_27 : memref<1x125xi32, #tpu.memory_space<vmem>> -> memref<125xi32, #tpu.memory_space<vmem>>
      %dma_start3A_29 = arith.constant 0 : i32
      %dma_start3A_30 = arith.constant 0 : i32
      %dma_start3A_31 = tpu.memref_slice %arg8[%dma_start3A_29, %dma_start3A_30] : memref<10240x48xf32, #tpu.memory_space<hbm>> -> memref<10240x48xf32, #tpu.memory_space<hbm>>
      tpu.enqueue_indirect_dma source(%dma_start3A_31 : memref<10240x48xf32, #tpu.memory_space<hbm>>) target(%arg12 : memref<125x48xf32, #tpu.memory_space<vmem>>) offsets(%dma_start3A_28 : memref<125xi32, #tpu.memory_space<vmem>>) semaphore(%arg23 : memref<!tpu.dma_semaphore, #tpu.memory_space<semaphore_mem>>)
      %dma_start3A_32 = arith.constant 1 : i32
      %dma_start3A_33 = arith.constant 0 : i32
      %dma_start3A_34 = tpu.memref_slice %arg10[%dma_start3A_32, %dma_start3A_33] : memref<80x125xi32, #tpu.memory_space<vmem>> -> memref<1x125xi32, #tpu.memory_space<vmem>>
      %dma_start3A_35 = tpu.memref_squeeze %dma_start3A_34 : memref<1x125xi32, #tpu.memory_space<vmem>> -> memref<125xi32, #tpu.memory_space<vmem>>
      %dma_start3A_36 = arith.constant 0 : i32
      %dma_start3A_37 = arith.constant 0 : i32
      %dma_start3A_38 = tpu.memref_slice %arg8[%dma_start3A_36, %dma_start3A_37] : memref<10240x48xf32, #tpu.memory_space<hbm>> -> memref<10240x48xf32, #tpu.memory_space<hbm>>
      tpu.enqueue_indirect_dma source(%dma_start3A_38 : memref<10240x48xf32, #tpu.memory_space<hbm>>) target(%arg13 : memref<125x48xf32, #tpu.memory_space<vmem>>) offsets(%dma_start3A_35 : memref<125xi32, #tpu.memory_space<vmem>>) semaphore(%arg24 : memref<!tpu.dma_semaphore, #tpu.memory_space<semaphore_mem>>)
      %dma_start3A_39 = arith.constant 2 : i32
      %dma_start3A_40 = arith.constant 0 : i32
      %dma_start3A_41 = tpu.memref_slice %arg10[%dma_start3A_39, %dma_start3A_40] : memref<80x125xi32, #tpu.memory_space<vmem>> -> memref<1x125xi32, #tpu.memory_space<vmem>>
      %dma_start3A_42 = tpu.memref_squeeze %dma_start3A_41 : memref<1x125xi32, #tpu.memory_space<vmem>> -> memref<125xi32, #tpu.memory_space<vmem>>
      %dma_start3A_43 = arith.constant 0 : i32
      %dma_start3A_44 = arith.constant 0 : i32
      %dma_start3A_45 = tpu.memref_slice %arg8[%dma_start3A_43, %dma_start3A_44] : memref<10240x48xf32, #tpu.memory_space<hbm>> -> memref<10240x48xf32, #tpu.memory_space<hbm>>
      tpu.enqueue_indirect_dma source(%dma_start3A_45 : memref<10240x48xf32, #tpu.memory_space<hbm>>) target(%arg14 : memref<125x48xf32, #tpu.memory_space<vmem>>) offsets(%dma_start3A_42 : memref<125xi32, #tpu.memory_space<vmem>>) semaphore(%arg25 : memref<!tpu.dma_semaphore, #tpu.memory_space<semaphore_mem>>)
      %while3A_46 = arith.constant 0 : i32
      %while3A_47 = arith.constant 0 : i32
      %while3A_48 = arith.constant 20 : i32
      %while3A_49 = arith.subi %while3A_48, %while3A_47 : i32
      %while3A_50 = arith.addi %while3A_47, %while3A_49 : i32
      %while3A_51 = arith.constant 1 : i32
      %while3A_52 = arith.divsi %while3A_49, %while3A_51 : i32
      %while3A_53 = arith.muli %while3A_52, %while3A_51 : i32
      %while3A_54 = arith.addi %while3A_47, %while3A_53 : i32
      %while3A_55 = arith.constant 1 : i32
      scf.for %while3A_76 = %while3A_47 to %while3A_54 step %while3A_55  : i32 {
        %mul3A_77 = arith.constant 4 : i32
        %mul3A_78 = arith.muli %while3A_76, %mul3A_77 : i32
        %add3A_79 = arith.constant 0 : i32
        %add3A_80 = arith.addi %mul3A_78, %add3A_79 : i32
        %dma_wait3A = arith.constant 0 : i32
        %dma_wait3A_81 = tpu.memref_slice %arg10[%add3A_80, %dma_wait3A] : memref<80x125xi32, #tpu.memory_space<vmem>> -> memref<1x125xi32, #tpu.memory_space<vmem>>
        %dma_wait3A_82 = tpu.memref_squeeze %dma_wait3A_81 : memref<1x125xi32, #tpu.memory_space<vmem>> -> memref<125xi32, #tpu.memory_space<vmem>>
        %dma_wait3A_83 = arith.constant 0 : i32
        %dma_wait3A_84 = arith.constant 0 : i32
        %dma_wait3A_85 = tpu.memref_slice %arg8[%dma_wait3A_83, %dma_wait3A_84] : memref<10240x48xf32, #tpu.memory_space<hbm>> -> memref<10240x48xf32, #tpu.memory_space<hbm>>
        tpu.wait_indirect_dma semaphore(%arg23 : memref<!tpu.dma_semaphore, #tpu.memory_space<semaphore_mem>>) src(%dma_wait3A_85 : memref<10240x48xf32, #tpu.memory_space<hbm>>) dst(%arg12 : memref<125x48xf32, #tpu.memory_space<vmem>>)
        %add3A_86 = arith.constant 4 : i32
        %add3A_87 = arith.addi %add3A_80, %add3A_86 : i32
        %sub3A_88 = arith.constant 1 : i32
        %sub3A_89 = arith.subi %add3A_87, %sub3A_88 : i32
        %lt3A_90 = arith.constant 80 : i32
        %lt3A_91 = arith.cmpi slt, %sub3A_89, %lt3A_90 : i32
        %convert_element_type3A_92 = arith.extui %lt3A_91 : i1 to i32
        %cond3A_93 = arith.constant 0 : i32
        %cond3A_94 = arith.cmpi ne, %convert_element_type3A_92, %cond3A_93 : i32
        scf.if %cond3A_94 {
          %add3A_152 = arith.constant 4 : i32
          %add3A_153 = arith.addi %add3A_80, %add3A_152 : i32
          %sub3A_154 = arith.constant 1 : i32
          %sub3A_155 = arith.subi %add3A_153, %sub3A_154 : i32
          %dma_start3A_156 = arith.constant 0 : i32
          %dma_start3A_157 = tpu.memref_slice %arg10[%sub3A_155, %dma_start3A_156] : memref<80x125xi32, #tpu.memory_space<vmem>> -> memref<1x125xi32, #tpu.memory_space<vmem>>
          %dma_start3A_158 = tpu.memref_squeeze %dma_start3A_157 : memref<1x125xi32, #tpu.memory_space<vmem>> -> memref<125xi32, #tpu.memory_space<vmem>>
          %dma_start3A_159 = arith.constant 0 : i32
          %dma_start3A_160 = arith.constant 0 : i32
          %dma_start3A_161 = tpu.memref_slice %arg8[%dma_start3A_159, %dma_start3A_160] : memref<10240x48xf32, #tpu.memory_space<hbm>> -> memref<10240x48xf32, #tpu.memory_space<hbm>>
          tpu.enqueue_indirect_dma source(%dma_start3A_161 : memref<10240x48xf32, #tpu.memory_space<hbm>>) target(%arg15 : memref<125x48xf32, #tpu.memory_space<vmem>>) offsets(%dma_start3A_158 : memref<125xi32, #tpu.memory_space<vmem>>) semaphore(%arg26 : memref<!tpu.dma_semaphore, #tpu.memory_space<semaphore_mem>>)
        } else {
        }
        "tpu.region"() ({
          %run_scoped3A = tpu.sem_alloc : memref<!tpu.dma_semaphore, #tpu.memory_space<semaphore_mem>>
          %dma_start3A_152 = arith.constant 0 : i32
          %dma_start3A_153 = tpu.memref_slice %arg11[%add3A_80, %dma_start3A_152] : memref<80x125xi32, #tpu.memory_space<vmem>> -> memref<1x125xi32, #tpu.memory_space<vmem>>
          %dma_start3A_154 = tpu.memref_squeeze %dma_start3A_153 : memref<1x125xi32, #tpu.memory_space<vmem>> -> memref<125xi32, #tpu.memory_space<vmem>>
          %dma_start3A_155 = arith.constant 0 : i32
          %dma_start3A_156 = arith.constant 0 : i32
          %dma_start3A_157 = tpu.memref_slice %arg22[%dma_start3A_155, %dma_start3A_156] : memref<10240x48xf32, #tpu.memory_space<vmem_shared>> -> memref<10240x48xf32, #tpu.memory_space<vmem_shared>>
          tpu.enqueue_indirect_dma source(%arg12 : memref<125x48xf32, #tpu.memory_space<vmem>>) target(%dma_start3A_157 : memref<10240x48xf32, #tpu.memory_space<vmem_shared>>) offsets(%dma_start3A_154 : memref<125xi32, #tpu.memory_space<vmem>>) semaphore(%run_scoped3A : memref<!tpu.dma_semaphore, #tpu.memory_space<semaphore_mem>>) {add = true}
          %dma_wait3A_158 = arith.constant 0 : i32
          %dma_wait3A_159 = tpu.memref_slice %arg11[%add3A_80, %dma_wait3A_158] : memref<80x125xi32, #tpu.memory_space<vmem>> -> memref<1x125xi32, #tpu.memory_space<vmem>>
          %dma_wait3A_160 = tpu.memref_squeeze %dma_wait3A_159 : memref<1x125xi32, #tpu.memory_space<vmem>> -> memref<125xi32, #tpu.memory_space<vmem>>
          %dma_wait3A_161 = arith.constant 0 : i32
          %dma_wait3A_162 = arith.constant 0 : i32
          %dma_wait3A_163 = tpu.memref_slice %arg22[%dma_wait3A_161, %dma_wait3A_162] : memref<10240x48xf32, #tpu.memory_space<vmem_shared>> -> memref<10240x48xf32, #tpu.memory_space<vmem_shared>>
          tpu.wait_indirect_dma semaphore(%run_scoped3A : memref<!tpu.dma_semaphore, #tpu.memory_space<semaphore_mem>>) src(%arg12 : memref<125x48xf32, #tpu.memory_space<vmem>>) dst(%dma_wait3A_163 : memref<10240x48xf32, #tpu.memory_space<vmem_shared>>)
          tpu.yield
        }) : () -> ()
        %mul3A_95 = arith.constant 4 : i32
        %mul3A_96 = arith.muli %while3A_76, %mul3A_95 : i32
        %add3A_97 = arith.constant 1 : i32
        %add3A_98 = arith.addi %mul3A_96, %add3A_97 : i32
        %dma_wait3A_99 = arith.constant 0 : i32
        %dma_wait3A_100 = tpu.memref_slice %arg10[%add3A_98, %dma_wait3A_99] : memref<80x125xi32, #tpu.memory_space<vmem>> -> memref<1x125xi32, #tpu.memory_space<vmem>>
        %dma_wait3A_101 = tpu.memref_squeeze %dma_wait3A_100 : memref<1x125xi32, #tpu.memory_space<vmem>> -> memref<125xi32, #tpu.memory_space<vmem>>
        %dma_wait3A_102 = arith.constant 0 : i32
        %dma_wait3A_103 = arith.constant 0 : i32
        %dma_wait3A_104 = tpu.memref_slice %arg8[%dma_wait3A_102, %dma_wait3A_103] : memref<10240x48xf32, #tpu.memory_space<hbm>> -> memref<10240x48xf32, #tpu.memory_space<hbm>>
        tpu.wait_indirect_dma semaphore(%arg24 : memref<!tpu.dma_semaphore, #tpu.memory_space<semaphore_mem>>) src(%dma_wait3A_104 : memref<10240x48xf32, #tpu.memory_space<hbm>>) dst(%arg13 : memref<125x48xf32, #tpu.memory_space<vmem>>)
        %add3A_105 = arith.constant 4 : i32
        %add3A_106 = arith.addi %add3A_98, %add3A_105 : i32
        %sub3A_107 = arith.constant 1 : i32
        %sub3A_108 = arith.subi %add3A_106, %sub3A_107 : i32
        %lt3A_109 = arith.constant 80 : i32
        %lt3A_110 = arith.cmpi slt, %sub3A_108, %lt3A_109 : i32
        %convert_element_type3A_111 = arith.extui %lt3A_110 : i1 to i32
        %cond3A_112 = arith.constant 0 : i32
        %cond3A_113 = arith.cmpi ne, %convert_element_type3A_111, %cond3A_112 : i32
        scf.if %cond3A_113 {
          %add3A_152 = arith.constant 4 : i32
          %add3A_153 = arith.addi %add3A_98, %add3A_152 : i32
          %sub3A_154 = arith.constant 1 : i32
          %sub3A_155 = arith.subi %add3A_153, %sub3A_154 : i32
          %dma_start3A_156 = arith.constant 0 : i32
          %dma_start3A_157 = tpu.memref_slice %arg10[%sub3A_155, %dma_start3A_156] : memref<80x125xi32, #tpu.memory_space<vmem>> -> memref<1x125xi32, #tpu.memory_space<vmem>>
          %dma_start3A_158 = tpu.memref_squeeze %dma_start3A_157 : memref<1x125xi32, #tpu.memory_space<vmem>> -> memref<125xi32, #tpu.memory_space<vmem>>
          %dma_start3A_159 = arith.constant 0 : i32
          %dma_start3A_160 = arith.constant 0 : i32
          %dma_start3A_161 = tpu.memref_slice %arg8[%dma_start3A_159, %dma_start3A_160] : memref<10240x48xf32, #tpu.memory_space<hbm>> -> memref<10240x48xf32, #tpu.memory_space<hbm>>
          tpu.enqueue_indirect_dma source(%dma_start3A_161 : memref<10240x48xf32, #tpu.memory_space<hbm>>) target(%arg12 : memref<125x48xf32, #tpu.memory_space<vmem>>) offsets(%dma_start3A_158 : memref<125xi32, #tpu.memory_space<vmem>>) semaphore(%arg23 : memref<!tpu.dma_semaphore, #tpu.memory_space<semaphore_mem>>)
        } else {
        }
        "tpu.region"() ({
          %run_scoped3A = tpu.sem_alloc : memref<!tpu.dma_semaphore, #tpu.memory_space<semaphore_mem>>
          %dma_start3A_152 = arith.constant 0 : i32
          %dma_start3A_153 = tpu.memref_slice %arg11[%add3A_98, %dma_start3A_152] : memref<80x125xi32, #tpu.memory_space<vmem>> -> memref<1x125xi32, #tpu.memory_space<vmem>>
          %dma_start3A_154 = tpu.memref_squeeze %dma_start3A_153 : memref<1x125xi32, #tpu.memory_space<vmem>> -> memref<125xi32, #tpu.memory_space<vmem>>
          %dma_start3A_155 = arith.constant 0 : i32
          %dma_start3A_156 = arith.constant 0 : i32
          %dma_start3A_157 = tpu.memref_slice %arg22[%dma_start3A_155, %dma_start3A_156] : memref<10240x48xf32, #tpu.memory_space<vmem_shared>> -> memref<10240x48xf32, #tpu.memory_space<vmem_shared>>
          tpu.enqueue_indirect_dma source(%arg13 : memref<125x48xf32, #tpu.memory_space<vmem>>) target(%dma_start3A_157 : memref<10240x48xf32, #tpu.memory_space<vmem_shared>>) offsets(%dma_start3A_154 : memref<125xi32, #tpu.memory_space<vmem>>) semaphore(%run_scoped3A : memref<!tpu.dma_semaphore, #tpu.memory_space<semaphore_mem>>) {add = true}
          %dma_wait3A_158 = arith.constant 0 : i32
          %dma_wait3A_159 = tpu.memref_slice %arg11[%add3A_98, %dma_wait3A_158] : memref<80x125xi32, #tpu.memory_space<vmem>> -> memref<1x125xi32, #tpu.memory_space<vmem>>
          %dma_wait3A_160 = tpu.memref_squeeze %dma_wait3A_159 : memref<1x125xi32, #tpu.memory_space<vmem>> -> memref<125xi32, #tpu.memory_space<vmem>>
          %dma_wait3A_161 = arith.constant 0 : i32
          %dma_wait3A_162 = arith.constant 0 : i32
          %dma_wait3A_163 = tpu.memref_slice %arg22[%dma_wait3A_161, %dma_wait3A_162] : memref<10240x48xf32, #tpu.memory_space<vmem_shared>> -> memref<10240x48xf32, #tpu.memory_space<vmem_shared>>
          tpu.wait_indirect_dma semaphore(%run_scoped3A : memref<!tpu.dma_semaphore, #tpu.memory_space<semaphore_mem>>) src(%arg13 : memref<125x48xf32, #tpu.memory_space<vmem>>) dst(%dma_wait3A_163 : memref<10240x48xf32, #tpu.memory_space<vmem_shared>>)
          tpu.yield
        }) : () -> ()
        %mul3A_114 = arith.constant 4 : i32
        %mul3A_115 = arith.muli %while3A_76, %mul3A_114 : i32
        %add3A_116 = arith.constant 2 : i32
        %add3A_117 = arith.addi %mul3A_115, %add3A_116 : i32
        %dma_wait3A_118 = arith.constant 0 : i32
        %dma_wait3A_119 = tpu.memref_slice %arg10[%add3A_117, %dma_wait3A_118] : memref<80x125xi32, #tpu.memory_space<vmem>> -> memref<1x125xi32, #tpu.memory_space<vmem>>
        %dma_wait3A_120 = tpu.memref_squeeze %dma_wait3A_119 : memref<1x125xi32, #tpu.memory_space<vmem>> -> memref<125xi32, #tpu.memory_space<vmem>>
        %dma_wait3A_121 = arith.constant 0 : i32
        %dma_wait3A_122 = arith.constant 0 : i32
        %dma_wait3A_123 = tpu.memref_slice %arg8[%dma_wait3A_121, %dma_wait3A_122] : memref<10240x48xf32, #tpu.memory_space<hbm>> -> memref<10240x48xf32, #tpu.memory_space<hbm>>
        tpu.wait_indirect_dma semaphore(%arg25 : memref<!tpu.dma_semaphore, #tpu.memory_space<semaphore_mem>>) src(%dma_wait3A_123 : memref<10240x48xf32, #tpu.memory_space<hbm>>) dst(%arg14 : memref<125x48xf32, #tpu.memory_space<vmem>>)
        %add3A_124 = arith.constant 4 : i32
        %add3A_125 = arith.addi %add3A_117, %add3A_124 : i32
        %sub3A_126 = arith.constant 1 : i32
        %sub3A_127 = arith.subi %add3A_125, %sub3A_126 : i32
        %lt3A_128 = arith.constant 80 : i32
        %lt3A_129 = arith.cmpi slt, %sub3A_127, %lt3A_128 : i32
        %convert_element_type3A_130 = arith.extui %lt3A_129 : i1 to i32
        %cond3A_131 = arith.constant 0 : i32
        %cond3A_132 = arith.cmpi ne, %convert_element_type3A_130, %cond3A_131 : i32
        scf.if %cond3A_132 {
          %add3A_152 = arith.constant 4 : i32
          %add3A_153 = arith.addi %add3A_117, %add3A_152 : i32
          %sub3A_154 = arith.constant 1 : i32
          %sub3A_155 = arith.subi %add3A_153, %sub3A_154 : i32
          %dma_start3A_156 = arith.constant 0 : i32
          %dma_start3A_157 = tpu.memref_slice %arg10[%sub3A_155, %dma_start3A_156] : memref<80x125xi32, #tpu.memory_space<vmem>> -> memref<1x125xi32, #tpu.memory_space<vmem>>
          %dma_start3A_158 = tpu.memref_squeeze %dma_start3A_157 : memref<1x125xi32, #tpu.memory_space<vmem>> -> memref<125xi32, #tpu.memory_space<vmem>>
          %dma_start3A_159 = arith.constant 0 : i32
          %dma_start3A_160 = arith.constant 0 : i32
          %dma_start3A_161 = tpu.memref_slice %arg8[%dma_start3A_159, %dma_start3A_160] : memref<10240x48xf32, #tpu.memory_space<hbm>> -> memref<10240x48xf32, #tpu.memory_space<hbm>>
          tpu.enqueue_indirect_dma source(%dma_start3A_161 : memref<10240x48xf32, #tpu.memory_space<hbm>>) target(%arg13 : memref<125x48xf32, #tpu.memory_space<vmem>>) offsets(%dma_start3A_158 : memref<125xi32, #tpu.memory_space<vmem>>) semaphore(%arg24 : memref<!tpu.dma_semaphore, #tpu.memory_space<semaphore_mem>>)
        } else {
        }
        "tpu.region"() ({
          %run_scoped3A = tpu.sem_alloc : memref<!tpu.dma_semaphore, #tpu.memory_space<semaphore_mem>>
          %dma_start3A_152 = arith.constant 0 : i32
          %dma_start3A_153 = tpu.memref_slice %arg11[%add3A_117, %dma_start3A_152] : memref<80x125xi32, #tpu.memory_space<vmem>> -> memref<1x125xi32, #tpu.memory_space<vmem>>
          %dma_start3A_154 = tpu.memref_squeeze %dma_start3A_153 : memref<1x125xi32, #tpu.memory_space<vmem>> -> memref<125xi32, #tpu.memory_space<vmem>>
          %dma_start3A_155 = arith.constant 0 : i32
          %dma_start3A_156 = arith.constant 0 : i32
          %dma_start3A_157 = tpu.memref_slice %arg22[%dma_start3A_155, %dma_start3A_156] : memref<10240x48xf32, #tpu.memory_space<vmem_shared>> -> memref<10240x48xf32, #tpu.memory_space<vmem_shared>>
          tpu.enqueue_indirect_dma source(%arg14 : memref<125x48xf32, #tpu.memory_space<vmem>>) target(%dma_start3A_157 : memref<10240x48xf32, #tpu.memory_space<vmem_shared>>) offsets(%dma_start3A_154 : memref<125xi32, #tpu.memory_space<vmem>>) semaphore(%run_scoped3A : memref<!tpu.dma_semaphore, #tpu.memory_space<semaphore_mem>>) {add = true}
          %dma_wait3A_158 = arith.constant 0 : i32
          %dma_wait3A_159 = tpu.memref_slice %arg11[%add3A_117, %dma_wait3A_158] : memref<80x125xi32, #tpu.memory_space<vmem>> -> memref<1x125xi32, #tpu.memory_space<vmem>>
          %dma_wait3A_160 = tpu.memref_squeeze %dma_wait3A_159 : memref<1x125xi32, #tpu.memory_space<vmem>> -> memref<125xi32, #tpu.memory_space<vmem>>
          %dma_wait3A_161 = arith.constant 0 : i32
          %dma_wait3A_162 = arith.constant 0 : i32
          %dma_wait3A_163 = tpu.memref_slice %arg22[%dma_wait3A_161, %dma_wait3A_162] : memref<10240x48xf32, #tpu.memory_space<vmem_shared>> -> memref<10240x48xf32, #tpu.memory_space<vmem_shared>>
          tpu.wait_indirect_dma semaphore(%run_scoped3A : memref<!tpu.dma_semaphore, #tpu.memory_space<semaphore_mem>>) src(%arg14 : memref<125x48xf32, #tpu.memory_space<vmem>>) dst(%dma_wait3A_163 : memref<10240x48xf32, #tpu.memory_space<vmem_shared>>)
          tpu.yield
        }) : () -> ()
        %mul3A_133 = arith.constant 4 : i32
        %mul3A_134 = arith.muli %while3A_76, %mul3A_133 : i32
        %add3A_135 = arith.constant 3 : i32
        %add3A_136 = arith.addi %mul3A_134, %add3A_135 : i32
        %dma_wait3A_137 = arith.constant 0 : i32
        %dma_wait3A_138 = tpu.memref_slice %arg10[%add3A_136, %dma_wait3A_137] : memref<80x125xi32, #tpu.memory_space<vmem>> -> memref<1x125xi32, #tpu.memory_space<vmem>>
        %dma_wait3A_139 = tpu.memref_squeeze %dma_wait3A_138 : memref<1x125xi32, #tpu.memory_space<vmem>> -> memref<125xi32, #tpu.memory_space<vmem>>
        %dma_wait3A_140 = arith.constant 0 : i32
        %dma_wait3A_141 = arith.constant 0 : i32
        %dma_wait3A_142 = tpu.memref_slice %arg8[%dma_wait3A_140, %dma_wait3A_141] : memref<10240x48xf32, #tpu.memory_space<hbm>> -> memref<10240x48xf32, #tpu.memory_space<hbm>>
        tpu.wait_indirect_dma semaphore(%arg26 : memref<!tpu.dma_semaphore, #tpu.memory_space<semaphore_mem>>) src(%dma_wait3A_142 : memref<10240x48xf32, #tpu.memory_space<hbm>>) dst(%arg15 : memref<125x48xf32, #tpu.memory_space<vmem>>)
        %add3A_143 = arith.constant 4 : i32
        %add3A_144 = arith.addi %add3A_136, %add3A_143 : i32
        %sub3A_145 = arith.constant 1 : i32
        %sub3A_146 = arith.subi %add3A_144, %sub3A_145 : i32
        %lt3A_147 = arith.constant 80 : i32
        %lt3A_148 = arith.cmpi slt, %sub3A_146, %lt3A_147 : i32
        %convert_element_type3A_149 = arith.extui %lt3A_148 : i1 to i32
        %cond3A_150 = arith.constant 0 : i32
        %cond3A_151 = arith.cmpi ne, %convert_element_type3A_149, %cond3A_150 : i32
        scf.if %cond3A_151 {
          %add3A_152 = arith.constant 4 : i32
          %add3A_153 = arith.addi %add3A_136, %add3A_152 : i32
          %sub3A_154 = arith.constant 1 : i32
          %sub3A_155 = arith.subi %add3A_153, %sub3A_154 : i32
          %dma_start3A_156 = arith.constant 0 : i32
          %dma_start3A_157 = tpu.memref_slice %arg10[%sub3A_155, %dma_start3A_156] : memref<80x125xi32, #tpu.memory_space<vmem>> -> memref<1x125xi32, #tpu.memory_space<vmem>>
          %dma_start3A_158 = tpu.memref_squeeze %dma_start3A_157 : memref<1x125xi32, #tpu.memory_space<vmem>> -> memref<125xi32, #tpu.memory_space<vmem>>
          %dma_start3A_159 = arith.constant 0 : i32
          %dma_start3A_160 = arith.constant 0 : i32
          %dma_start3A_161 = tpu.memref_slice %arg8[%dma_start3A_159, %dma_start3A_160] : memref<10240x48xf32, #tpu.memory_space<hbm>> -> memref<10240x48xf32, #tpu.memory_space<hbm>>
          tpu.enqueue_indirect_dma source(%dma_start3A_161 : memref<10240x48xf32, #tpu.memory_space<hbm>>) target(%arg14 : memref<125x48xf32, #tpu.memory_space<vmem>>) offsets(%dma_start3A_158 : memref<125xi32, #tpu.memory_space<vmem>>) semaphore(%arg25 : memref<!tpu.dma_semaphore, #tpu.memory_space<semaphore_mem>>)
        } else {
        }
        "tpu.region"() ({
          %run_scoped3A = tpu.sem_alloc : memref<!tpu.dma_semaphore, #tpu.memory_space<semaphore_mem>>
          %dma_start3A_152 = arith.constant 0 : i32
          %dma_start3A_153 = tpu.memref_slice %arg11[%add3A_136, %dma_start3A_152] : memref<80x125xi32, #tpu.memory_space<vmem>> -> memref<1x125xi32, #tpu.memory_space<vmem>>
          %dma_start3A_154 = tpu.memref_squeeze %dma_start3A_153 : memref<1x125xi32, #tpu.memory_space<vmem>> -> memref<125xi32, #tpu.memory_space<vmem>>
          %dma_start3A_155 = arith.constant 0 : i32
          %dma_start3A_156 = arith.constant 0 : i32
          %dma_start3A_157 = tpu.memref_slice %arg22[%dma_start3A_155, %dma_start3A_156] : memref<10240x48xf32, #tpu.memory_space<vmem_shared>> -> memref<10240x48xf32, #tpu.memory_space<vmem_shared>>
          tpu.enqueue_indirect_dma source(%arg15 : memref<125x48xf32, #tpu.memory_space<vmem>>) target(%dma_start3A_157 : memref<10240x48xf32, #tpu.memory_space<vmem_shared>>) offsets(%dma_start3A_154 : memref<125xi32, #tpu.memory_space<vmem>>) semaphore(%run_scoped3A : memref<!tpu.dma_semaphore, #tpu.memory_space<semaphore_mem>>) {add = true}
          %dma_wait3A_158 = arith.constant 0 : i32
          %dma_wait3A_159 = tpu.memref_slice %arg11[%add3A_136, %dma_wait3A_158] : memref<80x125xi32, #tpu.memory_space<vmem>> -> memref<1x125xi32, #tpu.memory_space<vmem>>
          %dma_wait3A_160 = tpu.memref_squeeze %dma_wait3A_159 : memref<1x125xi32, #tpu.memory_space<vmem>> -> memref<125xi32, #tpu.memory_space<vmem>>
          %dma_wait3A_161 = arith.constant 0 : i32
          %dma_wait3A_162 = arith.constant 0 : i32
          %dma_wait3A_163 = tpu.memref_slice %arg22[%dma_wait3A_161, %dma_wait3A_162] : memref<10240x48xf32, #tpu.memory_space<vmem_shared>> -> memref<10240x48xf32, #tpu.memory_space<vmem_shared>>
          tpu.wait_indirect_dma semaphore(%run_scoped3A : memref<!tpu.dma_semaphore, #tpu.memory_space<semaphore_mem>>) src(%arg15 : memref<125x48xf32, #tpu.memory_space<vmem>>) dst(%dma_wait3A_163 : memref<10240x48xf32, #tpu.memory_space<vmem_shared>>)
          tpu.yield
        }) : () -> ()
      }
      %while3A_56 = arith.constant 1 : i32
      scf.for %while3A_76 = %while3A_54 to %while3A_50 step %while3A_56  : i32 {
        %mul3A_77 = arith.constant 4 : i32
        %mul3A_78 = arith.muli %while3A_76, %mul3A_77 : i32
        %add3A_79 = arith.constant 0 : i32
        %add3A_80 = arith.addi %mul3A_78, %add3A_79 : i32
        %dma_wait3A = arith.constant 0 : i32
        %dma_wait3A_81 = tpu.memref_slice %arg10[%add3A_80, %dma_wait3A] : memref<80x125xi32, #tpu.memory_space<vmem>> -> memref<1x125xi32, #tpu.memory_space<vmem>>
        %dma_wait3A_82 = tpu.memref_squeeze %dma_wait3A_81 : memref<1x125xi32, #tpu.memory_space<vmem>> -> memref<125xi32, #tpu.memory_space<vmem>>
        %dma_wait3A_83 = arith.constant 0 : i32
        %dma_wait3A_84 = arith.constant 0 : i32
        %dma_wait3A_85 = tpu.memref_slice %arg8[%dma_wait3A_83, %dma_wait3A_84] : memref<10240x48xf32, #tpu.memory_space<hbm>> -> memref<10240x48xf32, #tpu.memory_space<hbm>>
        tpu.wait_indirect_dma semaphore(%arg23 : memref<!tpu.dma_semaphore, #tpu.memory_space<semaphore_mem>>) src(%dma_wait3A_85 : memref<10240x48xf32, #tpu.memory_space<hbm>>) dst(%arg12 : memref<125x48xf32, #tpu.memory_space<vmem>>)
        %add3A_86 = arith.constant 4 : i32
        %add3A_87 = arith.addi %add3A_80, %add3A_86 : i32
        %sub3A_88 = arith.constant 1 : i32
        %sub3A_89 = arith.subi %add3A_87, %sub3A_88 : i32
        %lt3A_90 = arith.constant 80 : i32
        %lt3A_91 = arith.cmpi slt, %sub3A_89, %lt3A_90 : i32
        %convert_element_type3A_92 = arith.extui %lt3A_91 : i1 to i32
        %cond3A_93 = arith.constant 0 : i32
        %cond3A_94 = arith.cmpi ne, %convert_element_type3A_92, %cond3A_93 : i32
        scf.if %cond3A_94 {
          %add3A_152 = arith.constant 4 : i32
          %add3A_153 = arith.addi %add3A_80, %add3A_152 : i32
          %sub3A_154 = arith.constant 1 : i32
          %sub3A_155 = arith.subi %add3A_153, %sub3A_154 : i32
          %dma_start3A_156 = arith.constant 0 : i32
          %dma_start3A_157 = tpu.memref_slice %arg10[%sub3A_155, %dma_start3A_156] : memref<80x125xi32, #tpu.memory_space<vmem>> -> memref<1x125xi32, #tpu.memory_space<vmem>>
          %dma_start3A_158 = tpu.memref_squeeze %dma_start3A_157 : memref<1x125xi32, #tpu.memory_space<vmem>> -> memref<125xi32, #tpu.memory_space<vmem>>
          %dma_start3A_159 = arith.constant 0 : i32
          %dma_start3A_160 = arith.constant 0 : i32
          %dma_start3A_161 = tpu.memref_slice %arg8[%dma_start3A_159, %dma_start3A_160] : memref<10240x48xf32, #tpu.memory_space<hbm>> -> memref<10240x48xf32, #tpu.memory_space<hbm>>
          tpu.enqueue_indirect_dma source(%dma_start3A_161 : memref<10240x48xf32, #tpu.memory_space<hbm>>) target(%arg15 : memref<125x48xf32, #tpu.memory_space<vmem>>) offsets(%dma_start3A_158 : memref<125xi32, #tpu.memory_space<vmem>>) semaphore(%arg26 : memref<!tpu.dma_semaphore, #tpu.memory_space<semaphore_mem>>)
        } else {
        }
        "tpu.region"() ({
          %run_scoped3A = tpu.sem_alloc : memref<!tpu.dma_semaphore, #tpu.memory_space<semaphore_mem>>
          %dma_start3A_152 = arith.constant 0 : i32
          %dma_start3A_153 = tpu.memref_slice %arg11[%add3A_80, %dma_start3A_152] : memref<80x125xi32, #tpu.memory_space<vmem>> -> memref<1x125xi32, #tpu.memory_space<vmem>>
          %dma_start3A_154 = tpu.memref_squeeze %dma_start3A_153 : memref<1x125xi32, #tpu.memory_space<vmem>> -> memref<125xi32, #tpu.memory_space<vmem>>
          %dma_start3A_155 = arith.constant 0 : i32
          %dma_start3A_156 = arith.constant 0 : i32
          %dma_start3A_157 = tpu.memref_slice %arg22[%dma_start3A_155, %dma_start3A_156] : memref<10240x48xf32, #tpu.memory_space<vmem_shared>> -> memref<10240x48xf32, #tpu.memory_space<vmem_shared>>
          tpu.enqueue_indirect_dma source(%arg12 : memref<125x48xf32, #tpu.memory_space<vmem>>) target(%dma_start3A_157 : memref<10240x48xf32, #tpu.memory_space<vmem_shared>>) offsets(%dma_start3A_154 : memref<125xi32, #tpu.memory_space<vmem>>) semaphore(%run_scoped3A : memref<!tpu.dma_semaphore, #tpu.memory_space<semaphore_mem>>) {add = true}
          %dma_wait3A_158 = arith.constant 0 : i32
          %dma_wait3A_159 = tpu.memref_slice %arg11[%add3A_80, %dma_wait3A_158] : memref<80x125xi32, #tpu.memory_space<vmem>> -> memref<1x125xi32, #tpu.memory_space<vmem>>
          %dma_wait3A_160 = tpu.memref_squeeze %dma_wait3A_159 : memref<1x125xi32, #tpu.memory_space<vmem>> -> memref<125xi32, #tpu.memory_space<vmem>>
          %dma_wait3A_161 = arith.constant 0 : i32
          %dma_wait3A_162 = arith.constant 0 : i32
          %dma_wait3A_163 = tpu.memref_slice %arg22[%dma_wait3A_161, %dma_wait3A_162] : memref<10240x48xf32, #tpu.memory_space<vmem_shared>> -> memref<10240x48xf32, #tpu.memory_space<vmem_shared>>
          tpu.wait_indirect_dma semaphore(%run_scoped3A : memref<!tpu.dma_semaphore, #tpu.memory_space<semaphore_mem>>) src(%arg12 : memref<125x48xf32, #tpu.memory_space<vmem>>) dst(%dma_wait3A_163 : memref<10240x48xf32, #tpu.memory_space<vmem_shared>>)
          tpu.yield
        }) : () -> ()
        %mul3A_95 = arith.constant 4 : i32
        %mul3A_96 = arith.muli %while3A_76, %mul3A_95 : i32
        %add3A_97 = arith.constant 1 : i32
        %add3A_98 = arith.addi %mul3A_96, %add3A_97 : i32
        %dma_wait3A_99 = arith.constant 0 : i32
        %dma_wait3A_100 = tpu.memref_slice %arg10[%add3A_98, %dma_wait3A_99] : memref<80x125xi32, #tpu.memory_space<vmem>> -> memref<1x125xi32, #tpu.memory_space<vmem>>
        %dma_wait3A_101 = tpu.memref_squeeze %dma_wait3A_100 : memref<1x125xi32, #tpu.memory_space<vmem>> -> memref<125xi32, #tpu.memory_space<vmem>>
        %dma_wait3A_102 = arith.constant 0 : i32
        %dma_wait3A_103 = arith.constant 0 : i32
        %dma_wait3A_104 = tpu.memref_slice %arg8[%dma_wait3A_102, %dma_wait3A_103] : memref<10240x48xf32, #tpu.memory_space<hbm>> -> memref<10240x48xf32, #tpu.memory_space<hbm>>
        tpu.wait_indirect_dma semaphore(%arg24 : memref<!tpu.dma_semaphore, #tpu.memory_space<semaphore_mem>>) src(%dma_wait3A_104 : memref<10240x48xf32, #tpu.memory_space<hbm>>) dst(%arg13 : memref<125x48xf32, #tpu.memory_space<vmem>>)
        %add3A_105 = arith.constant 4 : i32
        %add3A_106 = arith.addi %add3A_98, %add3A_105 : i32
        %sub3A_107 = arith.constant 1 : i32
        %sub3A_108 = arith.subi %add3A_106, %sub3A_107 : i32
        %lt3A_109 = arith.constant 80 : i32
        %lt3A_110 = arith.cmpi slt, %sub3A_108, %lt3A_109 : i32
        %convert_element_type3A_111 = arith.extui %lt3A_110 : i1 to i32
        %cond3A_112 = arith.constant 0 : i32
        %cond3A_113 = arith.cmpi ne, %convert_element_type3A_111, %cond3A_112 : i32
        scf.if %cond3A_113 {
          %add3A_152 = arith.constant 4 : i32
          %add3A_153 = arith.addi %add3A_98, %add3A_152 : i32
          %sub3A_154 = arith.constant 1 : i32
          %sub3A_155 = arith.subi %add3A_153, %sub3A_154 : i32
          %dma_start3A_156 = arith.constant 0 : i32
          %dma_start3A_157 = tpu.memref_slice %arg10[%sub3A_155, %dma_start3A_156] : memref<80x125xi32, #tpu.memory_space<vmem>> -> memref<1x125xi32, #tpu.memory_space<vmem>>
          %dma_start3A_158 = tpu.memref_squeeze %dma_start3A_157 : memref<1x125xi32, #tpu.memory_space<vmem>> -> memref<125xi32, #tpu.memory_space<vmem>>
          %dma_start3A_159 = arith.constant 0 : i32
          %dma_start3A_160 = arith.constant 0 : i32
          %dma_start3A_161 = tpu.memref_slice %arg8[%dma_start3A_159, %dma_start3A_160] : memref<10240x48xf32, #tpu.memory_space<hbm>> -> memref<10240x48xf32, #tpu.memory_space<hbm>>
          tpu.enqueue_indirect_dma source(%dma_start3A_161 : memref<10240x48xf32, #tpu.memory_space<hbm>>) target(%arg12 : memref<125x48xf32, #tpu.memory_space<vmem>>) offsets(%dma_start3A_158 : memref<125xi32, #tpu.memory_space<vmem>>) semaphore(%arg23 : memref<!tpu.dma_semaphore, #tpu.memory_space<semaphore_mem>>)
        } else {
        }
        "tpu.region"() ({
          %run_scoped3A = tpu.sem_alloc : memref<!tpu.dma_semaphore, #tpu.memory_space<semaphore_mem>>
          %dma_start3A_152 = arith.constant 0 : i32
          %dma_start3A_153 = tpu.memref_slice %arg11[%add3A_98, %dma_start3A_152] : memref<80x125xi32, #tpu.memory_space<vmem>> -> memref<1x125xi32, #tpu.memory_space<vmem>>
          %dma_start3A_154 = tpu.memref_squeeze %dma_start3A_153 : memref<1x125xi32, #tpu.memory_space<vmem>> -> memref<125xi32, #tpu.memory_space<vmem>>
          %dma_start3A_155 = arith.constant 0 : i32
          %dma_start3A_156 = arith.constant 0 : i32
          %dma_start3A_157 = tpu.memref_slice %arg22[%dma_start3A_155, %dma_start3A_156] : memref<10240x48xf32, #tpu.memory_space<vmem_shared>> -> memref<10240x48xf32, #tpu.memory_space<vmem_shared>>
          tpu.enqueue_indirect_dma source(%arg13 : memref<125x48xf32, #tpu.memory_space<vmem>>) target(%dma_start3A_157 : memref<10240x48xf32, #tpu.memory_space<vmem_shared>>) offsets(%dma_start3A_154 : memref<125xi32, #tpu.memory_space<vmem>>) semaphore(%run_scoped3A : memref<!tpu.dma_semaphore, #tpu.memory_space<semaphore_mem>>) {add = true}
          %dma_wait3A_158 = arith.constant 0 : i32
          %dma_wait3A_159 = tpu.memref_slice %arg11[%add3A_98, %dma_wait3A_158] : memref<80x125xi32, #tpu.memory_space<vmem>> -> memref<1x125xi32, #tpu.memory_space<vmem>>
          %dma_wait3A_160 = tpu.memref_squeeze %dma_wait3A_159 : memref<1x125xi32, #tpu.memory_space<vmem>> -> memref<125xi32, #tpu.memory_space<vmem>>
          %dma_wait3A_161 = arith.constant 0 : i32
          %dma_wait3A_162 = arith.constant 0 : i32
          %dma_wait3A_163 = tpu.memref_slice %arg22[%dma_wait3A_161, %dma_wait3A_162] : memref<10240x48xf32, #tpu.memory_space<vmem_shared>> -> memref<10240x48xf32, #tpu.memory_space<vmem_shared>>
          tpu.wait_indirect_dma semaphore(%run_scoped3A : memref<!tpu.dma_semaphore, #tpu.memory_space<semaphore_mem>>) src(%arg13 : memref<125x48xf32, #tpu.memory_space<vmem>>) dst(%dma_wait3A_163 : memref<10240x48xf32, #tpu.memory_space<vmem_shared>>)
          tpu.yield
        }) : () -> ()
        %mul3A_114 = arith.constant 4 : i32
        %mul3A_115 = arith.muli %while3A_76, %mul3A_114 : i32
        %add3A_116 = arith.constant 2 : i32
        %add3A_117 = arith.addi %mul3A_115, %add3A_116 : i32
        %dma_wait3A_118 = arith.constant 0 : i32
        %dma_wait3A_119 = tpu.memref_slice %arg10[%add3A_117, %dma_wait3A_118] : memref<80x125xi32, #tpu.memory_space<vmem>> -> memref<1x125xi32, #tpu.memory_space<vmem>>
        %dma_wait3A_120 = tpu.memref_squeeze %dma_wait3A_119 : memref<1x125xi32, #tpu.memory_space<vmem>> -> memref<125xi32, #tpu.memory_space<vmem>>
        %dma_wait3A_121 = arith.constant 0 : i32
        %dma_wait3A_122 = arith.constant 0 : i32
        %dma_wait3A_123 = tpu.memref_slice %arg8[%dma_wait3A_121, %dma_wait3A_122] : memref<10240x48xf32, #tpu.memory_space<hbm>> -> memref<10240x48xf32, #tpu.memory_space<hbm>>
        tpu.wait_indirect_dma semaphore(%arg25 : memref<!tpu.dma_semaphore, #tpu.memory_space<semaphore_mem>>) src(%dma_wait3A_123 : memref<10240x48xf32, #tpu.memory_space<hbm>>) dst(%arg14 : memref<125x48xf32, #tpu.memory_space<vmem>>)
        %add3A_124 = arith.constant 4 : i32
        %add3A_125 = arith.addi %add3A_117, %add3A_124 : i32
        %sub3A_126 = arith.constant 1 : i32
        %sub3A_127 = arith.subi %add3A_125, %sub3A_126 : i32
        %lt3A_128 = arith.constant 80 : i32
        %lt3A_129 = arith.cmpi slt, %sub3A_127, %lt3A_128 : i32
        %convert_element_type3A_130 = arith.extui %lt3A_129 : i1 to i32
        %cond3A_131 = arith.constant 0 : i32
        %cond3A_132 = arith.cmpi ne, %convert_element_type3A_130, %cond3A_131 : i32
        scf.if %cond3A_132 {
          %add3A_152 = arith.constant 4 : i32
          %add3A_153 = arith.addi %add3A_117, %add3A_152 : i32
          %sub3A_154 = arith.constant 1 : i32
          %sub3A_155 = arith.subi %add3A_153, %sub3A_154 : i32
          %dma_start3A_156 = arith.constant 0 : i32
          %dma_start3A_157 = tpu.memref_slice %arg10[%sub3A_155, %dma_start3A_156] : memref<80x125xi32, #tpu.memory_space<vmem>> -> memref<1x125xi32, #tpu.memory_space<vmem>>
          %dma_start3A_158 = tpu.memref_squeeze %dma_start3A_157 : memref<1x125xi32, #tpu.memory_space<vmem>> -> memref<125xi32, #tpu.memory_space<vmem>>
          %dma_start3A_159 = arith.constant 0 : i32
          %dma_start3A_160 = arith.constant 0 : i32
          %dma_start3A_161 = tpu.memref_slice %arg8[%dma_start3A_159, %dma_start3A_160] : memref<10240x48xf32, #tpu.memory_space<hbm>> -> memref<10240x48xf32, #tpu.memory_space<hbm>>
          tpu.enqueue_indirect_dma source(%dma_start3A_161 : memref<10240x48xf32, #tpu.memory_space<hbm>>) target(%arg13 : memref<125x48xf32, #tpu.memory_space<vmem>>) offsets(%dma_start3A_158 : memref<125xi32, #tpu.memory_space<vmem>>) semaphore(%arg24 : memref<!tpu.dma_semaphore, #tpu.memory_space<semaphore_mem>>)
        } else {
        }
        "tpu.region"() ({
          %run_scoped3A = tpu.sem_alloc : memref<!tpu.dma_semaphore, #tpu.memory_space<semaphore_mem>>
          %dma_start3A_152 = arith.constant 0 : i32
          %dma_start3A_153 = tpu.memref_slice %arg11[%add3A_117, %dma_start3A_152] : memref<80x125xi32, #tpu.memory_space<vmem>> -> memref<1x125xi32, #tpu.memory_space<vmem>>
          %dma_start3A_154 = tpu.memref_squeeze %dma_start3A_153 : memref<1x125xi32, #tpu.memory_space<vmem>> -> memref<125xi32, #tpu.memory_space<vmem>>
          %dma_start3A_155 = arith.constant 0 : i32
          %dma_start3A_156 = arith.constant 0 : i32
          %dma_start3A_157 = tpu.memref_slice %arg22[%dma_start3A_155, %dma_start3A_156] : memref<10240x48xf32, #tpu.memory_space<vmem_shared>> -> memref<10240x48xf32, #tpu.memory_space<vmem_shared>>
          tpu.enqueue_indirect_dma source(%arg14 : memref<125x48xf32, #tpu.memory_space<vmem>>) target(%dma_start3A_157 : memref<10240x48xf32, #tpu.memory_space<vmem_shared>>) offsets(%dma_start3A_154 : memref<125xi32, #tpu.memory_space<vmem>>) semaphore(%run_scoped3A : memref<!tpu.dma_semaphore, #tpu.memory_space<semaphore_mem>>) {add = true}
          %dma_wait3A_158 = arith.constant 0 : i32
          %dma_wait3A_159 = tpu.memref_slice %arg11[%add3A_117, %dma_wait3A_158] : memref<80x125xi32, #tpu.memory_space<vmem>> -> memref<1x125xi32, #tpu.memory_space<vmem>>
          %dma_wait3A_160 = tpu.memref_squeeze %dma_wait3A_159 : memref<1x125xi32, #tpu.memory_space<vmem>> -> memref<125xi32, #tpu.memory_space<vmem>>
          %dma_wait3A_161 = arith.constant 0 : i32
          %dma_wait3A_162 = arith.constant 0 : i32
          %dma_wait3A_163 = tpu.memref_slice %arg22[%dma_wait3A_161, %dma_wait3A_162] : memref<10240x48xf32, #tpu.memory_space<vmem_shared>> -> memref<10240x48xf32, #tpu.memory_space<vmem_shared>>
          tpu.wait_indirect_dma semaphore(%run_scoped3A : memref<!tpu.dma_semaphore, #tpu.memory_space<semaphore_mem>>) src(%arg14 : memref<125x48xf32, #tpu.memory_space<vmem>>) dst(%dma_wait3A_163 : memref<10240x48xf32, #tpu.memory_space<vmem_shared>>)
          tpu.yield
        }) : () -> ()
        %mul3A_133 = arith.constant 4 : i32
        %mul3A_134 = arith.muli %while3A_76, %mul3A_133 : i32
        %add3A_135 = arith.constant 3 : i32
        %add3A_136 = arith.addi %mul3A_134, %add3A_135 : i32
        %dma_wait3A_137 = arith.constant 0 : i32
        %dma_wait3A_138 = tpu.memref_slice %arg10[%add3A_136, %dma_wait3A_137] : memref<80x125xi32, #tpu.memory_space<vmem>> -> memref<1x125xi32, #tpu.memory_space<vmem>>
        %dma_wait3A_139 = tpu.memref_squeeze %dma_wait3A_138 : memref<1x125xi32, #tpu.memory_space<vmem>> -> memref<125xi32, #tpu.memory_space<vmem>>
        %dma_wait3A_140 = arith.constant 0 : i32
        %dma_wait3A_141 = arith.constant 0 : i32
        %dma_wait3A_142 = tpu.memref_slice %arg8[%dma_wait3A_140, %dma_wait3A_141] : memref<10240x48xf32, #tpu.memory_space<hbm>> -> memref<10240x48xf32, #tpu.memory_space<hbm>>
        tpu.wait_indirect_dma semaphore(%arg26 : memref<!tpu.dma_semaphore, #tpu.memory_space<semaphore_mem>>) src(%dma_wait3A_142 : memref<10240x48xf32, #tpu.memory_space<hbm>>) dst(%arg15 : memref<125x48xf32, #tpu.memory_space<vmem>>)
        %add3A_143 = arith.constant 4 : i32
        %add3A_144 = arith.addi %add3A_136, %add3A_143 : i32
        %sub3A_145 = arith.constant 1 : i32
        %sub3A_146 = arith.subi %add3A_144, %sub3A_145 : i32
        %lt3A_147 = arith.constant 80 : i32
        %lt3A_148 = arith.cmpi slt, %sub3A_146, %lt3A_147 : i32
        %convert_element_type3A_149 = arith.extui %lt3A_148 : i1 to i32
        %cond3A_150 = arith.constant 0 : i32
        %cond3A_151 = arith.cmpi ne, %convert_element_type3A_149, %cond3A_150 : i32
        scf.if %cond3A_151 {
          %add3A_152 = arith.constant 4 : i32
          %add3A_153 = arith.addi %add3A_136, %add3A_152 : i32
          %sub3A_154 = arith.constant 1 : i32
          %sub3A_155 = arith.subi %add3A_153, %sub3A_154 : i32
          %dma_start3A_156 = arith.constant 0 : i32
          %dma_start3A_157 = tpu.memref_slice %arg10[%sub3A_155, %dma_start3A_156] : memref<80x125xi32, #tpu.memory_space<vmem>> -> memref<1x125xi32, #tpu.memory_space<vmem>>
          %dma_start3A_158 = tpu.memref_squeeze %dma_start3A_157 : memref<1x125xi32, #tpu.memory_space<vmem>> -> memref<125xi32, #tpu.memory_space<vmem>>
          %dma_start3A_159 = arith.constant 0 : i32
          %dma_start3A_160 = arith.constant 0 : i32
          %dma_start3A_161 = tpu.memref_slice %arg8[%dma_start3A_159, %dma_start3A_160] : memref<10240x48xf32, #tpu.memory_space<hbm>> -> memref<10240x48xf32, #tpu.memory_space<hbm>>
          tpu.enqueue_indirect_dma source(%dma_start3A_161 : memref<10240x48xf32, #tpu.memory_space<hbm>>) target(%arg14 : memref<125x48xf32, #tpu.memory_space<vmem>>) offsets(%dma_start3A_158 : memref<125xi32, #tpu.memory_space<vmem>>) semaphore(%arg25 : memref<!tpu.dma_semaphore, #tpu.memory_space<semaphore_mem>>)
        } else {
        }
        "tpu.region"() ({
          %run_scoped3A = tpu.sem_alloc : memref<!tpu.dma_semaphore, #tpu.memory_space<semaphore_mem>>
          %dma_start3A_152 = arith.constant 0 : i32
          %dma_start3A_153 = tpu.memref_slice %arg11[%add3A_136, %dma_start3A_152] : memref<80x125xi32, #tpu.memory_space<vmem>> -> memref<1x125xi32, #tpu.memory_space<vmem>>
          %dma_start3A_154 = tpu.memref_squeeze %dma_start3A_153 : memref<1x125xi32, #tpu.memory_space<vmem>> -> memref<125xi32, #tpu.memory_space<vmem>>
          %dma_start3A_155 = arith.constant 0 : i32
          %dma_start3A_156 = arith.constant 0 : i32
          %dma_start3A_157 = tpu.memref_slice %arg22[%dma_start3A_155, %dma_start3A_156] : memref<10240x48xf32, #tpu.memory_space<vmem_shared>> -> memref<10240x48xf32, #tpu.memory_space<vmem_shared>>
          tpu.enqueue_indirect_dma source(%arg15 : memref<125x48xf32, #tpu.memory_space<vmem>>) target(%dma_start3A_157 : memref<10240x48xf32, #tpu.memory_space<vmem_shared>>) offsets(%dma_start3A_154 : memref<125xi32, #tpu.memory_space<vmem>>) semaphore(%run_scoped3A : memref<!tpu.dma_semaphore, #tpu.memory_space<semaphore_mem>>) {add = true}
          %dma_wait3A_158 = arith.constant 0 : i32
          %dma_wait3A_159 = tpu.memref_slice %arg11[%add3A_136, %dma_wait3A_158] : memref<80x125xi32, #tpu.memory_space<vmem>> -> memref<1x125xi32, #tpu.memory_space<vmem>>
          %dma_wait3A_160 = tpu.memref_squeeze %dma_wait3A_159 : memref<1x125xi32, #tpu.memory_space<vmem>> -> memref<125xi32, #tpu.memory_space<vmem>>
          %dma_wait3A_161 = arith.constant 0 : i32
          %dma_wait3A_162 = arith.constant 0 : i32
          %dma_wait3A_163 = tpu.memref_slice %arg22[%dma_wait3A_161, %dma_wait3A_162] : memref<10240x48xf32, #tpu.memory_space<vmem_shared>> -> memref<10240x48xf32, #tpu.memory_space<vmem_shared>>
          tpu.wait_indirect_dma semaphore(%run_scoped3A : memref<!tpu.dma_semaphore, #tpu.memory_space<semaphore_mem>>) src(%arg15 : memref<125x48xf32, #tpu.memory_space<vmem>>) dst(%dma_wait3A_163 : memref<10240x48xf32, #tpu.memory_space<vmem_shared>>)
          tpu.yield
        }) : () -> ()
      }
      %barrier3A_57 = arith.constant 0 : index
      tpu.barrier barrier_id(%barrier3A_57)
      %sub3A = arith.constant 1 : i32
      %sub3A_58 = arith.subi %sub3A, %arg0 : i32
      %mul3A_59 = arith.constant 5120 : i32
      %mul3A_60 = arith.muli %sub3A_58, %mul3A_59 : i32
      %mul3A_61 = arith.constant 320 : i32
      %mul3A_62 = arith.muli %arg1, %mul3A_61 : i32
      %add3A_63 = arith.addi %mul3A_60, %mul3A_62 : i32
      %mul3A_64 = arith.constant 10240 : i32
      %mul3A_65 = arith.muli %arg0, %mul3A_64 : i32
      %add3A_66 = arith.addi %mul3A_65, %add3A_63 : i32
      "tpu.region"() ({
        %run_scoped3A = tpu.sem_alloc : memref<!tpu.dma_semaphore, #tpu.memory_space<semaphore_mem>>
        %dma_start3A_76 = arith.constant 0 : i32
        %dma_start3A_77 = tpu.memref_slice %arg9[%add3A_66, %dma_start3A_76] : memref<20480x48xf32, #tpu.memory_space<hbm>> -> memref<320x48xf32, #tpu.memory_space<hbm>>
        %dma_start3A_78 = arith.constant 0 : i32
        %dma_start3A_79 = tpu.memref_slice %arg22[%add3A_63, %dma_start3A_78] : memref<10240x48xf32, #tpu.memory_space<vmem_shared>> -> memref<320x48xf32, #tpu.memory_space<vmem_shared>>
        tpu.enqueue_dma source(%dma_start3A_79 : memref<320x48xf32, #tpu.memory_space<vmem_shared>>) target(%dma_start3A_77 : memref<320x48xf32, #tpu.memory_space<hbm>>) target_semaphore(%run_scoped3A : memref<!tpu.dma_semaphore, #tpu.memory_space<semaphore_mem>>)
        %dma_wait3A = arith.constant 0 : i32
        %dma_wait3A_80 = tpu.memref_slice %arg9[%add3A_66, %dma_wait3A] : memref<20480x48xf32, #tpu.memory_space<hbm>> -> memref<320x48xf32, #tpu.memory_space<hbm>>
        %dma_wait3A_81 = arith.constant 0 : i32
        %dma_wait3A_82 = tpu.memref_slice %arg22[%add3A_63, %dma_wait3A_81] : memref<10240x48xf32, #tpu.memory_space<vmem_shared>> -> memref<320x48xf32, #tpu.memory_space<vmem_shared>>
        tpu.wait_dma2 semaphore(%run_scoped3A : memref<!tpu.dma_semaphore, #tpu.memory_space<semaphore_mem>>) src(%dma_wait3A_82 : memref<320x48xf32, #tpu.memory_space<vmem_shared>>) dst(%dma_wait3A_80 : memref<320x48xf32, #tpu.memory_space<hbm>>)
        tpu.yield
      }) : () -> ()
      %eq3A_67 = arith.constant 9 : i32
      %eq3A_68 = arith.cmpi eq, %while3A_25, %eq3A_67 : i32
      %convert_element_type3A_69 = arith.extui %eq3A_68 : i1 to i32
      %cond3A_70 = arith.constant 0 : i32
      %cond3A_71 = arith.cmpi ne, %convert_element_type3A_69, %cond3A_70 : i32
      scf.if %cond3A_71 {
        %mul3A_76 = arith.constant 10240 : i32
        %mul3A_77 = arith.muli %arg0, %mul3A_76 : i32
        %add3A_78 = arith.addi %mul3A_77, %add3A_7 : i32
        "tpu.region"() ({
          %run_scoped3A = tpu.sem_alloc : memref<!tpu.dma_semaphore, #tpu.memory_space<semaphore_mem>>
          %dma_start3A_79 = arith.constant 0 : i32
          %dma_start3A_80 = tpu.memref_slice %arg9[%add3A_78, %dma_start3A_79] : memref<20480x48xf32, #tpu.memory_space<hbm>> -> memref<320x48xf32, #tpu.memory_space<hbm>>
          %dma_start3A_81 = arith.constant 0 : i32
          %dma_start3A_82 = tpu.memref_slice %arg22[%add3A_7, %dma_start3A_81] : memref<10240x48xf32, #tpu.memory_space<vmem_shared>> -> memref<320x48xf32, #tpu.memory_space<vmem_shared>>
          tpu.enqueue_dma source(%dma_start3A_82 : memref<320x48xf32, #tpu.memory_space<vmem_shared>>) target(%dma_start3A_80 : memref<320x48xf32, #tpu.memory_space<hbm>>) target_semaphore(%run_scoped3A : memref<!tpu.dma_semaphore, #tpu.memory_space<semaphore_mem>>)
          %dma_wait3A = arith.constant 0 : i32
          %dma_wait3A_83 = tpu.memref_slice %arg9[%add3A_78, %dma_wait3A] : memref<20480x48xf32, #tpu.memory_space<hbm>> -> memref<320x48xf32, #tpu.memory_space<hbm>>
          %dma_wait3A_84 = arith.constant 0 : i32
          %dma_wait3A_85 = tpu.memref_slice %arg22[%add3A_7, %dma_wait3A_84] : memref<10240x48xf32, #tpu.memory_space<vmem_shared>> -> memref<320x48xf32, #tpu.memory_space<vmem_shared>>
          tpu.wait_dma2 semaphore(%run_scoped3A : memref<!tpu.dma_semaphore, #tpu.memory_space<semaphore_mem>>) src(%dma_wait3A_85 : memref<320x48xf32, #tpu.memory_space<vmem_shared>>) dst(%dma_wait3A_83 : memref<320x48xf32, #tpu.memory_space<hbm>>)
          tpu.yield
        }) : () -> ()
      } else {
      }
      %lt3A = arith.constant 9 : i32
      %lt3A_72 = arith.cmpi slt, %while3A_25, %lt3A : i32
      %convert_element_type3A_73 = arith.extui %lt3A_72 : i1 to i32
      %cond3A_74 = arith.constant 0 : i32
      %cond3A_75 = arith.cmpi ne, %convert_element_type3A_73, %cond3A_74 : i32
      scf.if %cond3A_75 {
        %barrier3A_76 = arith.constant 0 : index
        tpu.barrier barrier_id(%barrier3A_76)
        %eq3A_77 = arith.constant 0 : i32
        %eq3A_78 = arith.cmpi eq, %arg1, %eq3A_77 : i32
        %convert_element_type3A_79 = arith.extui %eq3A_78 : i1 to i32
        %cond3A_80 = arith.constant 0 : i32
        %cond3A_81 = arith.cmpi ne, %convert_element_type3A_79, %cond3A_80 : i32
        scf.if %cond3A_81 {
          %sub3A_164 = arith.constant 1 : i32
          %sub3A_165 = arith.subi %sub3A_164, %arg0 : i32
          %semaphore_signal3A = arith.constant 1 : i32
          tpu.sem_signal %arg27, %semaphore_signal3A core_id %sub3A_165 : memref<!tpu.semaphore, #tpu.memory_space<semaphore_mem>>
          %semaphore_wait3A = arith.constant 1 : i32
          %semaphore_wait3A_166 = arith.constant true
          tpu.sem_wait %arg27, %semaphore_wait3A : memref<!tpu.semaphore, #tpu.memory_space<semaphore_mem>>
        } else {
        }
        %barrier3A_82 = arith.constant 0 : index
        tpu.barrier barrier_id(%barrier3A_82)
        %sub3A_83 = arith.constant 1 : i32
        %sub3A_84 = arith.subi %sub3A_83, %arg0 : i32
        %mul3A_85 = arith.constant 10240 : i32
        %mul3A_86 = arith.muli %sub3A_84, %mul3A_85 : i32
        %add3A_87 = arith.addi %mul3A_86, %add3A_7 : i32
        %add3A_88 = arith.constant 0 : i32
        %add3A_89 = arith.addi %add3A_7, %add3A_88 : i32
        %dma_start3A_90 = arith.constant 0 : i32
        %dma_start3A_91 = tpu.memref_slice %arg22[%add3A_89, %dma_start3A_90] : memref<10240x48xf32, #tpu.memory_space<vmem_shared>> -> memref<160x48xf32, #tpu.memory_space<vmem_shared>>
        %dma_start3A_92 = arith.constant 0 : i32
        %dma_start3A_93 = tpu.memref_slice %arg22[%add3A_89, %dma_start3A_92] : memref<10240x48xf32, #tpu.memory_space<vmem_shared>> -> memref<160x48xf32, #tpu.memory_space<vmem_shared>>
        tpu.enqueue_dma source(%dma_start3A_93 : memref<160x48xf32, #tpu.memory_space<vmem_shared>>) target(%arg16 : memref<160x48xf32, #tpu.memory_space<vmem>>) target_semaphore(%arg23 : memref<!tpu.dma_semaphore, #tpu.memory_space<semaphore_mem>>)
        %add3A_94 = arith.constant 0 : i32
        %add3A_95 = arith.addi %add3A_87, %add3A_94 : i32
        %dma_start3A_96 = arith.constant 0 : i32
        %dma_start3A_97 = tpu.memref_slice %arg9[%add3A_95, %dma_start3A_96] : memref<20480x48xf32, #tpu.memory_space<hbm>> -> memref<160x48xf32, #tpu.memory_space<hbm>>
        %dma_start3A_98 = arith.constant 0 : i32
        %dma_start3A_99 = tpu.memref_slice %arg9[%add3A_95, %dma_start3A_98] : memref<20480x48xf32, #tpu.memory_space<hbm>> -> memref<160x48xf32, #tpu.memory_space<hbm>>
        tpu.enqueue_dma source(%dma_start3A_99 : memref<160x48xf32, #tpu.memory_space<hbm>>) target(%arg17 : memref<160x48xf32, #tpu.memory_space<vmem>>) target_semaphore(%arg24 : memref<!tpu.dma_semaphore, #tpu.memory_space<semaphore_mem>>)
        %add3A_100 = arith.constant 160 : i32
        %add3A_101 = arith.addi %add3A_7, %add3A_100 : i32
        %dma_start3A_102 = arith.constant 0 : i32
        %dma_start3A_103 = tpu.memref_slice %arg22[%add3A_101, %dma_start3A_102] : memref<10240x48xf32, #tpu.memory_space<vmem_shared>> -> memref<160x48xf32, #tpu.memory_space<vmem_shared>>
        %dma_start3A_104 = arith.constant 0 : i32
        %dma_start3A_105 = tpu.memref_slice %arg22[%add3A_101, %dma_start3A_104] : memref<10240x48xf32, #tpu.memory_space<vmem_shared>> -> memref<160x48xf32, #tpu.memory_space<vmem_shared>>
        tpu.enqueue_dma source(%dma_start3A_105 : memref<160x48xf32, #tpu.memory_space<vmem_shared>>) target(%arg18 : memref<160x48xf32, #tpu.memory_space<vmem>>) target_semaphore(%arg25 : memref<!tpu.dma_semaphore, #tpu.memory_space<semaphore_mem>>)
        %add3A_106 = arith.constant 160 : i32
        %add3A_107 = arith.addi %add3A_87, %add3A_106 : i32
        %dma_start3A_108 = arith.constant 0 : i32
        %dma_start3A_109 = tpu.memref_slice %arg9[%add3A_107, %dma_start3A_108] : memref<20480x48xf32, #tpu.memory_space<hbm>> -> memref<160x48xf32, #tpu.memory_space<hbm>>
        %dma_start3A_110 = arith.constant 0 : i32
        %dma_start3A_111 = tpu.memref_slice %arg9[%add3A_107, %dma_start3A_110] : memref<20480x48xf32, #tpu.memory_space<hbm>> -> memref<160x48xf32, #tpu.memory_space<hbm>>
        tpu.enqueue_dma source(%dma_start3A_111 : memref<160x48xf32, #tpu.memory_space<hbm>>) target(%arg19 : memref<160x48xf32, #tpu.memory_space<vmem>>) target_semaphore(%arg26 : memref<!tpu.dma_semaphore, #tpu.memory_space<semaphore_mem>>)
        "tpu.region"() ({
          %run_scoped3A = tpu.sem_alloc : memref<!tpu.dma_semaphore, #tpu.memory_space<semaphore_mem>>
          %dma_start3A_164 = arith.constant 0 : i32
          %dma_start3A_165 = tpu.memref_slice %arg22[%add3A_63, %dma_start3A_164] : memref<10240x48xf32, #tpu.memory_space<vmem_shared>> -> memref<320x48xf32, #tpu.memory_space<vmem_shared>>
          %dma_start3A_166 = arith.constant 0 : i32
          %dma_start3A_167 = tpu.memref_slice %arg7[%add3A_63, %dma_start3A_166] : memref<10240x48xf32, #tpu.memory_space<hbm>> -> memref<320x48xf32, #tpu.memory_space<hbm>>
          tpu.enqueue_dma source(%dma_start3A_167 : memref<320x48xf32, #tpu.memory_space<hbm>>) target(%dma_start3A_165 : memref<320x48xf32, #tpu.memory_space<vmem_shared>>) target_semaphore(%run_scoped3A : memref<!tpu.dma_semaphore, #tpu.memory_space<semaphore_mem>>)
          %dma_wait3A_168 = arith.constant 0 : i32
          %dma_wait3A_169 = tpu.memref_slice %arg22[%add3A_63, %dma_wait3A_168] : memref<10240x48xf32, #tpu.memory_space<vmem_shared>> -> memref<320x48xf32, #tpu.memory_space<vmem_shared>>
          %dma_wait3A_170 = arith.constant 0 : i32
          %dma_wait3A_171 = tpu.memref_slice %arg7[%add3A_63, %dma_wait3A_170] : memref<10240x48xf32, #tpu.memory_space<hbm>> -> memref<320x48xf32, #tpu.memory_space<hbm>>
          tpu.wait_dma2 semaphore(%run_scoped3A : memref<!tpu.dma_semaphore, #tpu.memory_space<semaphore_mem>>) src(%dma_wait3A_171 : memref<320x48xf32, #tpu.memory_space<hbm>>) dst(%dma_wait3A_169 : memref<320x48xf32, #tpu.memory_space<vmem_shared>>)
          tpu.yield
        }) : () -> ()
        %add3A_112 = arith.constant 0 : i32
        %add3A_113 = arith.addi %add3A_7, %add3A_112 : i32
        %dma_wait3A = arith.constant 0 : i32
        %dma_wait3A_114 = tpu.memref_slice %arg22[%add3A_113, %dma_wait3A] : memref<10240x48xf32, #tpu.memory_space<vmem_shared>> -> memref<160x48xf32, #tpu.memory_space<vmem_shared>>
        %dma_wait3A_115 = arith.constant 0 : i32
        %dma_wait3A_116 = tpu.memref_slice %arg22[%add3A_113, %dma_wait3A_115] : memref<10240x48xf32, #tpu.memory_space<vmem_shared>> -> memref<160x48xf32, #tpu.memory_space<vmem_shared>>
        tpu.wait_dma2 semaphore(%arg23 : memref<!tpu.dma_semaphore, #tpu.memory_space<semaphore_mem>>) src(%dma_wait3A_116 : memref<160x48xf32, #tpu.memory_space<vmem_shared>>) dst(%arg16 : memref<160x48xf32, #tpu.memory_space<vmem>>)
        "tpu.region"() ({
          %run_scoped3A = tpu.sem_alloc : memref<!tpu.dma_semaphore, #tpu.memory_space<semaphore_mem>>
          %dma_start3A_164 = arith.constant 0 : i32
          %dma_start3A_165 = tpu.memref_slice %arg22[%add3A_113, %dma_start3A_164] : memref<10240x48xf32, #tpu.memory_space<vmem_shared>> -> memref<160x48xf32, #tpu.memory_space<vmem_shared>>
          %dma_start3A_166 = arith.constant 0 : i32
          %dma_start3A_167 = tpu.memref_slice %arg7[%add3A_113, %dma_start3A_166] : memref<10240x48xf32, #tpu.memory_space<hbm>> -> memref<160x48xf32, #tpu.memory_space<hbm>>
          tpu.enqueue_dma source(%dma_start3A_167 : memref<160x48xf32, #tpu.memory_space<hbm>>) target(%dma_start3A_165 : memref<160x48xf32, #tpu.memory_space<vmem_shared>>) target_semaphore(%run_scoped3A : memref<!tpu.dma_semaphore, #tpu.memory_space<semaphore_mem>>)
          %dma_wait3A_168 = arith.constant 0 : i32
          %dma_wait3A_169 = tpu.memref_slice %arg22[%add3A_113, %dma_wait3A_168] : memref<10240x48xf32, #tpu.memory_space<vmem_shared>> -> memref<160x48xf32, #tpu.memory_space<vmem_shared>>
          %dma_wait3A_170 = arith.constant 0 : i32
          %dma_wait3A_171 = tpu.memref_slice %arg7[%add3A_113, %dma_wait3A_170] : memref<10240x48xf32, #tpu.memory_space<hbm>> -> memref<160x48xf32, #tpu.memory_space<hbm>>
          tpu.wait_dma2 semaphore(%run_scoped3A : memref<!tpu.dma_semaphore, #tpu.memory_space<semaphore_mem>>) src(%dma_wait3A_171 : memref<160x48xf32, #tpu.memory_space<hbm>>) dst(%dma_wait3A_169 : memref<160x48xf32, #tpu.memory_space<vmem_shared>>)
          tpu.yield
        }) : () -> ()
        "tpu.region"() ({
          %run_scoped3A = tpu.sem_alloc : memref<!tpu.dma_semaphore, #tpu.memory_space<semaphore_mem>>
          %dma_start3A_164 = arith.constant 0 : i32
          %dma_start3A_165 = tpu.memref_slice %arg4[%add3A_113, %dma_start3A_164] : memref<10240x48xf32, #tpu.memory_space<hbm>> -> memref<160x48xf32, #tpu.memory_space<hbm>>
          %dma_start3A_166 = arith.constant 0 : i32
          %dma_start3A_167 = tpu.memref_slice %arg4[%add3A_113, %dma_start3A_166] : memref<10240x48xf32, #tpu.memory_space<hbm>> -> memref<160x48xf32, #tpu.memory_space<hbm>>
          tpu.enqueue_dma source(%dma_start3A_167 : memref<160x48xf32, #tpu.memory_space<hbm>>) target(%arg21 : memref<160x48xf32, #tpu.memory_space<vmem>>) target_semaphore(%run_scoped3A : memref<!tpu.dma_semaphore, #tpu.memory_space<semaphore_mem>>)
          %dma_wait3A_168 = arith.constant 0 : i32
          %dma_wait3A_169 = tpu.memref_slice %arg4[%add3A_113, %dma_wait3A_168] : memref<10240x48xf32, #tpu.memory_space<hbm>> -> memref<160x48xf32, #tpu.memory_space<hbm>>
          %dma_wait3A_170 = arith.constant 0 : i32
          %dma_wait3A_171 = tpu.memref_slice %arg4[%add3A_113, %dma_wait3A_170] : memref<10240x48xf32, #tpu.memory_space<hbm>> -> memref<160x48xf32, #tpu.memory_space<hbm>>
          tpu.wait_dma2 semaphore(%run_scoped3A : memref<!tpu.dma_semaphore, #tpu.memory_space<semaphore_mem>>) src(%dma_wait3A_171 : memref<160x48xf32, #tpu.memory_space<hbm>>) dst(%arg21 : memref<160x48xf32, #tpu.memory_space<vmem>>)
          tpu.yield
        }) : () -> ()
        %add3A_117 = arith.constant 0 : i32
        %add3A_118 = arith.addi %add3A_87, %add3A_117 : i32
        %dma_wait3A_119 = arith.constant 0 : i32
        %dma_wait3A_120 = tpu.memref_slice %arg9[%add3A_118, %dma_wait3A_119] : memref<20480x48xf32, #tpu.memory_space<hbm>> -> memref<160x48xf32, #tpu.memory_space<hbm>>
        %dma_wait3A_121 = arith.constant 0 : i32
        %dma_wait3A_122 = tpu.memref_slice %arg9[%add3A_118, %dma_wait3A_121] : memref<20480x48xf32, #tpu.memory_space<hbm>> -> memref<160x48xf32, #tpu.memory_space<hbm>>
        tpu.wait_dma2 semaphore(%arg24 : memref<!tpu.dma_semaphore, #tpu.memory_space<semaphore_mem>>) src(%dma_wait3A_122 : memref<160x48xf32, #tpu.memory_space<hbm>>) dst(%arg17 : memref<160x48xf32, #tpu.memory_space<vmem>>)
        %while3A_123 = arith.constant 0 : i32
        %while3A_124 = arith.constant 0 : i32
        %while3A_125 = arith.constant 160 : i32
        %while3A_126 = arith.subi %while3A_125, %while3A_124 : i32
        %while3A_127 = arith.addi %while3A_124, %while3A_126 : i32
        %while3A_128 = arith.constant 1 : i32
        %while3A_129 = arith.divsi %while3A_126, %while3A_128 : i32
        %while3A_130 = arith.muli %while3A_129, %while3A_128 : i32
        %while3A_131 = arith.addi %while3A_124, %while3A_130 : i32
        %while3A_132 = arith.constant 1 : i32
        scf.for %while3A_164 = %while3A_124 to %while3A_131 step %while3A_132  : i32 {
          %add3A_165 = arith.constant 0 : i32
          %add3A_166 = arith.addi %while3A_164, %add3A_165 : i32
          %get3A = arith.index_cast %add3A_166 : i32 to index
          %get3A_167 = arith.constant 0 : index
          %get3A_168 = tpu.vector_load %arg20[%get3A, %get3A_167] {strides = array<i32>} : memref<320x48xf32, #tpu.memory_space<vmem>>, vector<1x16xf32>,
          %get3A_169 = vector.shape_cast %get3A_168 : vector<1x16xf32> to vector<16xf32>
          %get3A_170 = arith.index_cast %while3A_164 : i32 to index
          %get3A_171 = arith.constant 0 : index
          %get3A_172 = tpu.vector_load %arg16[%get3A_170, %get3A_171] {strides = array<i32>} : memref<160x48xf32, #tpu.memory_space<vmem>>, vector<1x16xf32>,
          %get3A_173 = vector.shape_cast %get3A_172 : vector<1x16xf32> to vector<16xf32>
          %get3A_174 = arith.index_cast %while3A_164 : i32 to index
          %get3A_175 = arith.constant 0 : index
          %get3A_176 = tpu.vector_load %arg17[%get3A_174, %get3A_175] {strides = array<i32>} : memref<160x48xf32, #tpu.memory_space<vmem>>, vector<1x16xf32>,
          %get3A_177 = vector.shape_cast %get3A_176 : vector<1x16xf32> to vector<16xf32>
          %add3A_178 = arith.addf %get3A_173, %get3A_177 : vector<16xf32>
          %mul3A_179 = arith.mulf %get3A_169, %add3A_178 : vector<16xf32>
          %get3A_180 = arith.index_cast %while3A_164 : i32 to index
          %get3A_181 = arith.constant 0 : index
          %get3A_182 = tpu.vector_load %arg21[%get3A_180, %get3A_181] {strides = array<i32>} : memref<160x48xf32, #tpu.memory_space<vmem>>, vector<1x16xf32>,
          %get3A_183 = vector.shape_cast %get3A_182 : vector<1x16xf32> to vector<16xf32>
          %add3A_184 = arith.addf %mul3A_179, %get3A_183 : vector<16xf32>
          %swap3A = arith.index_cast %while3A_164 : i32 to index
          %swap3A_185 = arith.constant 0 : index
          %swap3A_186 = tpu.vector_load %arg16[%swap3A, %swap3A_185] {strides = array<i32>} : memref<160x48xf32, #tpu.memory_space<vmem>>, vector<1x16xf32>,
          %swap3A_187 = vector.shape_cast %swap3A_186 : vector<1x16xf32> to vector<16xf32>
          %swap3A_188 = vector.shape_cast %add3A_184 : vector<16xf32> to vector<1x16xf32>
          tpu.vector_store %arg16[%swap3A, %swap3A_185], %swap3A_188 {strides = array<i32>} : memref<160x48xf32, #tpu.memory_space<vmem>>, vector<1x16xf32>,
          %add3A_189 = arith.constant 0 : i32
          %add3A_190 = arith.addi %while3A_164, %add3A_189 : i32
          %get3A_191 = arith.index_cast %add3A_190 : i32 to index
          %get3A_192 = arith.constant 16 : index
          %get3A_193 = tpu.vector_load %arg20[%get3A_191, %get3A_192] {strides = array<i32>} : memref<320x48xf32, #tpu.memory_space<vmem>>, vector<1x16xf32>,
          %get3A_194 = vector.shape_cast %get3A_193 : vector<1x16xf32> to vector<16xf32>
          %get3A_195 = arith.index_cast %while3A_164 : i32 to index
          %get3A_196 = arith.constant 16 : index
          %get3A_197 = tpu.vector_load %arg16[%get3A_195, %get3A_196] {strides = array<i32>} : memref<160x48xf32, #tpu.memory_space<vmem>>, vector<1x16xf32>,
          %get3A_198 = vector.shape_cast %get3A_197 : vector<1x16xf32> to vector<16xf32>
          %get3A_199 = arith.index_cast %while3A_164 : i32 to index
          %get3A_200 = arith.constant 16 : index
          %get3A_201 = tpu.vector_load %arg17[%get3A_199, %get3A_200] {strides = array<i32>} : memref<160x48xf32, #tpu.memory_space<vmem>>, vector<1x16xf32>,
          %get3A_202 = vector.shape_cast %get3A_201 : vector<1x16xf32> to vector<16xf32>
          %add3A_203 = arith.addf %get3A_198, %get3A_202 : vector<16xf32>
          %mul3A_204 = arith.mulf %get3A_194, %add3A_203 : vector<16xf32>
          %get3A_205 = arith.index_cast %while3A_164 : i32 to index
          %get3A_206 = arith.constant 16 : index
          %get3A_207 = tpu.vector_load %arg21[%get3A_205, %get3A_206] {strides = array<i32>} : memref<160x48xf32, #tpu.memory_space<vmem>>, vector<1x16xf32>,
          %get3A_208 = vector.shape_cast %get3A_207 : vector<1x16xf32> to vector<16xf32>
          %add3A_209 = arith.addf %mul3A_204, %get3A_208 : vector<16xf32>
          %swap3A_210 = arith.index_cast %while3A_164 : i32 to index
          %swap3A_211 = arith.constant 16 : index
          %swap3A_212 = tpu.vector_load %arg16[%swap3A_210, %swap3A_211] {strides = array<i32>} : memref<160x48xf32, #tpu.memory_space<vmem>>, vector<1x16xf32>,
          %swap3A_213 = vector.shape_cast %swap3A_212 : vector<1x16xf32> to vector<16xf32>
          %swap3A_214 = vector.shape_cast %add3A_209 : vector<16xf32> to vector<1x16xf32>
          tpu.vector_store %arg16[%swap3A_210, %swap3A_211], %swap3A_214 {strides = array<i32>} : memref<160x48xf32, #tpu.memory_space<vmem>>, vector<1x16xf32>,
          %add3A_215 = arith.constant 0 : i32
          %add3A_216 = arith.addi %while3A_164, %add3A_215 : i32
          %get3A_217 = arith.index_cast %add3A_216 : i32 to index
          %get3A_218 = arith.constant 32 : index
          %get3A_219 = tpu.vector_load %arg20[%get3A_217, %get3A_218] {strides = array<i32>} : memref<320x48xf32, #tpu.memory_space<vmem>>, vector<1x16xf32>,
          %get3A_220 = vector.shape_cast %get3A_219 : vector<1x16xf32> to vector<16xf32>
          %get3A_221 = arith.index_cast %while3A_164 : i32 to index
          %get3A_222 = arith.constant 32 : index
          %get3A_223 = tpu.vector_load %arg16[%get3A_221, %get3A_222] {strides = array<i32>} : memref<160x48xf32, #tpu.memory_space<vmem>>, vector<1x16xf32>,
          %get3A_224 = vector.shape_cast %get3A_223 : vector<1x16xf32> to vector<16xf32>
          %get3A_225 = arith.index_cast %while3A_164 : i32 to index
          %get3A_226 = arith.constant 32 : index
          %get3A_227 = tpu.vector_load %arg17[%get3A_225, %get3A_226] {strides = array<i32>} : memref<160x48xf32, #tpu.memory_space<vmem>>, vector<1x16xf32>,
          %get3A_228 = vector.shape_cast %get3A_227 : vector<1x16xf32> to vector<16xf32>
          %add3A_229 = arith.addf %get3A_224, %get3A_228 : vector<16xf32>
          %mul3A_230 = arith.mulf %get3A_220, %add3A_229 : vector<16xf32>
          %get3A_231 = arith.index_cast %while3A_164 : i32 to index
          %get3A_232 = arith.constant 32 : index
          %get3A_233 = tpu.vector_load %arg21[%get3A_231, %get3A_232] {strides = array<i32>} : memref<160x48xf32, #tpu.memory_space<vmem>>, vector<1x16xf32>,
          %get3A_234 = vector.shape_cast %get3A_233 : vector<1x16xf32> to vector<16xf32>
          %add3A_235 = arith.addf %mul3A_230, %get3A_234 : vector<16xf32>
          %swap3A_236 = arith.index_cast %while3A_164 : i32 to index
          %swap3A_237 = arith.constant 32 : index
          %swap3A_238 = tpu.vector_load %arg16[%swap3A_236, %swap3A_237] {strides = array<i32>} : memref<160x48xf32, #tpu.memory_space<vmem>>, vector<1x16xf32>,
          %swap3A_239 = vector.shape_cast %swap3A_238 : vector<1x16xf32> to vector<16xf32>
          %swap3A_240 = vector.shape_cast %add3A_235 : vector<16xf32> to vector<1x16xf32>
          tpu.vector_store %arg16[%swap3A_236, %swap3A_237], %swap3A_240 {strides = array<i32>} : memref<160x48xf32, #tpu.memory_space<vmem>>, vector<1x16xf32>,
        }
        %while3A_133 = arith.constant 1 : i32
        scf.for %while3A_164 = %while3A_131 to %while3A_127 step %while3A_133  : i32 {
          %add3A_165 = arith.constant 0 : i32
          %add3A_166 = arith.addi %while3A_164, %add3A_165 : i32
          %get3A = arith.index_cast %add3A_166 : i32 to index
          %get3A_167 = arith.constant 0 : index
          %get3A_168 = tpu.vector_load %arg20[%get3A, %get3A_167] {strides = array<i32>} : memref<320x48xf32, #tpu.memory_space<vmem>>, vector<1x16xf32>,
          %get3A_169 = vector.shape_cast %get3A_168 : vector<1x16xf32> to vector<16xf32>
          %get3A_170 = arith.index_cast %while3A_164 : i32 to index
          %get3A_171 = arith.constant 0 : index
          %get3A_172 = tpu.vector_load %arg16[%get3A_170, %get3A_171] {strides = array<i32>} : memref<160x48xf32, #tpu.memory_space<vmem>>, vector<1x16xf32>,
          %get3A_173 = vector.shape_cast %get3A_172 : vector<1x16xf32> to vector<16xf32>
          %get3A_174 = arith.index_cast %while3A_164 : i32 to index
          %get3A_175 = arith.constant 0 : index
          %get3A_176 = tpu.vector_load %arg17[%get3A_174, %get3A_175] {strides = array<i32>} : memref<160x48xf32, #tpu.memory_space<vmem>>, vector<1x16xf32>,
          %get3A_177 = vector.shape_cast %get3A_176 : vector<1x16xf32> to vector<16xf32>
          %add3A_178 = arith.addf %get3A_173, %get3A_177 : vector<16xf32>
          %mul3A_179 = arith.mulf %get3A_169, %add3A_178 : vector<16xf32>
          %get3A_180 = arith.index_cast %while3A_164 : i32 to index
          %get3A_181 = arith.constant 0 : index
          %get3A_182 = tpu.vector_load %arg21[%get3A_180, %get3A_181] {strides = array<i32>} : memref<160x48xf32, #tpu.memory_space<vmem>>, vector<1x16xf32>,
          %get3A_183 = vector.shape_cast %get3A_182 : vector<1x16xf32> to vector<16xf32>
          %add3A_184 = arith.addf %mul3A_179, %get3A_183 : vector<16xf32>
          %swap3A = arith.index_cast %while3A_164 : i32 to index
          %swap3A_185 = arith.constant 0 : index
          %swap3A_186 = tpu.vector_load %arg16[%swap3A, %swap3A_185] {strides = array<i32>} : memref<160x48xf32, #tpu.memory_space<vmem>>, vector<1x16xf32>,
          %swap3A_187 = vector.shape_cast %swap3A_186 : vector<1x16xf32> to vector<16xf32>
          %swap3A_188 = vector.shape_cast %add3A_184 : vector<16xf32> to vector<1x16xf32>
          tpu.vector_store %arg16[%swap3A, %swap3A_185], %swap3A_188 {strides = array<i32>} : memref<160x48xf32, #tpu.memory_space<vmem>>, vector<1x16xf32>,
          %add3A_189 = arith.constant 0 : i32
          %add3A_190 = arith.addi %while3A_164, %add3A_189 : i32
          %get3A_191 = arith.index_cast %add3A_190 : i32 to index
          %get3A_192 = arith.constant 16 : index
          %get3A_193 = tpu.vector_load %arg20[%get3A_191, %get3A_192] {strides = array<i32>} : memref<320x48xf32, #tpu.memory_space<vmem>>, vector<1x16xf32>,
          %get3A_194 = vector.shape_cast %get3A_193 : vector<1x16xf32> to vector<16xf32>
          %get3A_195 = arith.index_cast %while3A_164 : i32 to index
          %get3A_196 = arith.constant 16 : index
          %get3A_197 = tpu.vector_load %arg16[%get3A_195, %get3A_196] {strides = array<i32>} : memref<160x48xf32, #tpu.memory_space<vmem>>, vector<1x16xf32>,
          %get3A_198 = vector.shape_cast %get3A_197 : vector<1x16xf32> to vector<16xf32>
          %get3A_199 = arith.index_cast %while3A_164 : i32 to index
          %get3A_200 = arith.constant 16 : index
          %get3A_201 = tpu.vector_load %arg17[%get3A_199, %get3A_200] {strides = array<i32>} : memref<160x48xf32, #tpu.memory_space<vmem>>, vector<1x16xf32>,
          %get3A_202 = vector.shape_cast %get3A_201 : vector<1x16xf32> to vector<16xf32>
          %add3A_203 = arith.addf %get3A_198, %get3A_202 : vector<16xf32>
          %mul3A_204 = arith.mulf %get3A_194, %add3A_203 : vector<16xf32>
          %get3A_205 = arith.index_cast %while3A_164 : i32 to index
          %get3A_206 = arith.constant 16 : index
          %get3A_207 = tpu.vector_load %arg21[%get3A_205, %get3A_206] {strides = array<i32>} : memref<160x48xf32, #tpu.memory_space<vmem>>, vector<1x16xf32>,
          %get3A_208 = vector.shape_cast %get3A_207 : vector<1x16xf32> to vector<16xf32>
          %add3A_209 = arith.addf %mul3A_204, %get3A_208 : vector<16xf32>
          %swap3A_210 = arith.index_cast %while3A_164 : i32 to index
          %swap3A_211 = arith.constant 16 : index
          %swap3A_212 = tpu.vector_load %arg16[%swap3A_210, %swap3A_211] {strides = array<i32>} : memref<160x48xf32, #tpu.memory_space<vmem>>, vector<1x16xf32>,
          %swap3A_213 = vector.shape_cast %swap3A_212 : vector<1x16xf32> to vector<16xf32>
          %swap3A_214 = vector.shape_cast %add3A_209 : vector<16xf32> to vector<1x16xf32>
          tpu.vector_store %arg16[%swap3A_210, %swap3A_211], %swap3A_214 {strides = array<i32>} : memref<160x48xf32, #tpu.memory_space<vmem>>, vector<1x16xf32>,
          %add3A_215 = arith.constant 0 : i32
          %add3A_216 = arith.addi %while3A_164, %add3A_215 : i32
          %get3A_217 = arith.index_cast %add3A_216 : i32 to index
          %get3A_218 = arith.constant 32 : index
          %get3A_219 = tpu.vector_load %arg20[%get3A_217, %get3A_218] {strides = array<i32>} : memref<320x48xf32, #tpu.memory_space<vmem>>, vector<1x16xf32>,
          %get3A_220 = vector.shape_cast %get3A_219 : vector<1x16xf32> to vector<16xf32>
          %get3A_221 = arith.index_cast %while3A_164 : i32 to index
          %get3A_222 = arith.constant 32 : index
          %get3A_223 = tpu.vector_load %arg16[%get3A_221, %get3A_222] {strides = array<i32>} : memref<160x48xf32, #tpu.memory_space<vmem>>, vector<1x16xf32>,
          %get3A_224 = vector.shape_cast %get3A_223 : vector<1x16xf32> to vector<16xf32>
          %get3A_225 = arith.index_cast %while3A_164 : i32 to index
          %get3A_226 = arith.constant 32 : index
          %get3A_227 = tpu.vector_load %arg17[%get3A_225, %get3A_226] {strides = array<i32>} : memref<160x48xf32, #tpu.memory_space<vmem>>, vector<1x16xf32>,
          %get3A_228 = vector.shape_cast %get3A_227 : vector<1x16xf32> to vector<16xf32>
          %add3A_229 = arith.addf %get3A_224, %get3A_228 : vector<16xf32>
          %mul3A_230 = arith.mulf %get3A_220, %add3A_229 : vector<16xf32>
          %get3A_231 = arith.index_cast %while3A_164 : i32 to index
          %get3A_232 = arith.constant 32 : index
          %get3A_233 = tpu.vector_load %arg21[%get3A_231, %get3A_232] {strides = array<i32>} : memref<160x48xf32, #tpu.memory_space<vmem>>, vector<1x16xf32>,
          %get3A_234 = vector.shape_cast %get3A_233 : vector<1x16xf32> to vector<16xf32>
          %add3A_235 = arith.addf %mul3A_230, %get3A_234 : vector<16xf32>
          %swap3A_236 = arith.index_cast %while3A_164 : i32 to index
          %swap3A_237 = arith.constant 32 : index
          %swap3A_238 = tpu.vector_load %arg16[%swap3A_236, %swap3A_237] {strides = array<i32>} : memref<160x48xf32, #tpu.memory_space<vmem>>, vector<1x16xf32>,
          %swap3A_239 = vector.shape_cast %swap3A_238 : vector<1x16xf32> to vector<16xf32>
          %swap3A_240 = vector.shape_cast %add3A_235 : vector<16xf32> to vector<1x16xf32>
          tpu.vector_store %arg16[%swap3A_236, %swap3A_237], %swap3A_240 {strides = array<i32>} : memref<160x48xf32, #tpu.memory_space<vmem>>, vector<1x16xf32>,
        }
        "tpu.region"() ({
          %run_scoped3A = tpu.sem_alloc : memref<!tpu.dma_semaphore, #tpu.memory_space<semaphore_mem>>
          %dma_start3A_164 = arith.constant 0 : i32
          %dma_start3A_165 = tpu.memref_slice %arg8[%add3A_113, %dma_start3A_164] : memref<10240x48xf32, #tpu.memory_space<hbm>> -> memref<160x48xf32, #tpu.memory_space<hbm>>
          %dma_start3A_166 = arith.constant 0 : i32
          %dma_start3A_167 = tpu.memref_slice %arg8[%add3A_113, %dma_start3A_166] : memref<10240x48xf32, #tpu.memory_space<hbm>> -> memref<160x48xf32, #tpu.memory_space<hbm>>
          tpu.enqueue_dma source(%arg16 : memref<160x48xf32, #tpu.memory_space<vmem>>) target(%dma_start3A_167 : memref<160x48xf32, #tpu.memory_space<hbm>>) target_semaphore(%run_scoped3A : memref<!tpu.dma_semaphore, #tpu.memory_space<semaphore_mem>>)
          %dma_wait3A_168 = arith.constant 0 : i32
          %dma_wait3A_169 = tpu.memref_slice %arg8[%add3A_113, %dma_wait3A_168] : memref<10240x48xf32, #tpu.memory_space<hbm>> -> memref<160x48xf32, #tpu.memory_space<hbm>>
          %dma_wait3A_170 = arith.constant 0 : i32
          %dma_wait3A_171 = tpu.memref_slice %arg8[%add3A_113, %dma_wait3A_170] : memref<10240x48xf32, #tpu.memory_space<hbm>> -> memref<160x48xf32, #tpu.memory_space<hbm>>
          tpu.wait_dma2 semaphore(%run_scoped3A : memref<!tpu.dma_semaphore, #tpu.memory_space<semaphore_mem>>) src(%arg16 : memref<160x48xf32, #tpu.memory_space<vmem>>) dst(%dma_wait3A_171 : memref<160x48xf32, #tpu.memory_space<hbm>>)
          tpu.yield
        }) : () -> ()
        %add3A_134 = arith.constant 160 : i32
        %add3A_135 = arith.addi %add3A_7, %add3A_134 : i32
        %dma_wait3A_136 = arith.constant 0 : i32
        %dma_wait3A_137 = tpu.memref_slice %arg22[%add3A_135, %dma_wait3A_136] : memref<10240x48xf32, #tpu.memory_space<vmem_shared>> -> memref<160x48xf32, #tpu.memory_space<vmem_shared>>
        %dma_wait3A_138 = arith.constant 0 : i32
        %dma_wait3A_139 = tpu.memref_slice %arg22[%add3A_135, %dma_wait3A_138] : memref<10240x48xf32, #tpu.memory_space<vmem_shared>> -> memref<160x48xf32, #tpu.memory_space<vmem_shared>>
        tpu.wait_dma2 semaphore(%arg25 : memref<!tpu.dma_semaphore, #tpu.memory_space<semaphore_mem>>) src(%dma_wait3A_139 : memref<160x48xf32, #tpu.memory_space<vmem_shared>>) dst(%arg18 : memref<160x48xf32, #tpu.memory_space<vmem>>)
        "tpu.region"() ({
          %run_scoped3A = tpu.sem_alloc : memref<!tpu.dma_semaphore, #tpu.memory_space<semaphore_mem>>
          %dma_start3A_164 = arith.constant 0 : i32
          %dma_start3A_165 = tpu.memref_slice %arg22[%add3A_135, %dma_start3A_164] : memref<10240x48xf32, #tpu.memory_space<vmem_shared>> -> memref<160x48xf32, #tpu.memory_space<vmem_shared>>
          %dma_start3A_166 = arith.constant 0 : i32
          %dma_start3A_167 = tpu.memref_slice %arg7[%add3A_135, %dma_start3A_166] : memref<10240x48xf32, #tpu.memory_space<hbm>> -> memref<160x48xf32, #tpu.memory_space<hbm>>
          tpu.enqueue_dma source(%dma_start3A_167 : memref<160x48xf32, #tpu.memory_space<hbm>>) target(%dma_start3A_165 : memref<160x48xf32, #tpu.memory_space<vmem_shared>>) target_semaphore(%run_scoped3A : memref<!tpu.dma_semaphore, #tpu.memory_space<semaphore_mem>>)
          %dma_wait3A_168 = arith.constant 0 : i32
          %dma_wait3A_169 = tpu.memref_slice %arg22[%add3A_135, %dma_wait3A_168] : memref<10240x48xf32, #tpu.memory_space<vmem_shared>> -> memref<160x48xf32, #tpu.memory_space<vmem_shared>>
          %dma_wait3A_170 = arith.constant 0 : i32
          %dma_wait3A_171 = tpu.memref_slice %arg7[%add3A_135, %dma_wait3A_170] : memref<10240x48xf32, #tpu.memory_space<hbm>> -> memref<160x48xf32, #tpu.memory_space<hbm>>
          tpu.wait_dma2 semaphore(%run_scoped3A : memref<!tpu.dma_semaphore, #tpu.memory_space<semaphore_mem>>) src(%dma_wait3A_171 : memref<160x48xf32, #tpu.memory_space<hbm>>) dst(%dma_wait3A_169 : memref<160x48xf32, #tpu.memory_space<vmem_shared>>)
          tpu.yield
        }) : () -> ()
        "tpu.region"() ({
          %run_scoped3A = tpu.sem_alloc : memref<!tpu.dma_semaphore, #tpu.memory_space<semaphore_mem>>
          %dma_start3A_164 = arith.constant 0 : i32
          %dma_start3A_165 = tpu.memref_slice %arg4[%add3A_135, %dma_start3A_164] : memref<10240x48xf32, #tpu.memory_space<hbm>> -> memref<160x48xf32, #tpu.memory_space<hbm>>
          %dma_start3A_166 = arith.constant 0 : i32
          %dma_start3A_167 = tpu.memref_slice %arg4[%add3A_135, %dma_start3A_166] : memref<10240x48xf32, #tpu.memory_space<hbm>> -> memref<160x48xf32, #tpu.memory_space<hbm>>
          tpu.enqueue_dma source(%dma_start3A_167 : memref<160x48xf32, #tpu.memory_space<hbm>>) target(%arg21 : memref<160x48xf32, #tpu.memory_space<vmem>>) target_semaphore(%run_scoped3A : memref<!tpu.dma_semaphore, #tpu.memory_space<semaphore_mem>>)
          %dma_wait3A_168 = arith.constant 0 : i32
          %dma_wait3A_169 = tpu.memref_slice %arg4[%add3A_135, %dma_wait3A_168] : memref<10240x48xf32, #tpu.memory_space<hbm>> -> memref<160x48xf32, #tpu.memory_space<hbm>>
          %dma_wait3A_170 = arith.constant 0 : i32
          %dma_wait3A_171 = tpu.memref_slice %arg4[%add3A_135, %dma_wait3A_170] : memref<10240x48xf32, #tpu.memory_space<hbm>> -> memref<160x48xf32, #tpu.memory_space<hbm>>
          tpu.wait_dma2 semaphore(%run_scoped3A : memref<!tpu.dma_semaphore, #tpu.memory_space<semaphore_mem>>) src(%dma_wait3A_171 : memref<160x48xf32, #tpu.memory_space<hbm>>) dst(%arg21 : memref<160x48xf32, #tpu.memory_space<vmem>>)
          tpu.yield
        }) : () -> ()
        %add3A_140 = arith.constant 160 : i32
        %add3A_141 = arith.addi %add3A_87, %add3A_140 : i32
        %dma_wait3A_142 = arith.constant 0 : i32
        %dma_wait3A_143 = tpu.memref_slice %arg9[%add3A_141, %dma_wait3A_142] : memref<20480x48xf32, #tpu.memory_space<hbm>> -> memref<160x48xf32, #tpu.memory_space<hbm>>
        %dma_wait3A_144 = arith.constant 0 : i32
        %dma_wait3A_145 = tpu.memref_slice %arg9[%add3A_141, %dma_wait3A_144] : memref<20480x48xf32, #tpu.memory_space<hbm>> -> memref<160x48xf32, #tpu.memory_space<hbm>>
        tpu.wait_dma2 semaphore(%arg26 : memref<!tpu.dma_semaphore, #tpu.memory_space<semaphore_mem>>) src(%dma_wait3A_145 : memref<160x48xf32, #tpu.memory_space<hbm>>) dst(%arg19 : memref<160x48xf32, #tpu.memory_space<vmem>>)
        %while3A_146 = arith.constant 0 : i32
        %while3A_147 = arith.constant 0 : i32
        %while3A_148 = arith.constant 160 : i32
        %while3A_149 = arith.subi %while3A_148, %while3A_147 : i32
        %while3A_150 = arith.addi %while3A_147, %while3A_149 : i32
        %while3A_151 = arith.constant 1 : i32
        %while3A_152 = arith.divsi %while3A_149, %while3A_151 : i32
        %while3A_153 = arith.muli %while3A_152, %while3A_151 : i32
        %while3A_154 = arith.addi %while3A_147, %while3A_153 : i32
        %while3A_155 = arith.constant 1 : i32
        scf.for %while3A_164 = %while3A_147 to %while3A_154 step %while3A_155  : i32 {
          %add3A_165 = arith.constant 160 : i32
          %add3A_166 = arith.addi %while3A_164, %add3A_165 : i32
          %get3A = arith.index_cast %add3A_166 : i32 to index
          %get3A_167 = arith.constant 0 : index
          %get3A_168 = tpu.vector_load %arg20[%get3A, %get3A_167] {strides = array<i32>} : memref<320x48xf32, #tpu.memory_space<vmem>>, vector<1x16xf32>,
          %get3A_169 = vector.shape_cast %get3A_168 : vector<1x16xf32> to vector<16xf32>
          %get3A_170 = arith.index_cast %while3A_164 : i32 to index
          %get3A_171 = arith.constant 0 : index
          %get3A_172 = tpu.vector_load %arg18[%get3A_170, %get3A_171] {strides = array<i32>} : memref<160x48xf32, #tpu.memory_space<vmem>>, vector<1x16xf32>,
          %get3A_173 = vector.shape_cast %get3A_172 : vector<1x16xf32> to vector<16xf32>
          %get3A_174 = arith.index_cast %while3A_164 : i32 to index
          %get3A_175 = arith.constant 0 : index
          %get3A_176 = tpu.vector_load %arg19[%get3A_174, %get3A_175] {strides = array<i32>} : memref<160x48xf32, #tpu.memory_space<vmem>>, vector<1x16xf32>,
          %get3A_177 = vector.shape_cast %get3A_176 : vector<1x16xf32> to vector<16xf32>
          %add3A_178 = arith.addf %get3A_173, %get3A_177 : vector<16xf32>
          %mul3A_179 = arith.mulf %get3A_169, %add3A_178 : vector<16xf32>
          %get3A_180 = arith.index_cast %while3A_164 : i32 to index
          %get3A_181 = arith.constant 0 : index
          %get3A_182 = tpu.vector_load %arg21[%get3A_180, %get3A_181] {strides = array<i32>} : memref<160x48xf32, #tpu.memory_space<vmem>>, vector<1x16xf32>,
          %get3A_183 = vector.shape_cast %get3A_182 : vector<1x16xf32> to vector<16xf32>
          %add3A_184 = arith.addf %mul3A_179, %get3A_183 : vector<16xf32>
          %swap3A = arith.index_cast %while3A_164 : i32 to index
          %swap3A_185 = arith.constant 0 : index
          %swap3A_186 = tpu.vector_load %arg18[%swap3A, %swap3A_185] {strides = array<i32>} : memref<160x48xf32, #tpu.memory_space<vmem>>, vector<1x16xf32>,
          %swap3A_187 = vector.shape_cast %swap3A_186 : vector<1x16xf32> to vector<16xf32>
          %swap3A_188 = vector.shape_cast %add3A_184 : vector<16xf32> to vector<1x16xf32>
          tpu.vector_store %arg18[%swap3A, %swap3A_185], %swap3A_188 {strides = array<i32>} : memref<160x48xf32, #tpu.memory_space<vmem>>, vector<1x16xf32>,
          %add3A_189 = arith.constant 160 : i32
          %add3A_190 = arith.addi %while3A_164, %add3A_189 : i32
          %get3A_191 = arith.index_cast %add3A_190 : i32 to index
          %get3A_192 = arith.constant 16 : index
          %get3A_193 = tpu.vector_load %arg20[%get3A_191, %get3A_192] {strides = array<i32>} : memref<320x48xf32, #tpu.memory_space<vmem>>, vector<1x16xf32>,
          %get3A_194 = vector.shape_cast %get3A_193 : vector<1x16xf32> to vector<16xf32>
          %get3A_195 = arith.index_cast %while3A_164 : i32 to index
          %get3A_196 = arith.constant 16 : index
          %get3A_197 = tpu.vector_load %arg18[%get3A_195, %get3A_196] {strides = array<i32>} : memref<160x48xf32, #tpu.memory_space<vmem>>, vector<1x16xf32>,
          %get3A_198 = vector.shape_cast %get3A_197 : vector<1x16xf32> to vector<16xf32>
          %get3A_199 = arith.index_cast %while3A_164 : i32 to index
          %get3A_200 = arith.constant 16 : index
          %get3A_201 = tpu.vector_load %arg19[%get3A_199, %get3A_200] {strides = array<i32>} : memref<160x48xf32, #tpu.memory_space<vmem>>, vector<1x16xf32>,
          %get3A_202 = vector.shape_cast %get3A_201 : vector<1x16xf32> to vector<16xf32>
          %add3A_203 = arith.addf %get3A_198, %get3A_202 : vector<16xf32>
          %mul3A_204 = arith.mulf %get3A_194, %add3A_203 : vector<16xf32>
          %get3A_205 = arith.index_cast %while3A_164 : i32 to index
          %get3A_206 = arith.constant 16 : index
          %get3A_207 = tpu.vector_load %arg21[%get3A_205, %get3A_206] {strides = array<i32>} : memref<160x48xf32, #tpu.memory_space<vmem>>, vector<1x16xf32>,
          %get3A_208 = vector.shape_cast %get3A_207 : vector<1x16xf32> to vector<16xf32>
          %add3A_209 = arith.addf %mul3A_204, %get3A_208 : vector<16xf32>
          %swap3A_210 = arith.index_cast %while3A_164 : i32 to index
          %swap3A_211 = arith.constant 16 : index
          %swap3A_212 = tpu.vector_load %arg18[%swap3A_210, %swap3A_211] {strides = array<i32>} : memref<160x48xf32, #tpu.memory_space<vmem>>, vector<1x16xf32>,
          %swap3A_213 = vector.shape_cast %swap3A_212 : vector<1x16xf32> to vector<16xf32>
          %swap3A_214 = vector.shape_cast %add3A_209 : vector<16xf32> to vector<1x16xf32>
          tpu.vector_store %arg18[%swap3A_210, %swap3A_211], %swap3A_214 {strides = array<i32>} : memref<160x48xf32, #tpu.memory_space<vmem>>, vector<1x16xf32>,
          %add3A_215 = arith.constant 160 : i32
          %add3A_216 = arith.addi %while3A_164, %add3A_215 : i32
          %get3A_217 = arith.index_cast %add3A_216 : i32 to index
          %get3A_218 = arith.constant 32 : index
          %get3A_219 = tpu.vector_load %arg20[%get3A_217, %get3A_218] {strides = array<i32>} : memref<320x48xf32, #tpu.memory_space<vmem>>, vector<1x16xf32>,
          %get3A_220 = vector.shape_cast %get3A_219 : vector<1x16xf32> to vector<16xf32>
          %get3A_221 = arith.index_cast %while3A_164 : i32 to index
          %get3A_222 = arith.constant 32 : index
          %get3A_223 = tpu.vector_load %arg18[%get3A_221, %get3A_222] {strides = array<i32>} : memref<160x48xf32, #tpu.memory_space<vmem>>, vector<1x16xf32>,
          %get3A_224 = vector.shape_cast %get3A_223 : vector<1x16xf32> to vector<16xf32>
          %get3A_225 = arith.index_cast %while3A_164 : i32 to index
          %get3A_226 = arith.constant 32 : index
          %get3A_227 = tpu.vector_load %arg19[%get3A_225, %get3A_226] {strides = array<i32>} : memref<160x48xf32, #tpu.memory_space<vmem>>, vector<1x16xf32>,
          %get3A_228 = vector.shape_cast %get3A_227 : vector<1x16xf32> to vector<16xf32>
          %add3A_229 = arith.addf %get3A_224, %get3A_228 : vector<16xf32>
          %mul3A_230 = arith.mulf %get3A_220, %add3A_229 : vector<16xf32>
          %get3A_231 = arith.index_cast %while3A_164 : i32 to index
          %get3A_232 = arith.constant 32 : index
          %get3A_233 = tpu.vector_load %arg21[%get3A_231, %get3A_232] {strides = array<i32>} : memref<160x48xf32, #tpu.memory_space<vmem>>, vector<1x16xf32>,
          %get3A_234 = vector.shape_cast %get3A_233 : vector<1x16xf32> to vector<16xf32>
          %add3A_235 = arith.addf %mul3A_230, %get3A_234 : vector<16xf32>
          %swap3A_236 = arith.index_cast %while3A_164 : i32 to index
          %swap3A_237 = arith.constant 32 : index
          %swap3A_238 = tpu.vector_load %arg18[%swap3A_236, %swap3A_237] {strides = array<i32>} : memref<160x48xf32, #tpu.memory_space<vmem>>, vector<1x16xf32>,
          %swap3A_239 = vector.shape_cast %swap3A_238 : vector<1x16xf32> to vector<16xf32>
          %swap3A_240 = vector.shape_cast %add3A_235 : vector<16xf32> to vector<1x16xf32>
          tpu.vector_store %arg18[%swap3A_236, %swap3A_237], %swap3A_240 {strides = array<i32>} : memref<160x48xf32, #tpu.memory_space<vmem>>, vector<1x16xf32>,
        }
        %while3A_156 = arith.constant 1 : i32
        scf.for %while3A_164 = %while3A_154 to %while3A_150 step %while3A_156  : i32 {
          %add3A_165 = arith.constant 160 : i32
          %add3A_166 = arith.addi %while3A_164, %add3A_165 : i32
          %get3A = arith.index_cast %add3A_166 : i32 to index
          %get3A_167 = arith.constant 0 : index
          %get3A_168 = tpu.vector_load %arg20[%get3A, %get3A_167] {strides = array<i32>} : memref<320x48xf32, #tpu.memory_space<vmem>>, vector<1x16xf32>,
          %get3A_169 = vector.shape_cast %get3A_168 : vector<1x16xf32> to vector<16xf32>
          %get3A_170 = arith.index_cast %while3A_164 : i32 to index
          %get3A_171 = arith.constant 0 : index
          %get3A_172 = tpu.vector_load %arg18[%get3A_170, %get3A_171] {strides = array<i32>} : memref<160x48xf32, #tpu.memory_space<vmem>>, vector<1x16xf32>,
          %get3A_173 = vector.shape_cast %get3A_172 : vector<1x16xf32> to vector<16xf32>
          %get3A_174 = arith.index_cast %while3A_164 : i32 to index
          %get3A_175 = arith.constant 0 : index
          %get3A_176 = tpu.vector_load %arg19[%get3A_174, %get3A_175] {strides = array<i32>} : memref<160x48xf32, #tpu.memory_space<vmem>>, vector<1x16xf32>,
          %get3A_177 = vector.shape_cast %get3A_176 : vector<1x16xf32> to vector<16xf32>
          %add3A_178 = arith.addf %get3A_173, %get3A_177 : vector<16xf32>
          %mul3A_179 = arith.mulf %get3A_169, %add3A_178 : vector<16xf32>
          %get3A_180 = arith.index_cast %while3A_164 : i32 to index
          %get3A_181 = arith.constant 0 : index
          %get3A_182 = tpu.vector_load %arg21[%get3A_180, %get3A_181] {strides = array<i32>} : memref<160x48xf32, #tpu.memory_space<vmem>>, vector<1x16xf32>,
          %get3A_183 = vector.shape_cast %get3A_182 : vector<1x16xf32> to vector<16xf32>
          %add3A_184 = arith.addf %mul3A_179, %get3A_183 : vector<16xf32>
          %swap3A = arith.index_cast %while3A_164 : i32 to index
          %swap3A_185 = arith.constant 0 : index
          %swap3A_186 = tpu.vector_load %arg18[%swap3A, %swap3A_185] {strides = array<i32>} : memref<160x48xf32, #tpu.memory_space<vmem>>, vector<1x16xf32>,
          %swap3A_187 = vector.shape_cast %swap3A_186 : vector<1x16xf32> to vector<16xf32>
          %swap3A_188 = vector.shape_cast %add3A_184 : vector<16xf32> to vector<1x16xf32>
          tpu.vector_store %arg18[%swap3A, %swap3A_185], %swap3A_188 {strides = array<i32>} : memref<160x48xf32, #tpu.memory_space<vmem>>, vector<1x16xf32>,
          %add3A_189 = arith.constant 160 : i32
          %add3A_190 = arith.addi %while3A_164, %add3A_189 : i32
          %get3A_191 = arith.index_cast %add3A_190 : i32 to index
          %get3A_192 = arith.constant 16 : index
          %get3A_193 = tpu.vector_load %arg20[%get3A_191, %get3A_192] {strides = array<i32>} : memref<320x48xf32, #tpu.memory_space<vmem>>, vector<1x16xf32>,
          %get3A_194 = vector.shape_cast %get3A_193 : vector<1x16xf32> to vector<16xf32>
          %get3A_195 = arith.index_cast %while3A_164 : i32 to index
          %get3A_196 = arith.constant 16 : index
          %get3A_197 = tpu.vector_load %arg18[%get3A_195, %get3A_196] {strides = array<i32>} : memref<160x48xf32, #tpu.memory_space<vmem>>, vector<1x16xf32>,
          %get3A_198 = vector.shape_cast %get3A_197 : vector<1x16xf32> to vector<16xf32>
          %get3A_199 = arith.index_cast %while3A_164 : i32 to index
          %get3A_200 = arith.constant 16 : index
          %get3A_201 = tpu.vector_load %arg19[%get3A_199, %get3A_200] {strides = array<i32>} : memref<160x48xf32, #tpu.memory_space<vmem>>, vector<1x16xf32>,
          %get3A_202 = vector.shape_cast %get3A_201 : vector<1x16xf32> to vector<16xf32>
          %add3A_203 = arith.addf %get3A_198, %get3A_202 : vector<16xf32>
          %mul3A_204 = arith.mulf %get3A_194, %add3A_203 : vector<16xf32>
          %get3A_205 = arith.index_cast %while3A_164 : i32 to index
          %get3A_206 = arith.constant 16 : index
          %get3A_207 = tpu.vector_load %arg21[%get3A_205, %get3A_206] {strides = array<i32>} : memref<160x48xf32, #tpu.memory_space<vmem>>, vector<1x16xf32>,
          %get3A_208 = vector.shape_cast %get3A_207 : vector<1x16xf32> to vector<16xf32>
          %add3A_209 = arith.addf %mul3A_204, %get3A_208 : vector<16xf32>
          %swap3A_210 = arith.index_cast %while3A_164 : i32 to index
          %swap3A_211 = arith.constant 16 : index
          %swap3A_212 = tpu.vector_load %arg18[%swap3A_210, %swap3A_211] {strides = array<i32>} : memref<160x48xf32, #tpu.memory_space<vmem>>, vector<1x16xf32>,
          %swap3A_213 = vector.shape_cast %swap3A_212 : vector<1x16xf32> to vector<16xf32>
          %swap3A_214 = vector.shape_cast %add3A_209 : vector<16xf32> to vector<1x16xf32>
          tpu.vector_store %arg18[%swap3A_210, %swap3A_211], %swap3A_214 {strides = array<i32>} : memref<160x48xf32, #tpu.memory_space<vmem>>, vector<1x16xf32>,
          %add3A_215 = arith.constant 160 : i32
          %add3A_216 = arith.addi %while3A_164, %add3A_215 : i32
          %get3A_217 = arith.index_cast %add3A_216 : i32 to index
          %get3A_218 = arith.constant 32 : index
          %get3A_219 = tpu.vector_load %arg20[%get3A_217, %get3A_218] {strides = array<i32>} : memref<320x48xf32, #tpu.memory_space<vmem>>, vector<1x16xf32>,
          %get3A_220 = vector.shape_cast %get3A_219 : vector<1x16xf32> to vector<16xf32>
          %get3A_221 = arith.index_cast %while3A_164 : i32 to index
          %get3A_222 = arith.constant 32 : index
          %get3A_223 = tpu.vector_load %arg18[%get3A_221, %get3A_222] {strides = array<i32>} : memref<160x48xf32, #tpu.memory_space<vmem>>, vector<1x16xf32>,
          %get3A_224 = vector.shape_cast %get3A_223 : vector<1x16xf32> to vector<16xf32>
          %get3A_225 = arith.index_cast %while3A_164 : i32 to index
          %get3A_226 = arith.constant 32 : index
          %get3A_227 = tpu.vector_load %arg19[%get3A_225, %get3A_226] {strides = array<i32>} : memref<160x48xf32, #tpu.memory_space<vmem>>, vector<1x16xf32>,
          %get3A_228 = vector.shape_cast %get3A_227 : vector<1x16xf32> to vector<16xf32>
          %add3A_229 = arith.addf %get3A_224, %get3A_228 : vector<16xf32>
          %mul3A_230 = arith.mulf %get3A_220, %add3A_229 : vector<16xf32>
          %get3A_231 = arith.index_cast %while3A_164 : i32 to index
          %get3A_232 = arith.constant 32 : index
          %get3A_233 = tpu.vector_load %arg21[%get3A_231, %get3A_232] {strides = array<i32>} : memref<160x48xf32, #tpu.memory_space<vmem>>, vector<1x16xf32>,
          %get3A_234 = vector.shape_cast %get3A_233 : vector<1x16xf32> to vector<16xf32>
          %add3A_235 = arith.addf %mul3A_230, %get3A_234 : vector<16xf32>
          %swap3A_236 = arith.index_cast %while3A_164 : i32 to index
          %swap3A_237 = arith.constant 32 : index
          %swap3A_238 = tpu.vector_load %arg18[%swap3A_236, %swap3A_237] {strides = array<i32>} : memref<160x48xf32, #tpu.memory_space<vmem>>, vector<1x16xf32>,
          %swap3A_239 = vector.shape_cast %swap3A_238 : vector<1x16xf32> to vector<16xf32>
          %swap3A_240 = vector.shape_cast %add3A_235 : vector<16xf32> to vector<1x16xf32>
          tpu.vector_store %arg18[%swap3A_236, %swap3A_237], %swap3A_240 {strides = array<i32>} : memref<160x48xf32, #tpu.memory_space<vmem>>, vector<1x16xf32>,
        }
        "tpu.region"() ({
          %run_scoped3A = tpu.sem_alloc : memref<!tpu.dma_semaphore, #tpu.memory_space<semaphore_mem>>
          %dma_start3A_164 = arith.constant 0 : i32
          %dma_start3A_165 = tpu.memref_slice %arg8[%add3A_135, %dma_start3A_164] : memref<10240x48xf32, #tpu.memory_space<hbm>> -> memref<160x48xf32, #tpu.memory_space<hbm>>
          %dma_start3A_166 = arith.constant 0 : i32
          %dma_start3A_167 = tpu.memref_slice %arg8[%add3A_135, %dma_start3A_166] : memref<10240x48xf32, #tpu.memory_space<hbm>> -> memref<160x48xf32, #tpu.memory_space<hbm>>
          tpu.enqueue_dma source(%arg18 : memref<160x48xf32, #tpu.memory_space<vmem>>) target(%dma_start3A_167 : memref<160x48xf32, #tpu.memory_space<hbm>>) target_semaphore(%run_scoped3A : memref<!tpu.dma_semaphore, #tpu.memory_space<semaphore_mem>>)
          %dma_wait3A_168 = arith.constant 0 : i32
          %dma_wait3A_169 = tpu.memref_slice %arg8[%add3A_135, %dma_wait3A_168] : memref<10240x48xf32, #tpu.memory_space<hbm>> -> memref<160x48xf32, #tpu.memory_space<hbm>>
          %dma_wait3A_170 = arith.constant 0 : i32
          %dma_wait3A_171 = tpu.memref_slice %arg8[%add3A_135, %dma_wait3A_170] : memref<10240x48xf32, #tpu.memory_space<hbm>> -> memref<160x48xf32, #tpu.memory_space<hbm>>
          tpu.wait_dma2 semaphore(%run_scoped3A : memref<!tpu.dma_semaphore, #tpu.memory_space<semaphore_mem>>) src(%arg18 : memref<160x48xf32, #tpu.memory_space<vmem>>) dst(%dma_wait3A_171 : memref<160x48xf32, #tpu.memory_space<hbm>>)
          tpu.yield
        }) : () -> ()
        %barrier3A_157 = arith.constant 0 : index
        tpu.barrier barrier_id(%barrier3A_157)
        %eq3A_158 = arith.constant 0 : i32
        %eq3A_159 = arith.cmpi eq, %arg1, %eq3A_158 : i32
        %convert_element_type3A_160 = arith.extui %eq3A_159 : i1 to i32
        %cond3A_161 = arith.constant 0 : i32
        %cond3A_162 = arith.cmpi ne, %convert_element_type3A_160, %cond3A_161 : i32
        scf.if %cond3A_162 {
          %sub3A_164 = arith.constant 1 : i32
          %sub3A_165 = arith.subi %sub3A_164, %arg0 : i32
          %semaphore_signal3A = arith.constant 1 : i32
          tpu.sem_signal %arg27, %semaphore_signal3A core_id %sub3A_165 : memref<!tpu.semaphore, #tpu.memory_space<semaphore_mem>>
          %semaphore_wait3A = arith.constant 1 : i32
          %semaphore_wait3A_166 = arith.constant true
          tpu.sem_wait %arg27, %semaphore_wait3A : memref<!tpu.semaphore, #tpu.memory_space<semaphore_mem>>
        } else {
        }
        %barrier3A_163 = arith.constant 0 : index
        tpu.barrier barrier_id(%barrier3A_163)
      } else {
      }
    }
    %while3A_24 = arith.constant 1 : i32
    scf.for %while3A_25 = %while3A_22 to %while3A_18 step %while3A_24  : i32 {
      %dma_start3A = arith.constant 0 : i32
      %dma_start3A_26 = arith.constant 0 : i32
      %dma_start3A_27 = tpu.memref_slice %arg10[%dma_start3A, %dma_start3A_26] : memref<80x125xi32, #tpu.memory_space<vmem>> -> memref<1x125xi32, #tpu.memory_space<vmem>>
      %dma_start3A_28 = tpu.memref_squeeze %dma_start3A_27 : memref<1x125xi32, #tpu.memory_space<vmem>> -> memref<125xi32, #tpu.memory_space<vmem>>
      %dma_start3A_29 = arith.constant 0 : i32
      %dma_start3A_30 = arith.constant 0 : i32
      %dma_start3A_31 = tpu.memref_slice %arg8[%dma_start3A_29, %dma_start3A_30] : memref<10240x48xf32, #tpu.memory_space<hbm>> -> memref<10240x48xf32, #tpu.memory_space<hbm>>
      tpu.enqueue_indirect_dma source(%dma_start3A_31 : memref<10240x48xf32, #tpu.memory_space<hbm>>) target(%arg12 : memref<125x48xf32, #tpu.memory_space<vmem>>) offsets(%dma_start3A_28 : memref<125xi32, #tpu.memory_space<vmem>>) semaphore(%arg23 : memref<!tpu.dma_semaphore, #tpu.memory_space<semaphore_mem>>)
      %dma_start3A_32 = arith.constant 1 : i32
      %dma_start3A_33 = arith.constant 0 : i32
      %dma_start3A_34 = tpu.memref_slice %arg10[%dma_start3A_32, %dma_start3A_33] : memref<80x125xi32, #tpu.memory_space<vmem>> -> memref<1x125xi32, #tpu.memory_space<vmem>>
      %dma_start3A_35 = tpu.memref_squeeze %dma_start3A_34 : memref<1x125xi32, #tpu.memory_space<vmem>> -> memref<125xi32, #tpu.memory_space<vmem>>
      %dma_start3A_36 = arith.constant 0 : i32
      %dma_start3A_37 = arith.constant 0 : i32
      %dma_start3A_38 = tpu.memref_slice %arg8[%dma_start3A_36, %dma_start3A_37] : memref<10240x48xf32, #tpu.memory_space<hbm>> -> memref<10240x48xf32, #tpu.memory_space<hbm>>
      tpu.enqueue_indirect_dma source(%dma_start3A_38 : memref<10240x48xf32, #tpu.memory_space<hbm>>) target(%arg13 : memref<125x48xf32, #tpu.memory_space<vmem>>) offsets(%dma_start3A_35 : memref<125xi32, #tpu.memory_space<vmem>>) semaphore(%arg24 : memref<!tpu.dma_semaphore, #tpu.memory_space<semaphore_mem>>)
      %dma_start3A_39 = arith.constant 2 : i32
      %dma_start3A_40 = arith.constant 0 : i32
      %dma_start3A_41 = tpu.memref_slice %arg10[%dma_start3A_39, %dma_start3A_40] : memref<80x125xi32, #tpu.memory_space<vmem>> -> memref<1x125xi32, #tpu.memory_space<vmem>>
      %dma_start3A_42 = tpu.memref_squeeze %dma_start3A_41 : memref<1x125xi32, #tpu.memory_space<vmem>> -> memref<125xi32, #tpu.memory_space<vmem>>
      %dma_start3A_43 = arith.constant 0 : i32
      %dma_start3A_44 = arith.constant 0 : i32
      %dma_start3A_45 = tpu.memref_slice %arg8[%dma_start3A_43, %dma_start3A_44] : memref<10240x48xf32, #tpu.memory_space<hbm>> -> memref<10240x48xf32, #tpu.memory_space<hbm>>
      tpu.enqueue_indirect_dma source(%dma_start3A_45 : memref<10240x48xf32, #tpu.memory_space<hbm>>) target(%arg14 : memref<125x48xf32, #tpu.memory_space<vmem>>) offsets(%dma_start3A_42 : memref<125xi32, #tpu.memory_space<vmem>>) semaphore(%arg25 : memref<!tpu.dma_semaphore, #tpu.memory_space<semaphore_mem>>)
      %while3A_46 = arith.constant 0 : i32
      %while3A_47 = arith.constant 0 : i32
      %while3A_48 = arith.constant 20 : i32
      %while3A_49 = arith.subi %while3A_48, %while3A_47 : i32
      %while3A_50 = arith.addi %while3A_47, %while3A_49 : i32
      %while3A_51 = arith.constant 1 : i32
      %while3A_52 = arith.divsi %while3A_49, %while3A_51 : i32
      %while3A_53 = arith.muli %while3A_52, %while3A_51 : i32
      %while3A_54 = arith.addi %while3A_47, %while3A_53 : i32
      %while3A_55 = arith.constant 1 : i32
      scf.for %while3A_76 = %while3A_47 to %while3A_54 step %while3A_55  : i32 {
        %mul3A_77 = arith.constant 4 : i32
        %mul3A_78 = arith.muli %while3A_76, %mul3A_77 : i32
        %add3A_79 = arith.constant 0 : i32
        %add3A_80 = arith.addi %mul3A_78, %add3A_79 : i32
        %dma_wait3A = arith.constant 0 : i32
        %dma_wait3A_81 = tpu.memref_slice %arg10[%add3A_80, %dma_wait3A] : memref<80x125xi32, #tpu.memory_space<vmem>> -> memref<1x125xi32, #tpu.memory_space<vmem>>
        %dma_wait3A_82 = tpu.memref_squeeze %dma_wait3A_81 : memref<1x125xi32, #tpu.memory_space<vmem>> -> memref<125xi32, #tpu.memory_space<vmem>>
        %dma_wait3A_83 = arith.constant 0 : i32
        %dma_wait3A_84 = arith.constant 0 : i32
        %dma_wait3A_85 = tpu.memref_slice %arg8[%dma_wait3A_83, %dma_wait3A_84] : memref<10240x48xf32, #tpu.memory_space<hbm>> -> memref<10240x48xf32, #tpu.memory_space<hbm>>
        tpu.wait_indirect_dma semaphore(%arg23 : memref<!tpu.dma_semaphore, #tpu.memory_space<semaphore_mem>>) src(%dma_wait3A_85 : memref<10240x48xf32, #tpu.memory_space<hbm>>) dst(%arg12 : memref<125x48xf32, #tpu.memory_space<vmem>>)
        %add3A_86 = arith.constant 4 : i32
        %add3A_87 = arith.addi %add3A_80, %add3A_86 : i32
        %sub3A_88 = arith.constant 1 : i32
        %sub3A_89 = arith.subi %add3A_87, %sub3A_88 : i32
        %lt3A_90 = arith.constant 80 : i32
        %lt3A_91 = arith.cmpi slt, %sub3A_89, %lt3A_90 : i32
        %convert_element_type3A_92 = arith.extui %lt3A_91 : i1 to i32
        %cond3A_93 = arith.constant 0 : i32
        %cond3A_94 = arith.cmpi ne, %convert_element_type3A_92, %cond3A_93 : i32
        scf.if %cond3A_94 {
          %add3A_152 = arith.constant 4 : i32
          %add3A_153 = arith.addi %add3A_80, %add3A_152 : i32
          %sub3A_154 = arith.constant 1 : i32
          %sub3A_155 = arith.subi %add3A_153, %sub3A_154 : i32
          %dma_start3A_156 = arith.constant 0 : i32
          %dma_start3A_157 = tpu.memref_slice %arg10[%sub3A_155, %dma_start3A_156] : memref<80x125xi32, #tpu.memory_space<vmem>> -> memref<1x125xi32, #tpu.memory_space<vmem>>
          %dma_start3A_158 = tpu.memref_squeeze %dma_start3A_157 : memref<1x125xi32, #tpu.memory_space<vmem>> -> memref<125xi32, #tpu.memory_space<vmem>>
          %dma_start3A_159 = arith.constant 0 : i32
          %dma_start3A_160 = arith.constant 0 : i32
          %dma_start3A_161 = tpu.memref_slice %arg8[%dma_start3A_159, %dma_start3A_160] : memref<10240x48xf32, #tpu.memory_space<hbm>> -> memref<10240x48xf32, #tpu.memory_space<hbm>>
          tpu.enqueue_indirect_dma source(%dma_start3A_161 : memref<10240x48xf32, #tpu.memory_space<hbm>>) target(%arg15 : memref<125x48xf32, #tpu.memory_space<vmem>>) offsets(%dma_start3A_158 : memref<125xi32, #tpu.memory_space<vmem>>) semaphore(%arg26 : memref<!tpu.dma_semaphore, #tpu.memory_space<semaphore_mem>>)
        } else {
        }
        "tpu.region"() ({
          %run_scoped3A = tpu.sem_alloc : memref<!tpu.dma_semaphore, #tpu.memory_space<semaphore_mem>>
          %dma_start3A_152 = arith.constant 0 : i32
          %dma_start3A_153 = tpu.memref_slice %arg11[%add3A_80, %dma_start3A_152] : memref<80x125xi32, #tpu.memory_space<vmem>> -> memref<1x125xi32, #tpu.memory_space<vmem>>
          %dma_start3A_154 = tpu.memref_squeeze %dma_start3A_153 : memref<1x125xi32, #tpu.memory_space<vmem>> -> memref<125xi32, #tpu.memory_space<vmem>>
          %dma_start3A_155 = arith.constant 0 : i32
          %dma_start3A_156 = arith.constant 0 : i32
          %dma_start3A_157 = tpu.memref_slice %arg22[%dma_start3A_155, %dma_start3A_156] : memref<10240x48xf32, #tpu.memory_space<vmem_shared>> -> memref<10240x48xf32, #tpu.memory_space<vmem_shared>>
          tpu.enqueue_indirect_dma source(%arg12 : memref<125x48xf32, #tpu.memory_space<vmem>>) target(%dma_start3A_157 : memref<10240x48xf32, #tpu.memory_space<vmem_shared>>) offsets(%dma_start3A_154 : memref<125xi32, #tpu.memory_space<vmem>>) semaphore(%run_scoped3A : memref<!tpu.dma_semaphore, #tpu.memory_space<semaphore_mem>>) {add = true}
          %dma_wait3A_158 = arith.constant 0 : i32
          %dma_wait3A_159 = tpu.memref_slice %arg11[%add3A_80, %dma_wait3A_158] : memref<80x125xi32, #tpu.memory_space<vmem>> -> memref<1x125xi32, #tpu.memory_space<vmem>>
          %dma_wait3A_160 = tpu.memref_squeeze %dma_wait3A_159 : memref<1x125xi32, #tpu.memory_space<vmem>> -> memref<125xi32, #tpu.memory_space<vmem>>
          %dma_wait3A_161 = arith.constant 0 : i32
          %dma_wait3A_162 = arith.constant 0 : i32
          %dma_wait3A_163 = tpu.memref_slice %arg22[%dma_wait3A_161, %dma_wait3A_162] : memref<10240x48xf32, #tpu.memory_space<vmem_shared>> -> memref<10240x48xf32, #tpu.memory_space<vmem_shared>>
          tpu.wait_indirect_dma semaphore(%run_scoped3A : memref<!tpu.dma_semaphore, #tpu.memory_space<semaphore_mem>>) src(%arg12 : memref<125x48xf32, #tpu.memory_space<vmem>>) dst(%dma_wait3A_163 : memref<10240x48xf32, #tpu.memory_space<vmem_shared>>)
          tpu.yield
        }) : () -> ()
        %mul3A_95 = arith.constant 4 : i32
        %mul3A_96 = arith.muli %while3A_76, %mul3A_95 : i32
        %add3A_97 = arith.constant 1 : i32
        %add3A_98 = arith.addi %mul3A_96, %add3A_97 : i32
        %dma_wait3A_99 = arith.constant 0 : i32
        %dma_wait3A_100 = tpu.memref_slice %arg10[%add3A_98, %dma_wait3A_99] : memref<80x125xi32, #tpu.memory_space<vmem>> -> memref<1x125xi32, #tpu.memory_space<vmem>>
        %dma_wait3A_101 = tpu.memref_squeeze %dma_wait3A_100 : memref<1x125xi32, #tpu.memory_space<vmem>> -> memref<125xi32, #tpu.memory_space<vmem>>
        %dma_wait3A_102 = arith.constant 0 : i32
        %dma_wait3A_103 = arith.constant 0 : i32
        %dma_wait3A_104 = tpu.memref_slice %arg8[%dma_wait3A_102, %dma_wait3A_103] : memref<10240x48xf32, #tpu.memory_space<hbm>> -> memref<10240x48xf32, #tpu.memory_space<hbm>>
        tpu.wait_indirect_dma semaphore(%arg24 : memref<!tpu.dma_semaphore, #tpu.memory_space<semaphore_mem>>) src(%dma_wait3A_104 : memref<10240x48xf32, #tpu.memory_space<hbm>>) dst(%arg13 : memref<125x48xf32, #tpu.memory_space<vmem>>)
        %add3A_105 = arith.constant 4 : i32
        %add3A_106 = arith.addi %add3A_98, %add3A_105 : i32
        %sub3A_107 = arith.constant 1 : i32
        %sub3A_108 = arith.subi %add3A_106, %sub3A_107 : i32
        %lt3A_109 = arith.constant 80 : i32
        %lt3A_110 = arith.cmpi slt, %sub3A_108, %lt3A_109 : i32
        %convert_element_type3A_111 = arith.extui %lt3A_110 : i1 to i32
        %cond3A_112 = arith.constant 0 : i32
        %cond3A_113 = arith.cmpi ne, %convert_element_type3A_111, %cond3A_112 : i32
        scf.if %cond3A_113 {
          %add3A_152 = arith.constant 4 : i32
          %add3A_153 = arith.addi %add3A_98, %add3A_152 : i32
          %sub3A_154 = arith.constant 1 : i32
          %sub3A_155 = arith.subi %add3A_153, %sub3A_154 : i32
          %dma_start3A_156 = arith.constant 0 : i32
          %dma_start3A_157 = tpu.memref_slice %arg10[%sub3A_155, %dma_start3A_156] : memref<80x125xi32, #tpu.memory_space<vmem>> -> memref<1x125xi32, #tpu.memory_space<vmem>>
          %dma_start3A_158 = tpu.memref_squeeze %dma_start3A_157 : memref<1x125xi32, #tpu.memory_space<vmem>> -> memref<125xi32, #tpu.memory_space<vmem>>
          %dma_start3A_159 = arith.constant 0 : i32
          %dma_start3A_160 = arith.constant 0 : i32
          %dma_start3A_161 = tpu.memref_slice %arg8[%dma_start3A_159, %dma_start3A_160] : memref<10240x48xf32, #tpu.memory_space<hbm>> -> memref<10240x48xf32, #tpu.memory_space<hbm>>
          tpu.enqueue_indirect_dma source(%dma_start3A_161 : memref<10240x48xf32, #tpu.memory_space<hbm>>) target(%arg12 : memref<125x48xf32, #tpu.memory_space<vmem>>) offsets(%dma_start3A_158 : memref<125xi32, #tpu.memory_space<vmem>>) semaphore(%arg23 : memref<!tpu.dma_semaphore, #tpu.memory_space<semaphore_mem>>)
        } else {
        }
        "tpu.region"() ({
          %run_scoped3A = tpu.sem_alloc : memref<!tpu.dma_semaphore, #tpu.memory_space<semaphore_mem>>
          %dma_start3A_152 = arith.constant 0 : i32
          %dma_start3A_153 = tpu.memref_slice %arg11[%add3A_98, %dma_start3A_152] : memref<80x125xi32, #tpu.memory_space<vmem>> -> memref<1x125xi32, #tpu.memory_space<vmem>>
          %dma_start3A_154 = tpu.memref_squeeze %dma_start3A_153 : memref<1x125xi32, #tpu.memory_space<vmem>> -> memref<125xi32, #tpu.memory_space<vmem>>
          %dma_start3A_155 = arith.constant 0 : i32
          %dma_start3A_156 = arith.constant 0 : i32
          %dma_start3A_157 = tpu.memref_slice %arg22[%dma_start3A_155, %dma_start3A_156] : memref<10240x48xf32, #tpu.memory_space<vmem_shared>> -> memref<10240x48xf32, #tpu.memory_space<vmem_shared>>
          tpu.enqueue_indirect_dma source(%arg13 : memref<125x48xf32, #tpu.memory_space<vmem>>) target(%dma_start3A_157 : memref<10240x48xf32, #tpu.memory_space<vmem_shared>>) offsets(%dma_start3A_154 : memref<125xi32, #tpu.memory_space<vmem>>) semaphore(%run_scoped3A : memref<!tpu.dma_semaphore, #tpu.memory_space<semaphore_mem>>) {add = true}
          %dma_wait3A_158 = arith.constant 0 : i32
          %dma_wait3A_159 = tpu.memref_slice %arg11[%add3A_98, %dma_wait3A_158] : memref<80x125xi32, #tpu.memory_space<vmem>> -> memref<1x125xi32, #tpu.memory_space<vmem>>
          %dma_wait3A_160 = tpu.memref_squeeze %dma_wait3A_159 : memref<1x125xi32, #tpu.memory_space<vmem>> -> memref<125xi32, #tpu.memory_space<vmem>>
          %dma_wait3A_161 = arith.constant 0 : i32
          %dma_wait3A_162 = arith.constant 0 : i32
          %dma_wait3A_163 = tpu.memref_slice %arg22[%dma_wait3A_161, %dma_wait3A_162] : memref<10240x48xf32, #tpu.memory_space<vmem_shared>> -> memref<10240x48xf32, #tpu.memory_space<vmem_shared>>
          tpu.wait_indirect_dma semaphore(%run_scoped3A : memref<!tpu.dma_semaphore, #tpu.memory_space<semaphore_mem>>) src(%arg13 : memref<125x48xf32, #tpu.memory_space<vmem>>) dst(%dma_wait3A_163 : memref<10240x48xf32, #tpu.memory_space<vmem_shared>>)
          tpu.yield
        }) : () -> ()
        %mul3A_114 = arith.constant 4 : i32
        %mul3A_115 = arith.muli %while3A_76, %mul3A_114 : i32
        %add3A_116 = arith.constant 2 : i32
        %add3A_117 = arith.addi %mul3A_115, %add3A_116 : i32
        %dma_wait3A_118 = arith.constant 0 : i32
        %dma_wait3A_119 = tpu.memref_slice %arg10[%add3A_117, %dma_wait3A_118] : memref<80x125xi32, #tpu.memory_space<vmem>> -> memref<1x125xi32, #tpu.memory_space<vmem>>
        %dma_wait3A_120 = tpu.memref_squeeze %dma_wait3A_119 : memref<1x125xi32, #tpu.memory_space<vmem>> -> memref<125xi32, #tpu.memory_space<vmem>>
        %dma_wait3A_121 = arith.constant 0 : i32
        %dma_wait3A_122 = arith.constant 0 : i32
        %dma_wait3A_123 = tpu.memref_slice %arg8[%dma_wait3A_121, %dma_wait3A_122] : memref<10240x48xf32, #tpu.memory_space<hbm>> -> memref<10240x48xf32, #tpu.memory_space<hbm>>
        tpu.wait_indirect_dma semaphore(%arg25 : memref<!tpu.dma_semaphore, #tpu.memory_space<semaphore_mem>>) src(%dma_wait3A_123 : memref<10240x48xf32, #tpu.memory_space<hbm>>) dst(%arg14 : memref<125x48xf32, #tpu.memory_space<vmem>>)
        %add3A_124 = arith.constant 4 : i32
        %add3A_125 = arith.addi %add3A_117, %add3A_124 : i32
        %sub3A_126 = arith.constant 1 : i32
        %sub3A_127 = arith.subi %add3A_125, %sub3A_126 : i32
        %lt3A_128 = arith.constant 80 : i32
        %lt3A_129 = arith.cmpi slt, %sub3A_127, %lt3A_128 : i32
        %convert_element_type3A_130 = arith.extui %lt3A_129 : i1 to i32
        %cond3A_131 = arith.constant 0 : i32
        %cond3A_132 = arith.cmpi ne, %convert_element_type3A_130, %cond3A_131 : i32
        scf.if %cond3A_132 {
          %add3A_152 = arith.constant 4 : i32
          %add3A_153 = arith.addi %add3A_117, %add3A_152 : i32
          %sub3A_154 = arith.constant 1 : i32
          %sub3A_155 = arith.subi %add3A_153, %sub3A_154 : i32
          %dma_start3A_156 = arith.constant 0 : i32
          %dma_start3A_157 = tpu.memref_slice %arg10[%sub3A_155, %dma_start3A_156] : memref<80x125xi32, #tpu.memory_space<vmem>> -> memref<1x125xi32, #tpu.memory_space<vmem>>
          %dma_start3A_158 = tpu.memref_squeeze %dma_start3A_157 : memref<1x125xi32, #tpu.memory_space<vmem>> -> memref<125xi32, #tpu.memory_space<vmem>>
          %dma_start3A_159 = arith.constant 0 : i32
          %dma_start3A_160 = arith.constant 0 : i32
          %dma_start3A_161 = tpu.memref_slice %arg8[%dma_start3A_159, %dma_start3A_160] : memref<10240x48xf32, #tpu.memory_space<hbm>> -> memref<10240x48xf32, #tpu.memory_space<hbm>>
          tpu.enqueue_indirect_dma source(%dma_start3A_161 : memref<10240x48xf32, #tpu.memory_space<hbm>>) target(%arg13 : memref<125x48xf32, #tpu.memory_space<vmem>>) offsets(%dma_start3A_158 : memref<125xi32, #tpu.memory_space<vmem>>) semaphore(%arg24 : memref<!tpu.dma_semaphore, #tpu.memory_space<semaphore_mem>>)
        } else {
        }
        "tpu.region"() ({
          %run_scoped3A = tpu.sem_alloc : memref<!tpu.dma_semaphore, #tpu.memory_space<semaphore_mem>>
          %dma_start3A_152 = arith.constant 0 : i32
          %dma_start3A_153 = tpu.memref_slice %arg11[%add3A_117, %dma_start3A_152] : memref<80x125xi32, #tpu.memory_space<vmem>> -> memref<1x125xi32, #tpu.memory_space<vmem>>
          %dma_start3A_154 = tpu.memref_squeeze %dma_start3A_153 : memref<1x125xi32, #tpu.memory_space<vmem>> -> memref<125xi32, #tpu.memory_space<vmem>>
          %dma_start3A_155 = arith.constant 0 : i32
          %dma_start3A_156 = arith.constant 0 : i32
          %dma_start3A_157 = tpu.memref_slice %arg22[%dma_start3A_155, %dma_start3A_156] : memref<10240x48xf32, #tpu.memory_space<vmem_shared>> -> memref<10240x48xf32, #tpu.memory_space<vmem_shared>>
          tpu.enqueue_indirect_dma source(%arg14 : memref<125x48xf32, #tpu.memory_space<vmem>>) target(%dma_start3A_157 : memref<10240x48xf32, #tpu.memory_space<vmem_shared>>) offsets(%dma_start3A_154 : memref<125xi32, #tpu.memory_space<vmem>>) semaphore(%run_scoped3A : memref<!tpu.dma_semaphore, #tpu.memory_space<semaphore_mem>>) {add = true}
          %dma_wait3A_158 = arith.constant 0 : i32
          %dma_wait3A_159 = tpu.memref_slice %arg11[%add3A_117, %dma_wait3A_158] : memref<80x125xi32, #tpu.memory_space<vmem>> -> memref<1x125xi32, #tpu.memory_space<vmem>>
          %dma_wait3A_160 = tpu.memref_squeeze %dma_wait3A_159 : memref<1x125xi32, #tpu.memory_space<vmem>> -> memref<125xi32, #tpu.memory_space<vmem>>
          %dma_wait3A_161 = arith.constant 0 : i32
          %dma_wait3A_162 = arith.constant 0 : i32
          %dma_wait3A_163 = tpu.memref_slice %arg22[%dma_wait3A_161, %dma_wait3A_162] : memref<10240x48xf32, #tpu.memory_space<vmem_shared>> -> memref<10240x48xf32, #tpu.memory_space<vmem_shared>>
          tpu.wait_indirect_dma semaphore(%run_scoped3A : memref<!tpu.dma_semaphore, #tpu.memory_space<semaphore_mem>>) src(%arg14 : memref<125x48xf32, #tpu.memory_space<vmem>>) dst(%dma_wait3A_163 : memref<10240x48xf32, #tpu.memory_space<vmem_shared>>)
          tpu.yield
        }) : () -> ()
        %mul3A_133 = arith.constant 4 : i32
        %mul3A_134 = arith.muli %while3A_76, %mul3A_133 : i32
        %add3A_135 = arith.constant 3 : i32
        %add3A_136 = arith.addi %mul3A_134, %add3A_135 : i32
        %dma_wait3A_137 = arith.constant 0 : i32
        %dma_wait3A_138 = tpu.memref_slice %arg10[%add3A_136, %dma_wait3A_137] : memref<80x125xi32, #tpu.memory_space<vmem>> -> memref<1x125xi32, #tpu.memory_space<vmem>>
        %dma_wait3A_139 = tpu.memref_squeeze %dma_wait3A_138 : memref<1x125xi32, #tpu.memory_space<vmem>> -> memref<125xi32, #tpu.memory_space<vmem>>
        %dma_wait3A_140 = arith.constant 0 : i32
        %dma_wait3A_141 = arith.constant 0 : i32
        %dma_wait3A_142 = tpu.memref_slice %arg8[%dma_wait3A_140, %dma_wait3A_141] : memref<10240x48xf32, #tpu.memory_space<hbm>> -> memref<10240x48xf32, #tpu.memory_space<hbm>>
        tpu.wait_indirect_dma semaphore(%arg26 : memref<!tpu.dma_semaphore, #tpu.memory_space<semaphore_mem>>) src(%dma_wait3A_142 : memref<10240x48xf32, #tpu.memory_space<hbm>>) dst(%arg15 : memref<125x48xf32, #tpu.memory_space<vmem>>)
        %add3A_143 = arith.constant 4 : i32
        %add3A_144 = arith.addi %add3A_136, %add3A_143 : i32
        %sub3A_145 = arith.constant 1 : i32
        %sub3A_146 = arith.subi %add3A_144, %sub3A_145 : i32
        %lt3A_147 = arith.constant 80 : i32
        %lt3A_148 = arith.cmpi slt, %sub3A_146, %lt3A_147 : i32
        %convert_element_type3A_149 = arith.extui %lt3A_148 : i1 to i32
        %cond3A_150 = arith.constant 0 : i32
        %cond3A_151 = arith.cmpi ne, %convert_element_type3A_149, %cond3A_150 : i32
        scf.if %cond3A_151 {
          %add3A_152 = arith.constant 4 : i32
          %add3A_153 = arith.addi %add3A_136, %add3A_152 : i32
          %sub3A_154 = arith.constant 1 : i32
          %sub3A_155 = arith.subi %add3A_153, %sub3A_154 : i32
          %dma_start3A_156 = arith.constant 0 : i32
          %dma_start3A_157 = tpu.memref_slice %arg10[%sub3A_155, %dma_start3A_156] : memref<80x125xi32, #tpu.memory_space<vmem>> -> memref<1x125xi32, #tpu.memory_space<vmem>>
          %dma_start3A_158 = tpu.memref_squeeze %dma_start3A_157 : memref<1x125xi32, #tpu.memory_space<vmem>> -> memref<125xi32, #tpu.memory_space<vmem>>
          %dma_start3A_159 = arith.constant 0 : i32
          %dma_start3A_160 = arith.constant 0 : i32
          %dma_start3A_161 = tpu.memref_slice %arg8[%dma_start3A_159, %dma_start3A_160] : memref<10240x48xf32, #tpu.memory_space<hbm>> -> memref<10240x48xf32, #tpu.memory_space<hbm>>
          tpu.enqueue_indirect_dma source(%dma_start3A_161 : memref<10240x48xf32, #tpu.memory_space<hbm>>) target(%arg14 : memref<125x48xf32, #tpu.memory_space<vmem>>) offsets(%dma_start3A_158 : memref<125xi32, #tpu.memory_space<vmem>>) semaphore(%arg25 : memref<!tpu.dma_semaphore, #tpu.memory_space<semaphore_mem>>)
        } else {
        }
        "tpu.region"() ({
          %run_scoped3A = tpu.sem_alloc : memref<!tpu.dma_semaphore, #tpu.memory_space<semaphore_mem>>
          %dma_start3A_152 = arith.constant 0 : i32
          %dma_start3A_153 = tpu.memref_slice %arg11[%add3A_136, %dma_start3A_152] : memref<80x125xi32, #tpu.memory_space<vmem>> -> memref<1x125xi32, #tpu.memory_space<vmem>>
          %dma_start3A_154 = tpu.memref_squeeze %dma_start3A_153 : memref<1x125xi32, #tpu.memory_space<vmem>> -> memref<125xi32, #tpu.memory_space<vmem>>
          %dma_start3A_155 = arith.constant 0 : i32
          %dma_start3A_156 = arith.constant 0 : i32
          %dma_start3A_157 = tpu.memref_slice %arg22[%dma_start3A_155, %dma_start3A_156] : memref<10240x48xf32, #tpu.memory_space<vmem_shared>> -> memref<10240x48xf32, #tpu.memory_space<vmem_shared>>
          tpu.enqueue_indirect_dma source(%arg15 : memref<125x48xf32, #tpu.memory_space<vmem>>) target(%dma_start3A_157 : memref<10240x48xf32, #tpu.memory_space<vmem_shared>>) offsets(%dma_start3A_154 : memref<125xi32, #tpu.memory_space<vmem>>) semaphore(%run_scoped3A : memref<!tpu.dma_semaphore, #tpu.memory_space<semaphore_mem>>) {add = true}
          %dma_wait3A_158 = arith.constant 0 : i32
          %dma_wait3A_159 = tpu.memref_slice %arg11[%add3A_136, %dma_wait3A_158] : memref<80x125xi32, #tpu.memory_space<vmem>> -> memref<1x125xi32, #tpu.memory_space<vmem>>
          %dma_wait3A_160 = tpu.memref_squeeze %dma_wait3A_159 : memref<1x125xi32, #tpu.memory_space<vmem>> -> memref<125xi32, #tpu.memory_space<vmem>>
          %dma_wait3A_161 = arith.constant 0 : i32
          %dma_wait3A_162 = arith.constant 0 : i32
          %dma_wait3A_163 = tpu.memref_slice %arg22[%dma_wait3A_161, %dma_wait3A_162] : memref<10240x48xf32, #tpu.memory_space<vmem_shared>> -> memref<10240x48xf32, #tpu.memory_space<vmem_shared>>
          tpu.wait_indirect_dma semaphore(%run_scoped3A : memref<!tpu.dma_semaphore, #tpu.memory_space<semaphore_mem>>) src(%arg15 : memref<125x48xf32, #tpu.memory_space<vmem>>) dst(%dma_wait3A_163 : memref<10240x48xf32, #tpu.memory_space<vmem_shared>>)
          tpu.yield
        }) : () -> ()
      }
      %while3A_56 = arith.constant 1 : i32
      scf.for %while3A_76 = %while3A_54 to %while3A_50 step %while3A_56  : i32 {
        %mul3A_77 = arith.constant 4 : i32
        %mul3A_78 = arith.muli %while3A_76, %mul3A_77 : i32
        %add3A_79 = arith.constant 0 : i32
        %add3A_80 = arith.addi %mul3A_78, %add3A_79 : i32
        %dma_wait3A = arith.constant 0 : i32
        %dma_wait3A_81 = tpu.memref_slice %arg10[%add3A_80, %dma_wait3A] : memref<80x125xi32, #tpu.memory_space<vmem>> -> memref<1x125xi32, #tpu.memory_space<vmem>>
        %dma_wait3A_82 = tpu.memref_squeeze %dma_wait3A_81 : memref<1x125xi32, #tpu.memory_space<vmem>> -> memref<125xi32, #tpu.memory_space<vmem>>
        %dma_wait3A_83 = arith.constant 0 : i32
        %dma_wait3A_84 = arith.constant 0 : i32
        %dma_wait3A_85 = tpu.memref_slice %arg8[%dma_wait3A_83, %dma_wait3A_84] : memref<10240x48xf32, #tpu.memory_space<hbm>> -> memref<10240x48xf32, #tpu.memory_space<hbm>>
        tpu.wait_indirect_dma semaphore(%arg23 : memref<!tpu.dma_semaphore, #tpu.memory_space<semaphore_mem>>) src(%dma_wait3A_85 : memref<10240x48xf32, #tpu.memory_space<hbm>>) dst(%arg12 : memref<125x48xf32, #tpu.memory_space<vmem>>)
        %add3A_86 = arith.constant 4 : i32
        %add3A_87 = arith.addi %add3A_80, %add3A_86 : i32
        %sub3A_88 = arith.constant 1 : i32
        %sub3A_89 = arith.subi %add3A_87, %sub3A_88 : i32
        %lt3A_90 = arith.constant 80 : i32
        %lt3A_91 = arith.cmpi slt, %sub3A_89, %lt3A_90 : i32
        %convert_element_type3A_92 = arith.extui %lt3A_91 : i1 to i32
        %cond3A_93 = arith.constant 0 : i32
        %cond3A_94 = arith.cmpi ne, %convert_element_type3A_92, %cond3A_93 : i32
        scf.if %cond3A_94 {
          %add3A_152 = arith.constant 4 : i32
          %add3A_153 = arith.addi %add3A_80, %add3A_152 : i32
          %sub3A_154 = arith.constant 1 : i32
          %sub3A_155 = arith.subi %add3A_153, %sub3A_154 : i32
          %dma_start3A_156 = arith.constant 0 : i32
          %dma_start3A_157 = tpu.memref_slice %arg10[%sub3A_155, %dma_start3A_156] : memref<80x125xi32, #tpu.memory_space<vmem>> -> memref<1x125xi32, #tpu.memory_space<vmem>>
          %dma_start3A_158 = tpu.memref_squeeze %dma_start3A_157 : memref<1x125xi32, #tpu.memory_space<vmem>> -> memref<125xi32, #tpu.memory_space<vmem>>
          %dma_start3A_159 = arith.constant 0 : i32
          %dma_start3A_160 = arith.constant 0 : i32
          %dma_start3A_161 = tpu.memref_slice %arg8[%dma_start3A_159, %dma_start3A_160] : memref<10240x48xf32, #tpu.memory_space<hbm>> -> memref<10240x48xf32, #tpu.memory_space<hbm>>
          tpu.enqueue_indirect_dma source(%dma_start3A_161 : memref<10240x48xf32, #tpu.memory_space<hbm>>) target(%arg15 : memref<125x48xf32, #tpu.memory_space<vmem>>) offsets(%dma_start3A_158 : memref<125xi32, #tpu.memory_space<vmem>>) semaphore(%arg26 : memref<!tpu.dma_semaphore, #tpu.memory_space<semaphore_mem>>)
        } else {
        }
        "tpu.region"() ({
          %run_scoped3A = tpu.sem_alloc : memref<!tpu.dma_semaphore, #tpu.memory_space<semaphore_mem>>
          %dma_start3A_152 = arith.constant 0 : i32
          %dma_start3A_153 = tpu.memref_slice %arg11[%add3A_80, %dma_start3A_152] : memref<80x125xi32, #tpu.memory_space<vmem>> -> memref<1x125xi32, #tpu.memory_space<vmem>>
          %dma_start3A_154 = tpu.memref_squeeze %dma_start3A_153 : memref<1x125xi32, #tpu.memory_space<vmem>> -> memref<125xi32, #tpu.memory_space<vmem>>
          %dma_start3A_155 = arith.constant 0 : i32
          %dma_start3A_156 = arith.constant 0 : i32
          %dma_start3A_157 = tpu.memref_slice %arg22[%dma_start3A_155, %dma_start3A_156] : memref<10240x48xf32, #tpu.memory_space<vmem_shared>> -> memref<10240x48xf32, #tpu.memory_space<vmem_shared>>
          tpu.enqueue_indirect_dma source(%arg12 : memref<125x48xf32, #tpu.memory_space<vmem>>) target(%dma_start3A_157 : memref<10240x48xf32, #tpu.memory_space<vmem_shared>>) offsets(%dma_start3A_154 : memref<125xi32, #tpu.memory_space<vmem>>) semaphore(%run_scoped3A : memref<!tpu.dma_semaphore, #tpu.memory_space<semaphore_mem>>) {add = true}
          %dma_wait3A_158 = arith.constant 0 : i32
          %dma_wait3A_159 = tpu.memref_slice %arg11[%add3A_80, %dma_wait3A_158] : memref<80x125xi32, #tpu.memory_space<vmem>> -> memref<1x125xi32, #tpu.memory_space<vmem>>
          %dma_wait3A_160 = tpu.memref_squeeze %dma_wait3A_159 : memref<1x125xi32, #tpu.memory_space<vmem>> -> memref<125xi32, #tpu.memory_space<vmem>>
          %dma_wait3A_161 = arith.constant 0 : i32
          %dma_wait3A_162 = arith.constant 0 : i32
          %dma_wait3A_163 = tpu.memref_slice %arg22[%dma_wait3A_161, %dma_wait3A_162] : memref<10240x48xf32, #tpu.memory_space<vmem_shared>> -> memref<10240x48xf32, #tpu.memory_space<vmem_shared>>
          tpu.wait_indirect_dma semaphore(%run_scoped3A : memref<!tpu.dma_semaphore, #tpu.memory_space<semaphore_mem>>) src(%arg12 : memref<125x48xf32, #tpu.memory_space<vmem>>) dst(%dma_wait3A_163 : memref<10240x48xf32, #tpu.memory_space<vmem_shared>>)
          tpu.yield
        }) : () -> ()
        %mul3A_95 = arith.constant 4 : i32
        %mul3A_96 = arith.muli %while3A_76, %mul3A_95 : i32
        %add3A_97 = arith.constant 1 : i32
        %add3A_98 = arith.addi %mul3A_96, %add3A_97 : i32
        %dma_wait3A_99 = arith.constant 0 : i32
        %dma_wait3A_100 = tpu.memref_slice %arg10[%add3A_98, %dma_wait3A_99] : memref<80x125xi32, #tpu.memory_space<vmem>> -> memref<1x125xi32, #tpu.memory_space<vmem>>
        %dma_wait3A_101 = tpu.memref_squeeze %dma_wait3A_100 : memref<1x125xi32, #tpu.memory_space<vmem>> -> memref<125xi32, #tpu.memory_space<vmem>>
        %dma_wait3A_102 = arith.constant 0 : i32
        %dma_wait3A_103 = arith.constant 0 : i32
        %dma_wait3A_104 = tpu.memref_slice %arg8[%dma_wait3A_102, %dma_wait3A_103] : memref<10240x48xf32, #tpu.memory_space<hbm>> -> memref<10240x48xf32, #tpu.memory_space<hbm>>
        tpu.wait_indirect_dma semaphore(%arg24 : memref<!tpu.dma_semaphore, #tpu.memory_space<semaphore_mem>>) src(%dma_wait3A_104 : memref<10240x48xf32, #tpu.memory_space<hbm>>) dst(%arg13 : memref<125x48xf32, #tpu.memory_space<vmem>>)
        %add3A_105 = arith.constant 4 : i32
        %add3A_106 = arith.addi %add3A_98, %add3A_105 : i32
        %sub3A_107 = arith.constant 1 : i32
        %sub3A_108 = arith.subi %add3A_106, %sub3A_107 : i32
        %lt3A_109 = arith.constant 80 : i32
        %lt3A_110 = arith.cmpi slt, %sub3A_108, %lt3A_109 : i32
        %convert_element_type3A_111 = arith.extui %lt3A_110 : i1 to i32
        %cond3A_112 = arith.constant 0 : i32
        %cond3A_113 = arith.cmpi ne, %convert_element_type3A_111, %cond3A_112 : i32
        scf.if %cond3A_113 {
          %add3A_152 = arith.constant 4 : i32
          %add3A_153 = arith.addi %add3A_98, %add3A_152 : i32
          %sub3A_154 = arith.constant 1 : i32
          %sub3A_155 = arith.subi %add3A_153, %sub3A_154 : i32
          %dma_start3A_156 = arith.constant 0 : i32
          %dma_start3A_157 = tpu.memref_slice %arg10[%sub3A_155, %dma_start3A_156] : memref<80x125xi32, #tpu.memory_space<vmem>> -> memref<1x125xi32, #tpu.memory_space<vmem>>
          %dma_start3A_158 = tpu.memref_squeeze %dma_start3A_157 : memref<1x125xi32, #tpu.memory_space<vmem>> -> memref<125xi32, #tpu.memory_space<vmem>>
          %dma_start3A_159 = arith.constant 0 : i32
          %dma_start3A_160 = arith.constant 0 : i32
          %dma_start3A_161 = tpu.memref_slice %arg8[%dma_start3A_159, %dma_start3A_160] : memref<10240x48xf32, #tpu.memory_space<hbm>> -> memref<10240x48xf32, #tpu.memory_space<hbm>>
          tpu.enqueue_indirect_dma source(%dma_start3A_161 : memref<10240x48xf32, #tpu.memory_space<hbm>>) target(%arg12 : memref<125x48xf32, #tpu.memory_space<vmem>>) offsets(%dma_start3A_158 : memref<125xi32, #tpu.memory_space<vmem>>) semaphore(%arg23 : memref<!tpu.dma_semaphore, #tpu.memory_space<semaphore_mem>>)
        } else {
        }
        "tpu.region"() ({
          %run_scoped3A = tpu.sem_alloc : memref<!tpu.dma_semaphore, #tpu.memory_space<semaphore_mem>>
          %dma_start3A_152 = arith.constant 0 : i32
          %dma_start3A_153 = tpu.memref_slice %arg11[%add3A_98, %dma_start3A_152] : memref<80x125xi32, #tpu.memory_space<vmem>> -> memref<1x125xi32, #tpu.memory_space<vmem>>
          %dma_start3A_154 = tpu.memref_squeeze %dma_start3A_153 : memref<1x125xi32, #tpu.memory_space<vmem>> -> memref<125xi32, #tpu.memory_space<vmem>>
          %dma_start3A_155 = arith.constant 0 : i32
          %dma_start3A_156 = arith.constant 0 : i32
          %dma_start3A_157 = tpu.memref_slice %arg22[%dma_start3A_155, %dma_start3A_156] : memref<10240x48xf32, #tpu.memory_space<vmem_shared>> -> memref<10240x48xf32, #tpu.memory_space<vmem_shared>>
          tpu.enqueue_indirect_dma source(%arg13 : memref<125x48xf32, #tpu.memory_space<vmem>>) target(%dma_start3A_157 : memref<10240x48xf32, #tpu.memory_space<vmem_shared>>) offsets(%dma_start3A_154 : memref<125xi32, #tpu.memory_space<vmem>>) semaphore(%run_scoped3A : memref<!tpu.dma_semaphore, #tpu.memory_space<semaphore_mem>>) {add = true}
          %dma_wait3A_158 = arith.constant 0 : i32
          %dma_wait3A_159 = tpu.memref_slice %arg11[%add3A_98, %dma_wait3A_158] : memref<80x125xi32, #tpu.memory_space<vmem>> -> memref<1x125xi32, #tpu.memory_space<vmem>>
          %dma_wait3A_160 = tpu.memref_squeeze %dma_wait3A_159 : memref<1x125xi32, #tpu.memory_space<vmem>> -> memref<125xi32, #tpu.memory_space<vmem>>
          %dma_wait3A_161 = arith.constant 0 : i32
          %dma_wait3A_162 = arith.constant 0 : i32
          %dma_wait3A_163 = tpu.memref_slice %arg22[%dma_wait3A_161, %dma_wait3A_162] : memref<10240x48xf32, #tpu.memory_space<vmem_shared>> -> memref<10240x48xf32, #tpu.memory_space<vmem_shared>>
          tpu.wait_indirect_dma semaphore(%run_scoped3A : memref<!tpu.dma_semaphore, #tpu.memory_space<semaphore_mem>>) src(%arg13 : memref<125x48xf32, #tpu.memory_space<vmem>>) dst(%dma_wait3A_163 : memref<10240x48xf32, #tpu.memory_space<vmem_shared>>)
          tpu.yield
        }) : () -> ()
        %mul3A_114 = arith.constant 4 : i32
        %mul3A_115 = arith.muli %while3A_76, %mul3A_114 : i32
        %add3A_116 = arith.constant 2 : i32
        %add3A_117 = arith.addi %mul3A_115, %add3A_116 : i32
        %dma_wait3A_118 = arith.constant 0 : i32
        %dma_wait3A_119 = tpu.memref_slice %arg10[%add3A_117, %dma_wait3A_118] : memref<80x125xi32, #tpu.memory_space<vmem>> -> memref<1x125xi32, #tpu.memory_space<vmem>>
        %dma_wait3A_120 = tpu.memref_squeeze %dma_wait3A_119 : memref<1x125xi32, #tpu.memory_space<vmem>> -> memref<125xi32, #tpu.memory_space<vmem>>
        %dma_wait3A_121 = arith.constant 0 : i32
        %dma_wait3A_122 = arith.constant 0 : i32
        %dma_wait3A_123 = tpu.memref_slice %arg8[%dma_wait3A_121, %dma_wait3A_122] : memref<10240x48xf32, #tpu.memory_space<hbm>> -> memref<10240x48xf32, #tpu.memory_space<hbm>>
        tpu.wait_indirect_dma semaphore(%arg25 : memref<!tpu.dma_semaphore, #tpu.memory_space<semaphore_mem>>) src(%dma_wait3A_123 : memref<10240x48xf32, #tpu.memory_space<hbm>>) dst(%arg14 : memref<125x48xf32, #tpu.memory_space<vmem>>)
        %add3A_124 = arith.constant 4 : i32
        %add3A_125 = arith.addi %add3A_117, %add3A_124 : i32
        %sub3A_126 = arith.constant 1 : i32
        %sub3A_127 = arith.subi %add3A_125, %sub3A_126 : i32
        %lt3A_128 = arith.constant 80 : i32
        %lt3A_129 = arith.cmpi slt, %sub3A_127, %lt3A_128 : i32
        %convert_element_type3A_130 = arith.extui %lt3A_129 : i1 to i32
        %cond3A_131 = arith.constant 0 : i32
        %cond3A_132 = arith.cmpi ne, %convert_element_type3A_130, %cond3A_131 : i32
        scf.if %cond3A_132 {
          %add3A_152 = arith.constant 4 : i32
          %add3A_153 = arith.addi %add3A_117, %add3A_152 : i32
          %sub3A_154 = arith.constant 1 : i32
          %sub3A_155 = arith.subi %add3A_153, %sub3A_154 : i32
          %dma_start3A_156 = arith.constant 0 : i32
          %dma_start3A_157 = tpu.memref_slice %arg10[%sub3A_155, %dma_start3A_156] : memref<80x125xi32, #tpu.memory_space<vmem>> -> memref<1x125xi32, #tpu.memory_space<vmem>>
          %dma_start3A_158 = tpu.memref_squeeze %dma_start3A_157 : memref<1x125xi32, #tpu.memory_space<vmem>> -> memref<125xi32, #tpu.memory_space<vmem>>
          %dma_start3A_159 = arith.constant 0 : i32
          %dma_start3A_160 = arith.constant 0 : i32
          %dma_start3A_161 = tpu.memref_slice %arg8[%dma_start3A_159, %dma_start3A_160] : memref<10240x48xf32, #tpu.memory_space<hbm>> -> memref<10240x48xf32, #tpu.memory_space<hbm>>
          tpu.enqueue_indirect_dma source(%dma_start3A_161 : memref<10240x48xf32, #tpu.memory_space<hbm>>) target(%arg13 : memref<125x48xf32, #tpu.memory_space<vmem>>) offsets(%dma_start3A_158 : memref<125xi32, #tpu.memory_space<vmem>>) semaphore(%arg24 : memref<!tpu.dma_semaphore, #tpu.memory_space<semaphore_mem>>)
        } else {
        }
        "tpu.region"() ({
          %run_scoped3A = tpu.sem_alloc : memref<!tpu.dma_semaphore, #tpu.memory_space<semaphore_mem>>
          %dma_start3A_152 = arith.constant 0 : i32
          %dma_start3A_153 = tpu.memref_slice %arg11[%add3A_117, %dma_start3A_152] : memref<80x125xi32, #tpu.memory_space<vmem>> -> memref<1x125xi32, #tpu.memory_space<vmem>>
          %dma_start3A_154 = tpu.memref_squeeze %dma_start3A_153 : memref<1x125xi32, #tpu.memory_space<vmem>> -> memref<125xi32, #tpu.memory_space<vmem>>
          %dma_start3A_155 = arith.constant 0 : i32
          %dma_start3A_156 = arith.constant 0 : i32
          %dma_start3A_157 = tpu.memref_slice %arg22[%dma_start3A_155, %dma_start3A_156] : memref<10240x48xf32, #tpu.memory_space<vmem_shared>> -> memref<10240x48xf32, #tpu.memory_space<vmem_shared>>
          tpu.enqueue_indirect_dma source(%arg14 : memref<125x48xf32, #tpu.memory_space<vmem>>) target(%dma_start3A_157 : memref<10240x48xf32, #tpu.memory_space<vmem_shared>>) offsets(%dma_start3A_154 : memref<125xi32, #tpu.memory_space<vmem>>) semaphore(%run_scoped3A : memref<!tpu.dma_semaphore, #tpu.memory_space<semaphore_mem>>) {add = true}
          %dma_wait3A_158 = arith.constant 0 : i32
          %dma_wait3A_159 = tpu.memref_slice %arg11[%add3A_117, %dma_wait3A_158] : memref<80x125xi32, #tpu.memory_space<vmem>> -> memref<1x125xi32, #tpu.memory_space<vmem>>
          %dma_wait3A_160 = tpu.memref_squeeze %dma_wait3A_159 : memref<1x125xi32, #tpu.memory_space<vmem>> -> memref<125xi32, #tpu.memory_space<vmem>>
          %dma_wait3A_161 = arith.constant 0 : i32
          %dma_wait3A_162 = arith.constant 0 : i32
          %dma_wait3A_163 = tpu.memref_slice %arg22[%dma_wait3A_161, %dma_wait3A_162] : memref<10240x48xf32, #tpu.memory_space<vmem_shared>> -> memref<10240x48xf32, #tpu.memory_space<vmem_shared>>
          tpu.wait_indirect_dma semaphore(%run_scoped3A : memref<!tpu.dma_semaphore, #tpu.memory_space<semaphore_mem>>) src(%arg14 : memref<125x48xf32, #tpu.memory_space<vmem>>) dst(%dma_wait3A_163 : memref<10240x48xf32, #tpu.memory_space<vmem_shared>>)
          tpu.yield
        }) : () -> ()
        %mul3A_133 = arith.constant 4 : i32
        %mul3A_134 = arith.muli %while3A_76, %mul3A_133 : i32
        %add3A_135 = arith.constant 3 : i32
        %add3A_136 = arith.addi %mul3A_134, %add3A_135 : i32
        %dma_wait3A_137 = arith.constant 0 : i32
        %dma_wait3A_138 = tpu.memref_slice %arg10[%add3A_136, %dma_wait3A_137] : memref<80x125xi32, #tpu.memory_space<vmem>> -> memref<1x125xi32, #tpu.memory_space<vmem>>
        %dma_wait3A_139 = tpu.memref_squeeze %dma_wait3A_138 : memref<1x125xi32, #tpu.memory_space<vmem>> -> memref<125xi32, #tpu.memory_space<vmem>>
        %dma_wait3A_140 = arith.constant 0 : i32
        %dma_wait3A_141 = arith.constant 0 : i32
        %dma_wait3A_142 = tpu.memref_slice %arg8[%dma_wait3A_140, %dma_wait3A_141] : memref<10240x48xf32, #tpu.memory_space<hbm>> -> memref<10240x48xf32, #tpu.memory_space<hbm>>
        tpu.wait_indirect_dma semaphore(%arg26 : memref<!tpu.dma_semaphore, #tpu.memory_space<semaphore_mem>>) src(%dma_wait3A_142 : memref<10240x48xf32, #tpu.memory_space<hbm>>) dst(%arg15 : memref<125x48xf32, #tpu.memory_space<vmem>>)
        %add3A_143 = arith.constant 4 : i32
        %add3A_144 = arith.addi %add3A_136, %add3A_143 : i32
        %sub3A_145 = arith.constant 1 : i32
        %sub3A_146 = arith.subi %add3A_144, %sub3A_145 : i32
        %lt3A_147 = arith.constant 80 : i32
        %lt3A_148 = arith.cmpi slt, %sub3A_146, %lt3A_147 : i32
        %convert_element_type3A_149 = arith.extui %lt3A_148 : i1 to i32
        %cond3A_150 = arith.constant 0 : i32
        %cond3A_151 = arith.cmpi ne, %convert_element_type3A_149, %cond3A_150 : i32
        scf.if %cond3A_151 {
          %add3A_152 = arith.constant 4 : i32
          %add3A_153 = arith.addi %add3A_136, %add3A_152 : i32
          %sub3A_154 = arith.constant 1 : i32
          %sub3A_155 = arith.subi %add3A_153, %sub3A_154 : i32
          %dma_start3A_156 = arith.constant 0 : i32
          %dma_start3A_157 = tpu.memref_slice %arg10[%sub3A_155, %dma_start3A_156] : memref<80x125xi32, #tpu.memory_space<vmem>> -> memref<1x125xi32, #tpu.memory_space<vmem>>
          %dma_start3A_158 = tpu.memref_squeeze %dma_start3A_157 : memref<1x125xi32, #tpu.memory_space<vmem>> -> memref<125xi32, #tpu.memory_space<vmem>>
          %dma_start3A_159 = arith.constant 0 : i32
          %dma_start3A_160 = arith.constant 0 : i32
          %dma_start3A_161 = tpu.memref_slice %arg8[%dma_start3A_159, %dma_start3A_160] : memref<10240x48xf32, #tpu.memory_space<hbm>> -> memref<10240x48xf32, #tpu.memory_space<hbm>>
          tpu.enqueue_indirect_dma source(%dma_start3A_161 : memref<10240x48xf32, #tpu.memory_space<hbm>>) target(%arg14 : memref<125x48xf32, #tpu.memory_space<vmem>>) offsets(%dma_start3A_158 : memref<125xi32, #tpu.memory_space<vmem>>) semaphore(%arg25 : memref<!tpu.dma_semaphore, #tpu.memory_space<semaphore_mem>>)
        } else {
        }
        "tpu.region"() ({
          %run_scoped3A = tpu.sem_alloc : memref<!tpu.dma_semaphore, #tpu.memory_space<semaphore_mem>>
          %dma_start3A_152 = arith.constant 0 : i32
          %dma_start3A_153 = tpu.memref_slice %arg11[%add3A_136, %dma_start3A_152] : memref<80x125xi32, #tpu.memory_space<vmem>> -> memref<1x125xi32, #tpu.memory_space<vmem>>
          %dma_start3A_154 = tpu.memref_squeeze %dma_start3A_153 : memref<1x125xi32, #tpu.memory_space<vmem>> -> memref<125xi32, #tpu.memory_space<vmem>>
          %dma_start3A_155 = arith.constant 0 : i32
          %dma_start3A_156 = arith.constant 0 : i32
          %dma_start3A_157 = tpu.memref_slice %arg22[%dma_start3A_155, %dma_start3A_156] : memref<10240x48xf32, #tpu.memory_space<vmem_shared>> -> memref<10240x48xf32, #tpu.memory_space<vmem_shared>>
          tpu.enqueue_indirect_dma source(%arg15 : memref<125x48xf32, #tpu.memory_space<vmem>>) target(%dma_start3A_157 : memref<10240x48xf32, #tpu.memory_space<vmem_shared>>) offsets(%dma_start3A_154 : memref<125xi32, #tpu.memory_space<vmem>>) semaphore(%run_scoped3A : memref<!tpu.dma_semaphore, #tpu.memory_space<semaphore_mem>>) {add = true}
          %dma_wait3A_158 = arith.constant 0 : i32
          %dma_wait3A_159 = tpu.memref_slice %arg11[%add3A_136, %dma_wait3A_158] : memref<80x125xi32, #tpu.memory_space<vmem>> -> memref<1x125xi32, #tpu.memory_space<vmem>>
          %dma_wait3A_160 = tpu.memref_squeeze %dma_wait3A_159 : memref<1x125xi32, #tpu.memory_space<vmem>> -> memref<125xi32, #tpu.memory_space<vmem>>
          %dma_wait3A_161 = arith.constant 0 : i32
          %dma_wait3A_162 = arith.constant 0 : i32
          %dma_wait3A_163 = tpu.memref_slice %arg22[%dma_wait3A_161, %dma_wait3A_162] : memref<10240x48xf32, #tpu.memory_space<vmem_shared>> -> memref<10240x48xf32, #tpu.memory_space<vmem_shared>>
          tpu.wait_indirect_dma semaphore(%run_scoped3A : memref<!tpu.dma_semaphore, #tpu.memory_space<semaphore_mem>>) src(%arg15 : memref<125x48xf32, #tpu.memory_space<vmem>>) dst(%dma_wait3A_163 : memref<10240x48xf32, #tpu.memory_space<vmem_shared>>)
          tpu.yield
        }) : () -> ()
      }
      %barrier3A_57 = arith.constant 0 : index
      tpu.barrier barrier_id(%barrier3A_57)
      %sub3A = arith.constant 1 : i32
      %sub3A_58 = arith.subi %sub3A, %arg0 : i32
      %mul3A_59 = arith.constant 5120 : i32
      %mul3A_60 = arith.muli %sub3A_58, %mul3A_59 : i32
      %mul3A_61 = arith.constant 320 : i32
      %mul3A_62 = arith.muli %arg1, %mul3A_61 : i32
      %add3A_63 = arith.addi %mul3A_60, %mul3A_62 : i32
      %mul3A_64 = arith.constant 10240 : i32
      %mul3A_65 = arith.muli %arg0, %mul3A_64 : i32
      %add3A_66 = arith.addi %mul3A_65, %add3A_63 : i32
      "tpu.region"() ({
        %run_scoped3A = tpu.sem_alloc : memref<!tpu.dma_semaphore, #tpu.memory_space<semaphore_mem>>
        %dma_start3A_76 = arith.constant 0 : i32
        %dma_start3A_77 = tpu.memref_slice %arg9[%add3A_66, %dma_start3A_76] : memref<20480x48xf32, #tpu.memory_space<hbm>> -> memref<320x48xf32, #tpu.memory_space<hbm>>
        %dma_start3A_78 = arith.constant 0 : i32
        %dma_start3A_79 = tpu.memref_slice %arg22[%add3A_63, %dma_start3A_78] : memref<10240x48xf32, #tpu.memory_space<vmem_shared>> -> memref<320x48xf32, #tpu.memory_space<vmem_shared>>
        tpu.enqueue_dma source(%dma_start3A_79 : memref<320x48xf32, #tpu.memory_space<vmem_shared>>) target(%dma_start3A_77 : memref<320x48xf32, #tpu.memory_space<hbm>>) target_semaphore(%run_scoped3A : memref<!tpu.dma_semaphore, #tpu.memory_space<semaphore_mem>>)
        %dma_wait3A = arith.constant 0 : i32
        %dma_wait3A_80 = tpu.memref_slice %arg9[%add3A_66, %dma_wait3A] : memref<20480x48xf32, #tpu.memory_space<hbm>> -> memref<320x48xf32, #tpu.memory_space<hbm>>
        %dma_wait3A_81 = arith.constant 0 : i32
        %dma_wait3A_82 = tpu.memref_slice %arg22[%add3A_63, %dma_wait3A_81] : memref<10240x48xf32, #tpu.memory_space<vmem_shared>> -> memref<320x48xf32, #tpu.memory_space<vmem_shared>>
        tpu.wait_dma2 semaphore(%run_scoped3A : memref<!tpu.dma_semaphore, #tpu.memory_space<semaphore_mem>>) src(%dma_wait3A_82 : memref<320x48xf32, #tpu.memory_space<vmem_shared>>) dst(%dma_wait3A_80 : memref<320x48xf32, #tpu.memory_space<hbm>>)
        tpu.yield
      }) : () -> ()
      %eq3A_67 = arith.constant 9 : i32
      %eq3A_68 = arith.cmpi eq, %while3A_25, %eq3A_67 : i32
      %convert_element_type3A_69 = arith.extui %eq3A_68 : i1 to i32
      %cond3A_70 = arith.constant 0 : i32
      %cond3A_71 = arith.cmpi ne, %convert_element_type3A_69, %cond3A_70 : i32
      scf.if %cond3A_71 {
        %mul3A_76 = arith.constant 10240 : i32
        %mul3A_77 = arith.muli %arg0, %mul3A_76 : i32
        %add3A_78 = arith.addi %mul3A_77, %add3A_7 : i32
        "tpu.region"() ({
          %run_scoped3A = tpu.sem_alloc : memref<!tpu.dma_semaphore, #tpu.memory_space<semaphore_mem>>
          %dma_start3A_79 = arith.constant 0 : i32
          %dma_start3A_80 = tpu.memref_slice %arg9[%add3A_78, %dma_start3A_79] : memref<20480x48xf32, #tpu.memory_space<hbm>> -> memref<320x48xf32, #tpu.memory_space<hbm>>
          %dma_start3A_81 = arith.constant 0 : i32
          %dma_start3A_82 = tpu.memref_slice %arg22[%add3A_7, %dma_start3A_81] : memref<10240x48xf32, #tpu.memory_space<vmem_shared>> -> memref<320x48xf32, #tpu.memory_space<vmem_shared>>
          tpu.enqueue_dma source(%dma_start3A_82 : memref<320x48xf32, #tpu.memory_space<vmem_shared>>) target(%dma_start3A_80 : memref<320x48xf32, #tpu.memory_space<hbm>>) target_semaphore(%run_scoped3A : memref<!tpu.dma_semaphore, #tpu.memory_space<semaphore_mem>>)
          %dma_wait3A = arith.constant 0 : i32
          %dma_wait3A_83 = tpu.memref_slice %arg9[%add3A_78, %dma_wait3A] : memref<20480x48xf32, #tpu.memory_space<hbm>> -> memref<320x48xf32, #tpu.memory_space<hbm>>
          %dma_wait3A_84 = arith.constant 0 : i32
          %dma_wait3A_85 = tpu.memref_slice %arg22[%add3A_7, %dma_wait3A_84] : memref<10240x48xf32, #tpu.memory_space<vmem_shared>> -> memref<320x48xf32, #tpu.memory_space<vmem_shared>>
          tpu.wait_dma2 semaphore(%run_scoped3A : memref<!tpu.dma_semaphore, #tpu.memory_space<semaphore_mem>>) src(%dma_wait3A_85 : memref<320x48xf32, #tpu.memory_space<vmem_shared>>) dst(%dma_wait3A_83 : memref<320x48xf32, #tpu.memory_space<hbm>>)
          tpu.yield
        }) : () -> ()
      } else {
      }
      %lt3A = arith.constant 9 : i32
      %lt3A_72 = arith.cmpi slt, %while3A_25, %lt3A : i32
      %convert_element_type3A_73 = arith.extui %lt3A_72 : i1 to i32
      %cond3A_74 = arith.constant 0 : i32
      %cond3A_75 = arith.cmpi ne, %convert_element_type3A_73, %cond3A_74 : i32
      scf.if %cond3A_75 {
        %barrier3A_76 = arith.constant 0 : index
        tpu.barrier barrier_id(%barrier3A_76)
        %eq3A_77 = arith.constant 0 : i32
        %eq3A_78 = arith.cmpi eq, %arg1, %eq3A_77 : i32
        %convert_element_type3A_79 = arith.extui %eq3A_78 : i1 to i32
        %cond3A_80 = arith.constant 0 : i32
        %cond3A_81 = arith.cmpi ne, %convert_element_type3A_79, %cond3A_80 : i32
        scf.if %cond3A_81 {
          %sub3A_164 = arith.constant 1 : i32
          %sub3A_165 = arith.subi %sub3A_164, %arg0 : i32
          %semaphore_signal3A = arith.constant 1 : i32
          tpu.sem_signal %arg27, %semaphore_signal3A core_id %sub3A_165 : memref<!tpu.semaphore, #tpu.memory_space<semaphore_mem>>
          %semaphore_wait3A = arith.constant 1 : i32
          %semaphore_wait3A_166 = arith.constant true
          tpu.sem_wait %arg27, %semaphore_wait3A : memref<!tpu.semaphore, #tpu.memory_space<semaphore_mem>>
        } else {
        }
        %barrier3A_82 = arith.constant 0 : index
        tpu.barrier barrier_id(%barrier3A_82)
        %sub3A_83 = arith.constant 1 : i32
        %sub3A_84 = arith.subi %sub3A_83, %arg0 : i32
        %mul3A_85 = arith.constant 10240 : i32
        %mul3A_86 = arith.muli %sub3A_84, %mul3A_85 : i32
        %add3A_87 = arith.addi %mul3A_86, %add3A_7 : i32
        %add3A_88 = arith.constant 0 : i32
        %add3A_89 = arith.addi %add3A_7, %add3A_88 : i32
        %dma_start3A_90 = arith.constant 0 : i32
        %dma_start3A_91 = tpu.memref_slice %arg22[%add3A_89, %dma_start3A_90] : memref<10240x48xf32, #tpu.memory_space<vmem_shared>> -> memref<160x48xf32, #tpu.memory_space<vmem_shared>>
        %dma_start3A_92 = arith.constant 0 : i32
        %dma_start3A_93 = tpu.memref_slice %arg22[%add3A_89, %dma_start3A_92] : memref<10240x48xf32, #tpu.memory_space<vmem_shared>> -> memref<160x48xf32, #tpu.memory_space<vmem_shared>>
        tpu.enqueue_dma source(%dma_start3A_93 : memref<160x48xf32, #tpu.memory_space<vmem_shared>>) target(%arg16 : memref<160x48xf32, #tpu.memory_space<vmem>>) target_semaphore(%arg23 : memref<!tpu.dma_semaphore, #tpu.memory_space<semaphore_mem>>)
        %add3A_94 = arith.constant 0 : i32
        %add3A_95 = arith.addi %add3A_87, %add3A_94 : i32
        %dma_start3A_96 = arith.constant 0 : i32
        %dma_start3A_97 = tpu.memref_slice %arg9[%add3A_95, %dma_start3A_96] : memref<20480x48xf32, #tpu.memory_space<hbm>> -> memref<160x48xf32, #tpu.memory_space<hbm>>
        %dma_start3A_98 = arith.constant 0 : i32
        %dma_start3A_99 = tpu.memref_slice %arg9[%add3A_95, %dma_start3A_98] : memref<20480x48xf32, #tpu.memory_space<hbm>> -> memref<160x48xf32, #tpu.memory_space<hbm>>
        tpu.enqueue_dma source(%dma_start3A_99 : memref<160x48xf32, #tpu.memory_space<hbm>>) target(%arg17 : memref<160x48xf32, #tpu.memory_space<vmem>>) target_semaphore(%arg24 : memref<!tpu.dma_semaphore, #tpu.memory_space<semaphore_mem>>)
        %add3A_100 = arith.constant 160 : i32
        %add3A_101 = arith.addi %add3A_7, %add3A_100 : i32
        %dma_start3A_102 = arith.constant 0 : i32
        %dma_start3A_103 = tpu.memref_slice %arg22[%add3A_101, %dma_start3A_102] : memref<10240x48xf32, #tpu.memory_space<vmem_shared>> -> memref<160x48xf32, #tpu.memory_space<vmem_shared>>
        %dma_start3A_104 = arith.constant 0 : i32
        %dma_start3A_105 = tpu.memref_slice %arg22[%add3A_101, %dma_start3A_104] : memref<10240x48xf32, #tpu.memory_space<vmem_shared>> -> memref<160x48xf32, #tpu.memory_space<vmem_shared>>
        tpu.enqueue_dma source(%dma_start3A_105 : memref<160x48xf32, #tpu.memory_space<vmem_shared>>) target(%arg18 : memref<160x48xf32, #tpu.memory_space<vmem>>) target_semaphore(%arg25 : memref<!tpu.dma_semaphore, #tpu.memory_space<semaphore_mem>>)
        %add3A_106 = arith.constant 160 : i32
        %add3A_107 = arith.addi %add3A_87, %add3A_106 : i32
        %dma_start3A_108 = arith.constant 0 : i32
        %dma_start3A_109 = tpu.memref_slice %arg9[%add3A_107, %dma_start3A_108] : memref<20480x48xf32, #tpu.memory_space<hbm>> -> memref<160x48xf32, #tpu.memory_space<hbm>>
        %dma_start3A_110 = arith.constant 0 : i32
        %dma_start3A_111 = tpu.memref_slice %arg9[%add3A_107, %dma_start3A_110] : memref<20480x48xf32, #tpu.memory_space<hbm>> -> memref<160x48xf32, #tpu.memory_space<hbm>>
        tpu.enqueue_dma source(%dma_start3A_111 : memref<160x48xf32, #tpu.memory_space<hbm>>) target(%arg19 : memref<160x48xf32, #tpu.memory_space<vmem>>) target_semaphore(%arg26 : memref<!tpu.dma_semaphore, #tpu.memory_space<semaphore_mem>>)
        "tpu.region"() ({
          %run_scoped3A = tpu.sem_alloc : memref<!tpu.dma_semaphore, #tpu.memory_space<semaphore_mem>>
          %dma_start3A_164 = arith.constant 0 : i32
          %dma_start3A_165 = tpu.memref_slice %arg22[%add3A_63, %dma_start3A_164] : memref<10240x48xf32, #tpu.memory_space<vmem_shared>> -> memref<320x48xf32, #tpu.memory_space<vmem_shared>>
          %dma_start3A_166 = arith.constant 0 : i32
          %dma_start3A_167 = tpu.memref_slice %arg7[%add3A_63, %dma_start3A_166] : memref<10240x48xf32, #tpu.memory_space<hbm>> -> memref<320x48xf32, #tpu.memory_space<hbm>>
          tpu.enqueue_dma source(%dma_start3A_167 : memref<320x48xf32, #tpu.memory_space<hbm>>) target(%dma_start3A_165 : memref<320x48xf32, #tpu.memory_space<vmem_shared>>) target_semaphore(%run_scoped3A : memref<!tpu.dma_semaphore, #tpu.memory_space<semaphore_mem>>)
          %dma_wait3A_168 = arith.constant 0 : i32
          %dma_wait3A_169 = tpu.memref_slice %arg22[%add3A_63, %dma_wait3A_168] : memref<10240x48xf32, #tpu.memory_space<vmem_shared>> -> memref<320x48xf32, #tpu.memory_space<vmem_shared>>
          %dma_wait3A_170 = arith.constant 0 : i32
          %dma_wait3A_171 = tpu.memref_slice %arg7[%add3A_63, %dma_wait3A_170] : memref<10240x48xf32, #tpu.memory_space<hbm>> -> memref<320x48xf32, #tpu.memory_space<hbm>>
          tpu.wait_dma2 semaphore(%run_scoped3A : memref<!tpu.dma_semaphore, #tpu.memory_space<semaphore_mem>>) src(%dma_wait3A_171 : memref<320x48xf32, #tpu.memory_space<hbm>>) dst(%dma_wait3A_169 : memref<320x48xf32, #tpu.memory_space<vmem_shared>>)
          tpu.yield
        }) : () -> ()
        %add3A_112 = arith.constant 0 : i32
        %add3A_113 = arith.addi %add3A_7, %add3A_112 : i32
        %dma_wait3A = arith.constant 0 : i32
        %dma_wait3A_114 = tpu.memref_slice %arg22[%add3A_113, %dma_wait3A] : memref<10240x48xf32, #tpu.memory_space<vmem_shared>> -> memref<160x48xf32, #tpu.memory_space<vmem_shared>>
        %dma_wait3A_115 = arith.constant 0 : i32
        %dma_wait3A_116 = tpu.memref_slice %arg22[%add3A_113, %dma_wait3A_115] : memref<10240x48xf32, #tpu.memory_space<vmem_shared>> -> memref<160x48xf32, #tpu.memory_space<vmem_shared>>
        tpu.wait_dma2 semaphore(%arg23 : memref<!tpu.dma_semaphore, #tpu.memory_space<semaphore_mem>>) src(%dma_wait3A_116 : memref<160x48xf32, #tpu.memory_space<vmem_shared>>) dst(%arg16 : memref<160x48xf32, #tpu.memory_space<vmem>>)
        "tpu.region"() ({
          %run_scoped3A = tpu.sem_alloc : memref<!tpu.dma_semaphore, #tpu.memory_space<semaphore_mem>>
          %dma_start3A_164 = arith.constant 0 : i32
          %dma_start3A_165 = tpu.memref_slice %arg22[%add3A_113, %dma_start3A_164] : memref<10240x48xf32, #tpu.memory_space<vmem_shared>> -> memref<160x48xf32, #tpu.memory_space<vmem_shared>>
          %dma_start3A_166 = arith.constant 0 : i32
          %dma_start3A_167 = tpu.memref_slice %arg7[%add3A_113, %dma_start3A_166] : memref<10240x48xf32, #tpu.memory_space<hbm>> -> memref<160x48xf32, #tpu.memory_space<hbm>>
          tpu.enqueue_dma source(%dma_start3A_167 : memref<160x48xf32, #tpu.memory_space<hbm>>) target(%dma_start3A_165 : memref<160x48xf32, #tpu.memory_space<vmem_shared>>) target_semaphore(%run_scoped3A : memref<!tpu.dma_semaphore, #tpu.memory_space<semaphore_mem>>)
          %dma_wait3A_168 = arith.constant 0 : i32
          %dma_wait3A_169 = tpu.memref_slice %arg22[%add3A_113, %dma_wait3A_168] : memref<10240x48xf32, #tpu.memory_space<vmem_shared>> -> memref<160x48xf32, #tpu.memory_space<vmem_shared>>
          %dma_wait3A_170 = arith.constant 0 : i32
          %dma_wait3A_171 = tpu.memref_slice %arg7[%add3A_113, %dma_wait3A_170] : memref<10240x48xf32, #tpu.memory_space<hbm>> -> memref<160x48xf32, #tpu.memory_space<hbm>>
          tpu.wait_dma2 semaphore(%run_scoped3A : memref<!tpu.dma_semaphore, #tpu.memory_space<semaphore_mem>>) src(%dma_wait3A_171 : memref<160x48xf32, #tpu.memory_space<hbm>>) dst(%dma_wait3A_169 : memref<160x48xf32, #tpu.memory_space<vmem_shared>>)
          tpu.yield
        }) : () -> ()
        "tpu.region"() ({
          %run_scoped3A = tpu.sem_alloc : memref<!tpu.dma_semaphore, #tpu.memory_space<semaphore_mem>>
          %dma_start3A_164 = arith.constant 0 : i32
          %dma_start3A_165 = tpu.memref_slice %arg4[%add3A_113, %dma_start3A_164] : memref<10240x48xf32, #tpu.memory_space<hbm>> -> memref<160x48xf32, #tpu.memory_space<hbm>>
          %dma_start3A_166 = arith.constant 0 : i32
          %dma_start3A_167 = tpu.memref_slice %arg4[%add3A_113, %dma_start3A_166] : memref<10240x48xf32, #tpu.memory_space<hbm>> -> memref<160x48xf32, #tpu.memory_space<hbm>>
          tpu.enqueue_dma source(%dma_start3A_167 : memref<160x48xf32, #tpu.memory_space<hbm>>) target(%arg21 : memref<160x48xf32, #tpu.memory_space<vmem>>) target_semaphore(%run_scoped3A : memref<!tpu.dma_semaphore, #tpu.memory_space<semaphore_mem>>)
          %dma_wait3A_168 = arith.constant 0 : i32
          %dma_wait3A_169 = tpu.memref_slice %arg4[%add3A_113, %dma_wait3A_168] : memref<10240x48xf32, #tpu.memory_space<hbm>> -> memref<160x48xf32, #tpu.memory_space<hbm>>
          %dma_wait3A_170 = arith.constant 0 : i32
          %dma_wait3A_171 = tpu.memref_slice %arg4[%add3A_113, %dma_wait3A_170] : memref<10240x48xf32, #tpu.memory_space<hbm>> -> memref<160x48xf32, #tpu.memory_space<hbm>>
          tpu.wait_dma2 semaphore(%run_scoped3A : memref<!tpu.dma_semaphore, #tpu.memory_space<semaphore_mem>>) src(%dma_wait3A_171 : memref<160x48xf32, #tpu.memory_space<hbm>>) dst(%arg21 : memref<160x48xf32, #tpu.memory_space<vmem>>)
          tpu.yield
        }) : () -> ()
        %add3A_117 = arith.constant 0 : i32
        %add3A_118 = arith.addi %add3A_87, %add3A_117 : i32
        %dma_wait3A_119 = arith.constant 0 : i32
        %dma_wait3A_120 = tpu.memref_slice %arg9[%add3A_118, %dma_wait3A_119] : memref<20480x48xf32, #tpu.memory_space<hbm>> -> memref<160x48xf32, #tpu.memory_space<hbm>>
        %dma_wait3A_121 = arith.constant 0 : i32
        %dma_wait3A_122 = tpu.memref_slice %arg9[%add3A_118, %dma_wait3A_121] : memref<20480x48xf32, #tpu.memory_space<hbm>> -> memref<160x48xf32, #tpu.memory_space<hbm>>
        tpu.wait_dma2 semaphore(%arg24 : memref<!tpu.dma_semaphore, #tpu.memory_space<semaphore_mem>>) src(%dma_wait3A_122 : memref<160x48xf32, #tpu.memory_space<hbm>>) dst(%arg17 : memref<160x48xf32, #tpu.memory_space<vmem>>)
        %while3A_123 = arith.constant 0 : i32
        %while3A_124 = arith.constant 0 : i32
        %while3A_125 = arith.constant 160 : i32
        %while3A_126 = arith.subi %while3A_125, %while3A_124 : i32
        %while3A_127 = arith.addi %while3A_124, %while3A_126 : i32
        %while3A_128 = arith.constant 1 : i32
        %while3A_129 = arith.divsi %while3A_126, %while3A_128 : i32
        %while3A_130 = arith.muli %while3A_129, %while3A_128 : i32
        %while3A_131 = arith.addi %while3A_124, %while3A_130 : i32
        %while3A_132 = arith.constant 1 : i32
        scf.for %while3A_164 = %while3A_124 to %while3A_131 step %while3A_132  : i32 {
          %add3A_165 = arith.constant 0 : i32
          %add3A_166 = arith.addi %while3A_164, %add3A_165 : i32
          %get3A = arith.index_cast %add3A_166 : i32 to index
          %get3A_167 = arith.constant 0 : index
          %get3A_168 = tpu.vector_load %arg20[%get3A, %get3A_167] {strides = array<i32>} : memref<320x48xf32, #tpu.memory_space<vmem>>, vector<1x16xf32>,
          %get3A_169 = vector.shape_cast %get3A_168 : vector<1x16xf32> to vector<16xf32>
          %get3A_170 = arith.index_cast %while3A_164 : i32 to index
          %get3A_171 = arith.constant 0 : index
          %get3A_172 = tpu.vector_load %arg16[%get3A_170, %get3A_171] {strides = array<i32>} : memref<160x48xf32, #tpu.memory_space<vmem>>, vector<1x16xf32>,
          %get3A_173 = vector.shape_cast %get3A_172 : vector<1x16xf32> to vector<16xf32>
          %get3A_174 = arith.index_cast %while3A_164 : i32 to index
          %get3A_175 = arith.constant 0 : index
          %get3A_176 = tpu.vector_load %arg17[%get3A_174, %get3A_175] {strides = array<i32>} : memref<160x48xf32, #tpu.memory_space<vmem>>, vector<1x16xf32>,
          %get3A_177 = vector.shape_cast %get3A_176 : vector<1x16xf32> to vector<16xf32>
          %add3A_178 = arith.addf %get3A_173, %get3A_177 : vector<16xf32>
          %mul3A_179 = arith.mulf %get3A_169, %add3A_178 : vector<16xf32>
          %get3A_180 = arith.index_cast %while3A_164 : i32 to index
          %get3A_181 = arith.constant 0 : index
          %get3A_182 = tpu.vector_load %arg21[%get3A_180, %get3A_181] {strides = array<i32>} : memref<160x48xf32, #tpu.memory_space<vmem>>, vector<1x16xf32>,
          %get3A_183 = vector.shape_cast %get3A_182 : vector<1x16xf32> to vector<16xf32>
          %add3A_184 = arith.addf %mul3A_179, %get3A_183 : vector<16xf32>
          %swap3A = arith.index_cast %while3A_164 : i32 to index
          %swap3A_185 = arith.constant 0 : index
          %swap3A_186 = tpu.vector_load %arg16[%swap3A, %swap3A_185] {strides = array<i32>} : memref<160x48xf32, #tpu.memory_space<vmem>>, vector<1x16xf32>,
          %swap3A_187 = vector.shape_cast %swap3A_186 : vector<1x16xf32> to vector<16xf32>
          %swap3A_188 = vector.shape_cast %add3A_184 : vector<16xf32> to vector<1x16xf32>
          tpu.vector_store %arg16[%swap3A, %swap3A_185], %swap3A_188 {strides = array<i32>} : memref<160x48xf32, #tpu.memory_space<vmem>>, vector<1x16xf32>,
          %add3A_189 = arith.constant 0 : i32
          %add3A_190 = arith.addi %while3A_164, %add3A_189 : i32
          %get3A_191 = arith.index_cast %add3A_190 : i32 to index
          %get3A_192 = arith.constant 16 : index
          %get3A_193 = tpu.vector_load %arg20[%get3A_191, %get3A_192] {strides = array<i32>} : memref<320x48xf32, #tpu.memory_space<vmem>>, vector<1x16xf32>,
          %get3A_194 = vector.shape_cast %get3A_193 : vector<1x16xf32> to vector<16xf32>
          %get3A_195 = arith.index_cast %while3A_164 : i32 to index
          %get3A_196 = arith.constant 16 : index
          %get3A_197 = tpu.vector_load %arg16[%get3A_195, %get3A_196] {strides = array<i32>} : memref<160x48xf32, #tpu.memory_space<vmem>>, vector<1x16xf32>,
          %get3A_198 = vector.shape_cast %get3A_197 : vector<1x16xf32> to vector<16xf32>
          %get3A_199 = arith.index_cast %while3A_164 : i32 to index
          %get3A_200 = arith.constant 16 : index
          %get3A_201 = tpu.vector_load %arg17[%get3A_199, %get3A_200] {strides = array<i32>} : memref<160x48xf32, #tpu.memory_space<vmem>>, vector<1x16xf32>,
          %get3A_202 = vector.shape_cast %get3A_201 : vector<1x16xf32> to vector<16xf32>
          %add3A_203 = arith.addf %get3A_198, %get3A_202 : vector<16xf32>
          %mul3A_204 = arith.mulf %get3A_194, %add3A_203 : vector<16xf32>
          %get3A_205 = arith.index_cast %while3A_164 : i32 to index
          %get3A_206 = arith.constant 16 : index
          %get3A_207 = tpu.vector_load %arg21[%get3A_205, %get3A_206] {strides = array<i32>} : memref<160x48xf32, #tpu.memory_space<vmem>>, vector<1x16xf32>,
          %get3A_208 = vector.shape_cast %get3A_207 : vector<1x16xf32> to vector<16xf32>
          %add3A_209 = arith.addf %mul3A_204, %get3A_208 : vector<16xf32>
          %swap3A_210 = arith.index_cast %while3A_164 : i32 to index
          %swap3A_211 = arith.constant 16 : index
          %swap3A_212 = tpu.vector_load %arg16[%swap3A_210, %swap3A_211] {strides = array<i32>} : memref<160x48xf32, #tpu.memory_space<vmem>>, vector<1x16xf32>,
          %swap3A_213 = vector.shape_cast %swap3A_212 : vector<1x16xf32> to vector<16xf32>
          %swap3A_214 = vector.shape_cast %add3A_209 : vector<16xf32> to vector<1x16xf32>
          tpu.vector_store %arg16[%swap3A_210, %swap3A_211], %swap3A_214 {strides = array<i32>} : memref<160x48xf32, #tpu.memory_space<vmem>>, vector<1x16xf32>,
          %add3A_215 = arith.constant 0 : i32
          %add3A_216 = arith.addi %while3A_164, %add3A_215 : i32
          %get3A_217 = arith.index_cast %add3A_216 : i32 to index
          %get3A_218 = arith.constant 32 : index
          %get3A_219 = tpu.vector_load %arg20[%get3A_217, %get3A_218] {strides = array<i32>} : memref<320x48xf32, #tpu.memory_space<vmem>>, vector<1x16xf32>,
          %get3A_220 = vector.shape_cast %get3A_219 : vector<1x16xf32> to vector<16xf32>
          %get3A_221 = arith.index_cast %while3A_164 : i32 to index
          %get3A_222 = arith.constant 32 : index
          %get3A_223 = tpu.vector_load %arg16[%get3A_221, %get3A_222] {strides = array<i32>} : memref<160x48xf32, #tpu.memory_space<vmem>>, vector<1x16xf32>,
          %get3A_224 = vector.shape_cast %get3A_223 : vector<1x16xf32> to vector<16xf32>
          %get3A_225 = arith.index_cast %while3A_164 : i32 to index
          %get3A_226 = arith.constant 32 : index
          %get3A_227 = tpu.vector_load %arg17[%get3A_225, %get3A_226] {strides = array<i32>} : memref<160x48xf32, #tpu.memory_space<vmem>>, vector<1x16xf32>,
          %get3A_228 = vector.shape_cast %get3A_227 : vector<1x16xf32> to vector<16xf32>
          %add3A_229 = arith.addf %get3A_224, %get3A_228 : vector<16xf32>
          %mul3A_230 = arith.mulf %get3A_220, %add3A_229 : vector<16xf32>
          %get3A_231 = arith.index_cast %while3A_164 : i32 to index
          %get3A_232 = arith.constant 32 : index
          %get3A_233 = tpu.vector_load %arg21[%get3A_231, %get3A_232] {strides = array<i32>} : memref<160x48xf32, #tpu.memory_space<vmem>>, vector<1x16xf32>,
          %get3A_234 = vector.shape_cast %get3A_233 : vector<1x16xf32> to vector<16xf32>
          %add3A_235 = arith.addf %mul3A_230, %get3A_234 : vector<16xf32>
          %swap3A_236 = arith.index_cast %while3A_164 : i32 to index
          %swap3A_237 = arith.constant 32 : index
          %swap3A_238 = tpu.vector_load %arg16[%swap3A_236, %swap3A_237] {strides = array<i32>} : memref<160x48xf32, #tpu.memory_space<vmem>>, vector<1x16xf32>,
          %swap3A_239 = vector.shape_cast %swap3A_238 : vector<1x16xf32> to vector<16xf32>
          %swap3A_240 = vector.shape_cast %add3A_235 : vector<16xf32> to vector<1x16xf32>
          tpu.vector_store %arg16[%swap3A_236, %swap3A_237], %swap3A_240 {strides = array<i32>} : memref<160x48xf32, #tpu.memory_space<vmem>>, vector<1x16xf32>,
        }
        %while3A_133 = arith.constant 1 : i32
        scf.for %while3A_164 = %while3A_131 to %while3A_127 step %while3A_133  : i32 {
          %add3A_165 = arith.constant 0 : i32
          %add3A_166 = arith.addi %while3A_164, %add3A_165 : i32
          %get3A = arith.index_cast %add3A_166 : i32 to index
          %get3A_167 = arith.constant 0 : index
          %get3A_168 = tpu.vector_load %arg20[%get3A, %get3A_167] {strides = array<i32>} : memref<320x48xf32, #tpu.memory_space<vmem>>, vector<1x16xf32>,
          %get3A_169 = vector.shape_cast %get3A_168 : vector<1x16xf32> to vector<16xf32>
          %get3A_170 = arith.index_cast %while3A_164 : i32 to index
          %get3A_171 = arith.constant 0 : index
          %get3A_172 = tpu.vector_load %arg16[%get3A_170, %get3A_171] {strides = array<i32>} : memref<160x48xf32, #tpu.memory_space<vmem>>, vector<1x16xf32>,
          %get3A_173 = vector.shape_cast %get3A_172 : vector<1x16xf32> to vector<16xf32>
          %get3A_174 = arith.index_cast %while3A_164 : i32 to index
          %get3A_175 = arith.constant 0 : index
          %get3A_176 = tpu.vector_load %arg17[%get3A_174, %get3A_175] {strides = array<i32>} : memref<160x48xf32, #tpu.memory_space<vmem>>, vector<1x16xf32>,
          %get3A_177 = vector.shape_cast %get3A_176 : vector<1x16xf32> to vector<16xf32>
          %add3A_178 = arith.addf %get3A_173, %get3A_177 : vector<16xf32>
          %mul3A_179 = arith.mulf %get3A_169, %add3A_178 : vector<16xf32>
          %get3A_180 = arith.index_cast %while3A_164 : i32 to index
          %get3A_181 = arith.constant 0 : index
          %get3A_182 = tpu.vector_load %arg21[%get3A_180, %get3A_181] {strides = array<i32>} : memref<160x48xf32, #tpu.memory_space<vmem>>, vector<1x16xf32>,
          %get3A_183 = vector.shape_cast %get3A_182 : vector<1x16xf32> to vector<16xf32>
          %add3A_184 = arith.addf %mul3A_179, %get3A_183 : vector<16xf32>
          %swap3A = arith.index_cast %while3A_164 : i32 to index
          %swap3A_185 = arith.constant 0 : index
          %swap3A_186 = tpu.vector_load %arg16[%swap3A, %swap3A_185] {strides = array<i32>} : memref<160x48xf32, #tpu.memory_space<vmem>>, vector<1x16xf32>,
          %swap3A_187 = vector.shape_cast %swap3A_186 : vector<1x16xf32> to vector<16xf32>
          %swap3A_188 = vector.shape_cast %add3A_184 : vector<16xf32> to vector<1x16xf32>
          tpu.vector_store %arg16[%swap3A, %swap3A_185], %swap3A_188 {strides = array<i32>} : memref<160x48xf32, #tpu.memory_space<vmem>>, vector<1x16xf32>,
          %add3A_189 = arith.constant 0 : i32
          %add3A_190 = arith.addi %while3A_164, %add3A_189 : i32
          %get3A_191 = arith.index_cast %add3A_190 : i32 to index
          %get3A_192 = arith.constant 16 : index
          %get3A_193 = tpu.vector_load %arg20[%get3A_191, %get3A_192] {strides = array<i32>} : memref<320x48xf32, #tpu.memory_space<vmem>>, vector<1x16xf32>,
          %get3A_194 = vector.shape_cast %get3A_193 : vector<1x16xf32> to vector<16xf32>
          %get3A_195 = arith.index_cast %while3A_164 : i32 to index
          %get3A_196 = arith.constant 16 : index
          %get3A_197 = tpu.vector_load %arg16[%get3A_195, %get3A_196] {strides = array<i32>} : memref<160x48xf32, #tpu.memory_space<vmem>>, vector<1x16xf32>,
          %get3A_198 = vector.shape_cast %get3A_197 : vector<1x16xf32> to vector<16xf32>
          %get3A_199 = arith.index_cast %while3A_164 : i32 to index
          %get3A_200 = arith.constant 16 : index
          %get3A_201 = tpu.vector_load %arg17[%get3A_199, %get3A_200] {strides = array<i32>} : memref<160x48xf32, #tpu.memory_space<vmem>>, vector<1x16xf32>,
          %get3A_202 = vector.shape_cast %get3A_201 : vector<1x16xf32> to vector<16xf32>
          %add3A_203 = arith.addf %get3A_198, %get3A_202 : vector<16xf32>
          %mul3A_204 = arith.mulf %get3A_194, %add3A_203 : vector<16xf32>
          %get3A_205 = arith.index_cast %while3A_164 : i32 to index
          %get3A_206 = arith.constant 16 : index
          %get3A_207 = tpu.vector_load %arg21[%get3A_205, %get3A_206] {strides = array<i32>} : memref<160x48xf32, #tpu.memory_space<vmem>>, vector<1x16xf32>,
          %get3A_208 = vector.shape_cast %get3A_207 : vector<1x16xf32> to vector<16xf32>
          %add3A_209 = arith.addf %mul3A_204, %get3A_208 : vector<16xf32>
          %swap3A_210 = arith.index_cast %while3A_164 : i32 to index
          %swap3A_211 = arith.constant 16 : index
          %swap3A_212 = tpu.vector_load %arg16[%swap3A_210, %swap3A_211] {strides = array<i32>} : memref<160x48xf32, #tpu.memory_space<vmem>>, vector<1x16xf32>,
          %swap3A_213 = vector.shape_cast %swap3A_212 : vector<1x16xf32> to vector<16xf32>
          %swap3A_214 = vector.shape_cast %add3A_209 : vector<16xf32> to vector<1x16xf32>
          tpu.vector_store %arg16[%swap3A_210, %swap3A_211], %swap3A_214 {strides = array<i32>} : memref<160x48xf32, #tpu.memory_space<vmem>>, vector<1x16xf32>,
          %add3A_215 = arith.constant 0 : i32
          %add3A_216 = arith.addi %while3A_164, %add3A_215 : i32
          %get3A_217 = arith.index_cast %add3A_216 : i32 to index
          %get3A_218 = arith.constant 32 : index
          %get3A_219 = tpu.vector_load %arg20[%get3A_217, %get3A_218] {strides = array<i32>} : memref<320x48xf32, #tpu.memory_space<vmem>>, vector<1x16xf32>,
          %get3A_220 = vector.shape_cast %get3A_219 : vector<1x16xf32> to vector<16xf32>
          %get3A_221 = arith.index_cast %while3A_164 : i32 to index
          %get3A_222 = arith.constant 32 : index
          %get3A_223 = tpu.vector_load %arg16[%get3A_221, %get3A_222] {strides = array<i32>} : memref<160x48xf32, #tpu.memory_space<vmem>>, vector<1x16xf32>,
          %get3A_224 = vector.shape_cast %get3A_223 : vector<1x16xf32> to vector<16xf32>
          %get3A_225 = arith.index_cast %while3A_164 : i32 to index
          %get3A_226 = arith.constant 32 : index
          %get3A_227 = tpu.vector_load %arg17[%get3A_225, %get3A_226] {strides = array<i32>} : memref<160x48xf32, #tpu.memory_space<vmem>>, vector<1x16xf32>,
          %get3A_228 = vector.shape_cast %get3A_227 : vector<1x16xf32> to vector<16xf32>
          %add3A_229 = arith.addf %get3A_224, %get3A_228 : vector<16xf32>
          %mul3A_230 = arith.mulf %get3A_220, %add3A_229 : vector<16xf32>
          %get3A_231 = arith.index_cast %while3A_164 : i32 to index
          %get3A_232 = arith.constant 32 : index
          %get3A_233 = tpu.vector_load %arg21[%get3A_231, %get3A_232] {strides = array<i32>} : memref<160x48xf32, #tpu.memory_space<vmem>>, vector<1x16xf32>,
          %get3A_234 = vector.shape_cast %get3A_233 : vector<1x16xf32> to vector<16xf32>
          %add3A_235 = arith.addf %mul3A_230, %get3A_234 : vector<16xf32>
          %swap3A_236 = arith.index_cast %while3A_164 : i32 to index
          %swap3A_237 = arith.constant 32 : index
          %swap3A_238 = tpu.vector_load %arg16[%swap3A_236, %swap3A_237] {strides = array<i32>} : memref<160x48xf32, #tpu.memory_space<vmem>>, vector<1x16xf32>,
          %swap3A_239 = vector.shape_cast %swap3A_238 : vector<1x16xf32> to vector<16xf32>
          %swap3A_240 = vector.shape_cast %add3A_235 : vector<16xf32> to vector<1x16xf32>
          tpu.vector_store %arg16[%swap3A_236, %swap3A_237], %swap3A_240 {strides = array<i32>} : memref<160x48xf32, #tpu.memory_space<vmem>>, vector<1x16xf32>,
        }
        "tpu.region"() ({
          %run_scoped3A = tpu.sem_alloc : memref<!tpu.dma_semaphore, #tpu.memory_space<semaphore_mem>>
          %dma_start3A_164 = arith.constant 0 : i32
          %dma_start3A_165 = tpu.memref_slice %arg8[%add3A_113, %dma_start3A_164] : memref<10240x48xf32, #tpu.memory_space<hbm>> -> memref<160x48xf32, #tpu.memory_space<hbm>>
          %dma_start3A_166 = arith.constant 0 : i32
          %dma_start3A_167 = tpu.memref_slice %arg8[%add3A_113, %dma_start3A_166] : memref<10240x48xf32, #tpu.memory_space<hbm>> -> memref<160x48xf32, #tpu.memory_space<hbm>>
          tpu.enqueue_dma source(%arg16 : memref<160x48xf32, #tpu.memory_space<vmem>>) target(%dma_start3A_167 : memref<160x48xf32, #tpu.memory_space<hbm>>) target_semaphore(%run_scoped3A : memref<!tpu.dma_semaphore, #tpu.memory_space<semaphore_mem>>)
          %dma_wait3A_168 = arith.constant 0 : i32
          %dma_wait3A_169 = tpu.memref_slice %arg8[%add3A_113, %dma_wait3A_168] : memref<10240x48xf32, #tpu.memory_space<hbm>> -> memref<160x48xf32, #tpu.memory_space<hbm>>
          %dma_wait3A_170 = arith.constant 0 : i32
          %dma_wait3A_171 = tpu.memref_slice %arg8[%add3A_113, %dma_wait3A_170] : memref<10240x48xf32, #tpu.memory_space<hbm>> -> memref<160x48xf32, #tpu.memory_space<hbm>>
          tpu.wait_dma2 semaphore(%run_scoped3A : memref<!tpu.dma_semaphore, #tpu.memory_space<semaphore_mem>>) src(%arg16 : memref<160x48xf32, #tpu.memory_space<vmem>>) dst(%dma_wait3A_171 : memref<160x48xf32, #tpu.memory_space<hbm>>)
          tpu.yield
        }) : () -> ()
        %add3A_134 = arith.constant 160 : i32
        %add3A_135 = arith.addi %add3A_7, %add3A_134 : i32
        %dma_wait3A_136 = arith.constant 0 : i32
        %dma_wait3A_137 = tpu.memref_slice %arg22[%add3A_135, %dma_wait3A_136] : memref<10240x48xf32, #tpu.memory_space<vmem_shared>> -> memref<160x48xf32, #tpu.memory_space<vmem_shared>>
        %dma_wait3A_138 = arith.constant 0 : i32
        %dma_wait3A_139 = tpu.memref_slice %arg22[%add3A_135, %dma_wait3A_138] : memref<10240x48xf32, #tpu.memory_space<vmem_shared>> -> memref<160x48xf32, #tpu.memory_space<vmem_shared>>
        tpu.wait_dma2 semaphore(%arg25 : memref<!tpu.dma_semaphore, #tpu.memory_space<semaphore_mem>>) src(%dma_wait3A_139 : memref<160x48xf32, #tpu.memory_space<vmem_shared>>) dst(%arg18 : memref<160x48xf32, #tpu.memory_space<vmem>>)
        "tpu.region"() ({
          %run_scoped3A = tpu.sem_alloc : memref<!tpu.dma_semaphore, #tpu.memory_space<semaphore_mem>>
          %dma_start3A_164 = arith.constant 0 : i32
          %dma_start3A_165 = tpu.memref_slice %arg22[%add3A_135, %dma_start3A_164] : memref<10240x48xf32, #tpu.memory_space<vmem_shared>> -> memref<160x48xf32, #tpu.memory_space<vmem_shared>>
          %dma_start3A_166 = arith.constant 0 : i32
          %dma_start3A_167 = tpu.memref_slice %arg7[%add3A_135, %dma_start3A_166] : memref<10240x48xf32, #tpu.memory_space<hbm>> -> memref<160x48xf32, #tpu.memory_space<hbm>>
          tpu.enqueue_dma source(%dma_start3A_167 : memref<160x48xf32, #tpu.memory_space<hbm>>) target(%dma_start3A_165 : memref<160x48xf32, #tpu.memory_space<vmem_shared>>) target_semaphore(%run_scoped3A : memref<!tpu.dma_semaphore, #tpu.memory_space<semaphore_mem>>)
          %dma_wait3A_168 = arith.constant 0 : i32
          %dma_wait3A_169 = tpu.memref_slice %arg22[%add3A_135, %dma_wait3A_168] : memref<10240x48xf32, #tpu.memory_space<vmem_shared>> -> memref<160x48xf32, #tpu.memory_space<vmem_shared>>
          %dma_wait3A_170 = arith.constant 0 : i32
          %dma_wait3A_171 = tpu.memref_slice %arg7[%add3A_135, %dma_wait3A_170] : memref<10240x48xf32, #tpu.memory_space<hbm>> -> memref<160x48xf32, #tpu.memory_space<hbm>>
          tpu.wait_dma2 semaphore(%run_scoped3A : memref<!tpu.dma_semaphore, #tpu.memory_space<semaphore_mem>>) src(%dma_wait3A_171 : memref<160x48xf32, #tpu.memory_space<hbm>>) dst(%dma_wait3A_169 : memref<160x48xf32, #tpu.memory_space<vmem_shared>>)
          tpu.yield
        }) : () -> ()
        "tpu.region"() ({
          %run_scoped3A = tpu.sem_alloc : memref<!tpu.dma_semaphore, #tpu.memory_space<semaphore_mem>>
          %dma_start3A_164 = arith.constant 0 : i32
          %dma_start3A_165 = tpu.memref_slice %arg4[%add3A_135, %dma_start3A_164] : memref<10240x48xf32, #tpu.memory_space<hbm>> -> memref<160x48xf32, #tpu.memory_space<hbm>>
          %dma_start3A_166 = arith.constant 0 : i32
          %dma_start3A_167 = tpu.memref_slice %arg4[%add3A_135, %dma_start3A_166] : memref<10240x48xf32, #tpu.memory_space<hbm>> -> memref<160x48xf32, #tpu.memory_space<hbm>>
          tpu.enqueue_dma source(%dma_start3A_167 : memref<160x48xf32, #tpu.memory_space<hbm>>) target(%arg21 : memref<160x48xf32, #tpu.memory_space<vmem>>) target_semaphore(%run_scoped3A : memref<!tpu.dma_semaphore, #tpu.memory_space<semaphore_mem>>)
          %dma_wait3A_168 = arith.constant 0 : i32
          %dma_wait3A_169 = tpu.memref_slice %arg4[%add3A_135, %dma_wait3A_168] : memref<10240x48xf32, #tpu.memory_space<hbm>> -> memref<160x48xf32, #tpu.memory_space<hbm>>
          %dma_wait3A_170 = arith.constant 0 : i32
          %dma_wait3A_171 = tpu.memref_slice %arg4[%add3A_135, %dma_wait3A_170] : memref<10240x48xf32, #tpu.memory_space<hbm>> -> memref<160x48xf32, #tpu.memory_space<hbm>>
          tpu.wait_dma2 semaphore(%run_scoped3A : memref<!tpu.dma_semaphore, #tpu.memory_space<semaphore_mem>>) src(%dma_wait3A_171 : memref<160x48xf32, #tpu.memory_space<hbm>>) dst(%arg21 : memref<160x48xf32, #tpu.memory_space<vmem>>)
          tpu.yield
        }) : () -> ()
        %add3A_140 = arith.constant 160 : i32
        %add3A_141 = arith.addi %add3A_87, %add3A_140 : i32
        %dma_wait3A_142 = arith.constant 0 : i32
        %dma_wait3A_143 = tpu.memref_slice %arg9[%add3A_141, %dma_wait3A_142] : memref<20480x48xf32, #tpu.memory_space<hbm>> -> memref<160x48xf32, #tpu.memory_space<hbm>>
        %dma_wait3A_144 = arith.constant 0 : i32
        %dma_wait3A_145 = tpu.memref_slice %arg9[%add3A_141, %dma_wait3A_144] : memref<20480x48xf32, #tpu.memory_space<hbm>> -> memref<160x48xf32, #tpu.memory_space<hbm>>
        tpu.wait_dma2 semaphore(%arg26 : memref<!tpu.dma_semaphore, #tpu.memory_space<semaphore_mem>>) src(%dma_wait3A_145 : memref<160x48xf32, #tpu.memory_space<hbm>>) dst(%arg19 : memref<160x48xf32, #tpu.memory_space<vmem>>)
        %while3A_146 = arith.constant 0 : i32
        %while3A_147 = arith.constant 0 : i32
        %while3A_148 = arith.constant 160 : i32
        %while3A_149 = arith.subi %while3A_148, %while3A_147 : i32
        %while3A_150 = arith.addi %while3A_147, %while3A_149 : i32
        %while3A_151 = arith.constant 1 : i32
        %while3A_152 = arith.divsi %while3A_149, %while3A_151 : i32
        %while3A_153 = arith.muli %while3A_152, %while3A_151 : i32
        %while3A_154 = arith.addi %while3A_147, %while3A_153 : i32
        %while3A_155 = arith.constant 1 : i32
        scf.for %while3A_164 = %while3A_147 to %while3A_154 step %while3A_155  : i32 {
          %add3A_165 = arith.constant 160 : i32
          %add3A_166 = arith.addi %while3A_164, %add3A_165 : i32
          %get3A = arith.index_cast %add3A_166 : i32 to index
          %get3A_167 = arith.constant 0 : index
          %get3A_168 = tpu.vector_load %arg20[%get3A, %get3A_167] {strides = array<i32>} : memref<320x48xf32, #tpu.memory_space<vmem>>, vector<1x16xf32>,
          %get3A_169 = vector.shape_cast %get3A_168 : vector<1x16xf32> to vector<16xf32>
          %get3A_170 = arith.index_cast %while3A_164 : i32 to index
          %get3A_171 = arith.constant 0 : index
          %get3A_172 = tpu.vector_load %arg18[%get3A_170, %get3A_171] {strides = array<i32>} : memref<160x48xf32, #tpu.memory_space<vmem>>, vector<1x16xf32>,
          %get3A_173 = vector.shape_cast %get3A_172 : vector<1x16xf32> to vector<16xf32>
          %get3A_174 = arith.index_cast %while3A_164 : i32 to index
          %get3A_175 = arith.constant 0 : index
          %get3A_176 = tpu.vector_load %arg19[%get3A_174, %get3A_175] {strides = array<i32>} : memref<160x48xf32, #tpu.memory_space<vmem>>, vector<1x16xf32>,
          %get3A_177 = vector.shape_cast %get3A_176 : vector<1x16xf32> to vector<16xf32>
          %add3A_178 = arith.addf %get3A_173, %get3A_177 : vector<16xf32>
          %mul3A_179 = arith.mulf %get3A_169, %add3A_178 : vector<16xf32>
          %get3A_180 = arith.index_cast %while3A_164 : i32 to index
          %get3A_181 = arith.constant 0 : index
          %get3A_182 = tpu.vector_load %arg21[%get3A_180, %get3A_181] {strides = array<i32>} : memref<160x48xf32, #tpu.memory_space<vmem>>, vector<1x16xf32>,
          %get3A_183 = vector.shape_cast %get3A_182 : vector<1x16xf32> to vector<16xf32>
          %add3A_184 = arith.addf %mul3A_179, %get3A_183 : vector<16xf32>
          %swap3A = arith.index_cast %while3A_164 : i32 to index
          %swap3A_185 = arith.constant 0 : index
          %swap3A_186 = tpu.vector_load %arg18[%swap3A, %swap3A_185] {strides = array<i32>} : memref<160x48xf32, #tpu.memory_space<vmem>>, vector<1x16xf32>,
          %swap3A_187 = vector.shape_cast %swap3A_186 : vector<1x16xf32> to vector<16xf32>
          %swap3A_188 = vector.shape_cast %add3A_184 : vector<16xf32> to vector<1x16xf32>
          tpu.vector_store %arg18[%swap3A, %swap3A_185], %swap3A_188 {strides = array<i32>} : memref<160x48xf32, #tpu.memory_space<vmem>>, vector<1x16xf32>,
          %add3A_189 = arith.constant 160 : i32
          %add3A_190 = arith.addi %while3A_164, %add3A_189 : i32
          %get3A_191 = arith.index_cast %add3A_190 : i32 to index
          %get3A_192 = arith.constant 16 : index
          %get3A_193 = tpu.vector_load %arg20[%get3A_191, %get3A_192] {strides = array<i32>} : memref<320x48xf32, #tpu.memory_space<vmem>>, vector<1x16xf32>,
          %get3A_194 = vector.shape_cast %get3A_193 : vector<1x16xf32> to vector<16xf32>
          %get3A_195 = arith.index_cast %while3A_164 : i32 to index
          %get3A_196 = arith.constant 16 : index
          %get3A_197 = tpu.vector_load %arg18[%get3A_195, %get3A_196] {strides = array<i32>} : memref<160x48xf32, #tpu.memory_space<vmem>>, vector<1x16xf32>,
          %get3A_198 = vector.shape_cast %get3A_197 : vector<1x16xf32> to vector<16xf32>
          %get3A_199 = arith.index_cast %while3A_164 : i32 to index
          %get3A_200 = arith.constant 16 : index
          %get3A_201 = tpu.vector_load %arg19[%get3A_199, %get3A_200] {strides = array<i32>} : memref<160x48xf32, #tpu.memory_space<vmem>>, vector<1x16xf32>,
          %get3A_202 = vector.shape_cast %get3A_201 : vector<1x16xf32> to vector<16xf32>
          %add3A_203 = arith.addf %get3A_198, %get3A_202 : vector<16xf32>
          %mul3A_204 = arith.mulf %get3A_194, %add3A_203 : vector<16xf32>
          %get3A_205 = arith.index_cast %while3A_164 : i32 to index
          %get3A_206 = arith.constant 16 : index
          %get3A_207 = tpu.vector_load %arg21[%get3A_205, %get3A_206] {strides = array<i32>} : memref<160x48xf32, #tpu.memory_space<vmem>>, vector<1x16xf32>,
          %get3A_208 = vector.shape_cast %get3A_207 : vector<1x16xf32> to vector<16xf32>
          %add3A_209 = arith.addf %mul3A_204, %get3A_208 : vector<16xf32>
          %swap3A_210 = arith.index_cast %while3A_164 : i32 to index
          %swap3A_211 = arith.constant 16 : index
          %swap3A_212 = tpu.vector_load %arg18[%swap3A_210, %swap3A_211] {strides = array<i32>} : memref<160x48xf32, #tpu.memory_space<vmem>>, vector<1x16xf32>,
          %swap3A_213 = vector.shape_cast %swap3A_212 : vector<1x16xf32> to vector<16xf32>
          %swap3A_214 = vector.shape_cast %add3A_209 : vector<16xf32> to vector<1x16xf32>
          tpu.vector_store %arg18[%swap3A_210, %swap3A_211], %swap3A_214 {strides = array<i32>} : memref<160x48xf32, #tpu.memory_space<vmem>>, vector<1x16xf32>,
          %add3A_215 = arith.constant 160 : i32
          %add3A_216 = arith.addi %while3A_164, %add3A_215 : i32
          %get3A_217 = arith.index_cast %add3A_216 : i32 to index
          %get3A_218 = arith.constant 32 : index
          %get3A_219 = tpu.vector_load %arg20[%get3A_217, %get3A_218] {strides = array<i32>} : memref<320x48xf32, #tpu.memory_space<vmem>>, vector<1x16xf32>,
          %get3A_220 = vector.shape_cast %get3A_219 : vector<1x16xf32> to vector<16xf32>
          %get3A_221 = arith.index_cast %while3A_164 : i32 to index
          %get3A_222 = arith.constant 32 : index
          %get3A_223 = tpu.vector_load %arg18[%get3A_221, %get3A_222] {strides = array<i32>} : memref<160x48xf32, #tpu.memory_space<vmem>>, vector<1x16xf32>,
          %get3A_224 = vector.shape_cast %get3A_223 : vector<1x16xf32> to vector<16xf32>
          %get3A_225 = arith.index_cast %while3A_164 : i32 to index
          %get3A_226 = arith.constant 32 : index
          %get3A_227 = tpu.vector_load %arg19[%get3A_225, %get3A_226] {strides = array<i32>} : memref<160x48xf32, #tpu.memory_space<vmem>>, vector<1x16xf32>,
          %get3A_228 = vector.shape_cast %get3A_227 : vector<1x16xf32> to vector<16xf32>
          %add3A_229 = arith.addf %get3A_224, %get3A_228 : vector<16xf32>
          %mul3A_230 = arith.mulf %get3A_220, %add3A_229 : vector<16xf32>
          %get3A_231 = arith.index_cast %while3A_164 : i32 to index
          %get3A_232 = arith.constant 32 : index
          %get3A_233 = tpu.vector_load %arg21[%get3A_231, %get3A_232] {strides = array<i32>} : memref<160x48xf32, #tpu.memory_space<vmem>>, vector<1x16xf32>,
          %get3A_234 = vector.shape_cast %get3A_233 : vector<1x16xf32> to vector<16xf32>
          %add3A_235 = arith.addf %mul3A_230, %get3A_234 : vector<16xf32>
          %swap3A_236 = arith.index_cast %while3A_164 : i32 to index
          %swap3A_237 = arith.constant 32 : index
          %swap3A_238 = tpu.vector_load %arg18[%swap3A_236, %swap3A_237] {strides = array<i32>} : memref<160x48xf32, #tpu.memory_space<vmem>>, vector<1x16xf32>,
          %swap3A_239 = vector.shape_cast %swap3A_238 : vector<1x16xf32> to vector<16xf32>
          %swap3A_240 = vector.shape_cast %add3A_235 : vector<16xf32> to vector<1x16xf32>
          tpu.vector_store %arg18[%swap3A_236, %swap3A_237], %swap3A_240 {strides = array<i32>} : memref<160x48xf32, #tpu.memory_space<vmem>>, vector<1x16xf32>,
        }
        %while3A_156 = arith.constant 1 : i32
        scf.for %while3A_164 = %while3A_154 to %while3A_150 step %while3A_156  : i32 {
          %add3A_165 = arith.constant 160 : i32
          %add3A_166 = arith.addi %while3A_164, %add3A_165 : i32
          %get3A = arith.index_cast %add3A_166 : i32 to index
          %get3A_167 = arith.constant 0 : index
          %get3A_168 = tpu.vector_load %arg20[%get3A, %get3A_167] {strides = array<i32>} : memref<320x48xf32, #tpu.memory_space<vmem>>, vector<1x16xf32>,
          %get3A_169 = vector.shape_cast %get3A_168 : vector<1x16xf32> to vector<16xf32>
          %get3A_170 = arith.index_cast %while3A_164 : i32 to index
          %get3A_171 = arith.constant 0 : index
          %get3A_172 = tpu.vector_load %arg18[%get3A_170, %get3A_171] {strides = array<i32>} : memref<160x48xf32, #tpu.memory_space<vmem>>, vector<1x16xf32>,
          %get3A_173 = vector.shape_cast %get3A_172 : vector<1x16xf32> to vector<16xf32>
          %get3A_174 = arith.index_cast %while3A_164 : i32 to index
          %get3A_175 = arith.constant 0 : index
          %get3A_176 = tpu.vector_load %arg19[%get3A_174, %get3A_175] {strides = array<i32>} : memref<160x48xf32, #tpu.memory_space<vmem>>, vector<1x16xf32>,
          %get3A_177 = vector.shape_cast %get3A_176 : vector<1x16xf32> to vector<16xf32>
          %add3A_178 = arith.addf %get3A_173, %get3A_177 : vector<16xf32>
          %mul3A_179 = arith.mulf %get3A_169, %add3A_178 : vector<16xf32>
          %get3A_180 = arith.index_cast %while3A_164 : i32 to index
          %get3A_181 = arith.constant 0 : index
          %get3A_182 = tpu.vector_load %arg21[%get3A_180, %get3A_181] {strides = array<i32>} : memref<160x48xf32, #tpu.memory_space<vmem>>, vector<1x16xf32>,
          %get3A_183 = vector.shape_cast %get3A_182 : vector<1x16xf32> to vector<16xf32>
          %add3A_184 = arith.addf %mul3A_179, %get3A_183 : vector<16xf32>
          %swap3A = arith.index_cast %while3A_164 : i32 to index
          %swap3A_185 = arith.constant 0 : index
          %swap3A_186 = tpu.vector_load %arg18[%swap3A, %swap3A_185] {strides = array<i32>} : memref<160x48xf32, #tpu.memory_space<vmem>>, vector<1x16xf32>,
          %swap3A_187 = vector.shape_cast %swap3A_186 : vector<1x16xf32> to vector<16xf32>
          %swap3A_188 = vector.shape_cast %add3A_184 : vector<16xf32> to vector<1x16xf32>
          tpu.vector_store %arg18[%swap3A, %swap3A_185], %swap3A_188 {strides = array<i32>} : memref<160x48xf32, #tpu.memory_space<vmem>>, vector<1x16xf32>,
          %add3A_189 = arith.constant 160 : i32
          %add3A_190 = arith.addi %while3A_164, %add3A_189 : i32
          %get3A_191 = arith.index_cast %add3A_190 : i32 to index
          %get3A_192 = arith.constant 16 : index
          %get3A_193 = tpu.vector_load %arg20[%get3A_191, %get3A_192] {strides = array<i32>} : memref<320x48xf32, #tpu.memory_space<vmem>>, vector<1x16xf32>,
          %get3A_194 = vector.shape_cast %get3A_193 : vector<1x16xf32> to vector<16xf32>
          %get3A_195 = arith.index_cast %while3A_164 : i32 to index
          %get3A_196 = arith.constant 16 : index
          %get3A_197 = tpu.vector_load %arg18[%get3A_195, %get3A_196] {strides = array<i32>} : memref<160x48xf32, #tpu.memory_space<vmem>>, vector<1x16xf32>,
          %get3A_198 = vector.shape_cast %get3A_197 : vector<1x16xf32> to vector<16xf32>
          %get3A_199 = arith.index_cast %while3A_164 : i32 to index
          %get3A_200 = arith.constant 16 : index
          %get3A_201 = tpu.vector_load %arg19[%get3A_199, %get3A_200] {strides = array<i32>} : memref<160x48xf32, #tpu.memory_space<vmem>>, vector<1x16xf32>,
          %get3A_202 = vector.shape_cast %get3A_201 : vector<1x16xf32> to vector<16xf32>
          %add3A_203 = arith.addf %get3A_198, %get3A_202 : vector<16xf32>
          %mul3A_204 = arith.mulf %get3A_194, %add3A_203 : vector<16xf32>
          %get3A_205 = arith.index_cast %while3A_164 : i32 to index
          %get3A_206 = arith.constant 16 : index
          %get3A_207 = tpu.vector_load %arg21[%get3A_205, %get3A_206] {strides = array<i32>} : memref<160x48xf32, #tpu.memory_space<vmem>>, vector<1x16xf32>,
          %get3A_208 = vector.shape_cast %get3A_207 : vector<1x16xf32> to vector<16xf32>
          %add3A_209 = arith.addf %mul3A_204, %get3A_208 : vector<16xf32>
          %swap3A_210 = arith.index_cast %while3A_164 : i32 to index
          %swap3A_211 = arith.constant 16 : index
          %swap3A_212 = tpu.vector_load %arg18[%swap3A_210, %swap3A_211] {strides = array<i32>} : memref<160x48xf32, #tpu.memory_space<vmem>>, vector<1x16xf32>,
          %swap3A_213 = vector.shape_cast %swap3A_212 : vector<1x16xf32> to vector<16xf32>
          %swap3A_214 = vector.shape_cast %add3A_209 : vector<16xf32> to vector<1x16xf32>
          tpu.vector_store %arg18[%swap3A_210, %swap3A_211], %swap3A_214 {strides = array<i32>} : memref<160x48xf32, #tpu.memory_space<vmem>>, vector<1x16xf32>,
          %add3A_215 = arith.constant 160 : i32
          %add3A_216 = arith.addi %while3A_164, %add3A_215 : i32
          %get3A_217 = arith.index_cast %add3A_216 : i32 to index
          %get3A_218 = arith.constant 32 : index
          %get3A_219 = tpu.vector_load %arg20[%get3A_217, %get3A_218] {strides = array<i32>} : memref<320x48xf32, #tpu.memory_space<vmem>>, vector<1x16xf32>,
          %get3A_220 = vector.shape_cast %get3A_219 : vector<1x16xf32> to vector<16xf32>
          %get3A_221 = arith.index_cast %while3A_164 : i32 to index
          %get3A_222 = arith.constant 32 : index
          %get3A_223 = tpu.vector_load %arg18[%get3A_221, %get3A_222] {strides = array<i32>} : memref<160x48xf32, #tpu.memory_space<vmem>>, vector<1x16xf32>,
          %get3A_224 = vector.shape_cast %get3A_223 : vector<1x16xf32> to vector<16xf32>
          %get3A_225 = arith.index_cast %while3A_164 : i32 to index
          %get3A_226 = arith.constant 32 : index
          %get3A_227 = tpu.vector_load %arg19[%get3A_225, %get3A_226] {strides = array<i32>} : memref<160x48xf32, #tpu.memory_space<vmem>>, vector<1x16xf32>,
          %get3A_228 = vector.shape_cast %get3A_227 : vector<1x16xf32> to vector<16xf32>
          %add3A_229 = arith.addf %get3A_224, %get3A_228 : vector<16xf32>
          %mul3A_230 = arith.mulf %get3A_220, %add3A_229 : vector<16xf32>
          %get3A_231 = arith.index_cast %while3A_164 : i32 to index
          %get3A_232 = arith.constant 32 : index
          %get3A_233 = tpu.vector_load %arg21[%get3A_231, %get3A_232] {strides = array<i32>} : memref<160x48xf32, #tpu.memory_space<vmem>>, vector<1x16xf32>,
          %get3A_234 = vector.shape_cast %get3A_233 : vector<1x16xf32> to vector<16xf32>
          %add3A_235 = arith.addf %mul3A_230, %get3A_234 : vector<16xf32>
          %swap3A_236 = arith.index_cast %while3A_164 : i32 to index
          %swap3A_237 = arith.constant 32 : index
          %swap3A_238 = tpu.vector_load %arg18[%swap3A_236, %swap3A_237] {strides = array<i32>} : memref<160x48xf32, #tpu.memory_space<vmem>>, vector<1x16xf32>,
          %swap3A_239 = vector.shape_cast %swap3A_238 : vector<1x16xf32> to vector<16xf32>
          %swap3A_240 = vector.shape_cast %add3A_235 : vector<16xf32> to vector<1x16xf32>
          tpu.vector_store %arg18[%swap3A_236, %swap3A_237], %swap3A_240 {strides = array<i32>} : memref<160x48xf32, #tpu.memory_space<vmem>>, vector<1x16xf32>,
        }
        "tpu.region"() ({
          %run_scoped3A = tpu.sem_alloc : memref<!tpu.dma_semaphore, #tpu.memory_space<semaphore_mem>>
          %dma_start3A_164 = arith.constant 0 : i32
          %dma_start3A_165 = tpu.memref_slice %arg8[%add3A_135, %dma_start3A_164] : memref<10240x48xf32, #tpu.memory_space<hbm>> -> memref<160x48xf32, #tpu.memory_space<hbm>>
          %dma_start3A_166 = arith.constant 0 : i32
          %dma_start3A_167 = tpu.memref_slice %arg8[%add3A_135, %dma_start3A_166] : memref<10240x48xf32, #tpu.memory_space<hbm>> -> memref<160x48xf32, #tpu.memory_space<hbm>>
          tpu.enqueue_dma source(%arg18 : memref<160x48xf32, #tpu.memory_space<vmem>>) target(%dma_start3A_167 : memref<160x48xf32, #tpu.memory_space<hbm>>) target_semaphore(%run_scoped3A : memref<!tpu.dma_semaphore, #tpu.memory_space<semaphore_mem>>)
          %dma_wait3A_168 = arith.constant 0 : i32
          %dma_wait3A_169 = tpu.memref_slice %arg8[%add3A_135, %dma_wait3A_168] : memref<10240x48xf32, #tpu.memory_space<hbm>> -> memref<160x48xf32, #tpu.memory_space<hbm>>
          %dma_wait3A_170 = arith.constant 0 : i32
          %dma_wait3A_171 = tpu.memref_slice %arg8[%add3A_135, %dma_wait3A_170] : memref<10240x48xf32, #tpu.memory_space<hbm>> -> memref<160x48xf32, #tpu.memory_space<hbm>>
          tpu.wait_dma2 semaphore(%run_scoped3A : memref<!tpu.dma_semaphore, #tpu.memory_space<semaphore_mem>>) src(%arg18 : memref<160x48xf32, #tpu.memory_space<vmem>>) dst(%dma_wait3A_171 : memref<160x48xf32, #tpu.memory_space<hbm>>)
          tpu.yield
        }) : () -> ()
        %barrier3A_157 = arith.constant 0 : index
        tpu.barrier barrier_id(%barrier3A_157)
        %eq3A_158 = arith.constant 0 : i32
        %eq3A_159 = arith.cmpi eq, %arg1, %eq3A_158 : i32
        %convert_element_type3A_160 = arith.extui %eq3A_159 : i1 to i32
        %cond3A_161 = arith.constant 0 : i32
        %cond3A_162 = arith.cmpi ne, %convert_element_type3A_160, %cond3A_161 : i32
        scf.if %cond3A_162 {
          %sub3A_164 = arith.constant 1 : i32
          %sub3A_165 = arith.subi %sub3A_164, %arg0 : i32
          %semaphore_signal3A = arith.constant 1 : i32
          tpu.sem_signal %arg27, %semaphore_signal3A core_id %sub3A_165 : memref<!tpu.semaphore, #tpu.memory_space<semaphore_mem>>
          %semaphore_wait3A = arith.constant 1 : i32
          %semaphore_wait3A_166 = arith.constant true
          tpu.sem_wait %arg27, %semaphore_wait3A : memref<!tpu.semaphore, #tpu.memory_space<semaphore_mem>>
        } else {
        }
        %barrier3A_163 = arith.constant 0 : index
        tpu.barrier barrier_id(%barrier3A_163)
      } else {
      }
    }
    return
  }
}

module attributes {stable_mosaic.version = 14 : i64} {
  func.func @_mlp_body(%arg0: i32, %arg1: memref<2000x128xf32, #tpu.memory_space<vmem>>, %arg2: memref<128x64xf32, #tpu.memory_space<vmem>>, %arg3: memref<1x64xf32, #tpu.memory_space<vmem>>, %arg4: memref<64x48xf32, #tpu.memory_space<vmem>>, %arg5: memref<1x48xf32, #tpu.memory_space<vmem>>, %arg6: memref<2x2000x16xf32, #tpu.memory_space<vmem>>, %arg7: memref<2x2000x16xf32, #tpu.memory_space<vmem>>, %arg8: memref<2000x48xf32, #tpu.memory_space<vmem>>, %arg9: memref<2000x48xf32, #tpu.memory_space<vmem>>, %arg10: memref<2000x48xf32, #tpu.memory_space<vmem>>, %arg11: memref<2000x48xf32, #tpu.memory_space<vmem>>, %arg12: memref<2000x48xf32, #tpu.memory_space<vmem>>) attributes {dimension_semantics = [#tpu.dimension_semantics<arbitrary>], iteration_bounds = array<i64: 5>, scalar_prefetch = 0 : i64, scratch_operands = 0 : i64, tpu.core_type = #tpu.core_type<tc>, window_params = [{transform_indices = @transform_0, window_bounds = array<i64: 2000, 128>}, {pipeline_mode = #tpu.pipeline_mode<synchronous>, transform_indices = @transform_1, window_bounds = array<i64: 128, 64>}, {pipeline_mode = #tpu.pipeline_mode<synchronous>, transform_indices = @transform_2, window_bounds = array<i64: 1, 64>}, {pipeline_mode = #tpu.pipeline_mode<synchronous>, transform_indices = @transform_3, window_bounds = array<i64: 64, 48>}, {pipeline_mode = #tpu.pipeline_mode<synchronous>, transform_indices = @transform_4, window_bounds = array<i64: 1, 48>}, {transform_indices = @transform_5, window_bounds = array<i64: 2, 2000, 16>}, {transform_indices = @transform_6, window_bounds = array<i64: 2, 2000, 16>}, {transform_indices = @transform_7, window_bounds = array<i64: 2000, 48>}, {transform_indices = @transform_8, window_bounds = array<i64: 2000, 48>}, {transform_indices = @transform_9, window_bounds = array<i64: 2000, 48>}, {transform_indices = @transform_10, window_bounds = array<i64: 2000, 48>}, {transform_indices = @transform_11, window_bounds = array<i64: 2000, 48>}]} {
    %get3A = arith.constant 0 : index
    %get3A_0 = arith.constant 0 : index
    %get3A_1 = vector.load %arg1[%get3A, %get3A_0] : memref<2000x128xf32, #tpu.memory_space<vmem>>, vector<2000x128xf32>
    %get3A_2 = arith.constant 0 : index
    %get3A_3 = arith.constant 0 : index
    %get3A_4 = vector.load %arg2[%get3A_2, %get3A_3] : memref<128x64xf32, #tpu.memory_space<vmem>>, vector<128x64xf32>
    %dot_general3A = arith.constant dense<0.000000e+00> : vector<2000x64xf32>
    %dot_general3A_5 = tpu.matmul %get3A_1, %get3A_4, %dot_general3A {dimension_numbers = #tpu.dot_dimension_numbers<[1], [0], [0], [1], [0, 0, 1, 1], [], []>, transpose_lhs_hint = false} : vector<2000x128xf32>, vector<128x64xf32>, vector<2000x64xf32> -> vector<2000x64xf32>
    %get3A_6 = arith.constant 0 : index
    %get3A_7 = arith.constant 0 : index
    %get3A_8 = vector.load %arg3[%get3A_6, %get3A_7] : memref<1x64xf32, #tpu.memory_space<vmem>>, vector<1x64xf32>
    %add3A = vector.broadcast %get3A_8 : vector<1x64xf32> to vector<2000x64xf32>
    %add3A_9 = arith.addf %dot_general3A_5, %add3A : vector<2000x64xf32>
    %max3A = arith.constant 0.000000e+00 : f32
    %max3A_10 = vector.broadcast %max3A : f32 to vector<2000x64xf32>
    %max3A_11 = arith.maximumf %add3A_9, %max3A_10 : vector<2000x64xf32>
    %get3A_12 = arith.constant 0 : index
    %get3A_13 = arith.constant 0 : index
    %get3A_14 = vector.load %arg4[%get3A_12, %get3A_13] : memref<64x48xf32, #tpu.memory_space<vmem>>, vector<64x48xf32>
    %dot_general3A_15 = arith.constant dense<0.000000e+00> : vector<2000x48xf32>
    %dot_general3A_16 = tpu.matmul %max3A_11, %get3A_14, %dot_general3A_15 {dimension_numbers = #tpu.dot_dimension_numbers<[1], [0], [0], [1], [0, 0, 1, 1], [], []>, transpose_lhs_hint = false} : vector<2000x64xf32>, vector<64x48xf32>, vector<2000x48xf32> -> vector<2000x48xf32>
    %get3A_17 = arith.constant 0 : index
    %get3A_18 = arith.constant 0 : index
    %get3A_19 = vector.load %arg5[%get3A_17, %get3A_18] : memref<1x48xf32, #tpu.memory_space<vmem>>, vector<1x48xf32>
    %add3A_20 = vector.broadcast %get3A_19 : vector<1x48xf32> to vector<2000x48xf32>
    %add3A_21 = arith.addf %dot_general3A_16, %add3A_20 : vector<2000x48xf32>
    %get3A_22 = arith.constant 0 : index
    %get3A_23 = arith.constant 0 : index
    %get3A_24 = arith.constant 0 : index
    %get3A_25 = vector.load %arg6[%get3A_22, %get3A_23, %get3A_24] : memref<2x2000x16xf32, #tpu.memory_space<vmem>>, vector<1x2000x1xf32>
    %get3A_26 = vector.shape_cast %get3A_25 : vector<1x2000x1xf32> to vector<2000xf32>
    %get3A_27 = arith.constant 1 : index
    %get3A_28 = arith.constant 0 : index
    %get3A_29 = arith.constant 0 : index
    %get3A_30 = vector.load %arg6[%get3A_27, %get3A_28, %get3A_29] : memref<2x2000x16xf32, #tpu.memory_space<vmem>>, vector<1x2000x1xf32>
    %get3A_31 = vector.shape_cast %get3A_30 : vector<1x2000x1xf32> to vector<2000xf32>
    %add3A_32 = arith.addf %get3A_26, %get3A_31 : vector<2000xf32>
    %get3A_33 = arith.constant 0 : index
    %get3A_34 = arith.constant 0 : index
    %get3A_35 = arith.constant 0 : index
    %get3A_36 = vector.load %arg7[%get3A_33, %get3A_34, %get3A_35] : memref<2x2000x16xf32, #tpu.memory_space<vmem>>, vector<1x2000x1xf32>
    %get3A_37 = vector.shape_cast %get3A_36 : vector<1x2000x1xf32> to vector<2000xf32>
    %get3A_38 = arith.constant 1 : index
    %get3A_39 = arith.constant 0 : index
    %get3A_40 = arith.constant 0 : index
    %get3A_41 = vector.load %arg7[%get3A_38, %get3A_39, %get3A_40] : memref<2x2000x16xf32, #tpu.memory_space<vmem>>, vector<1x2000x1xf32>
    %get3A_42 = vector.shape_cast %get3A_41 : vector<1x2000x1xf32> to vector<2000xf32>
    %add3A_43 = arith.addf %get3A_37, %get3A_42 : vector<2000xf32>
    %max3A_44 = arith.constant 1.000000e+00 : f32
    %max3A_45 = vector.broadcast %max3A_44 : f32 to vector<2000xf32>
    %max3A_46 = arith.maximumf %add3A_32, %max3A_45 : vector<2000xf32>
    %rsqrt3A = math.rsqrt %max3A_46 : vector<2000xf32>
    %broadcast_in_dim3A = vector.shape_cast %rsqrt3A : vector<2000xf32> to vector<2000x1xf32>
    %max3A_47 = arith.constant 1.000000e+00 : f32
    %max3A_48 = vector.broadcast %max3A_47 : f32 to vector<2000xf32>
    %max3A_49 = arith.maximumf %add3A_43, %max3A_48 : vector<2000xf32>
    %rsqrt3A_50 = math.rsqrt %max3A_49 : vector<2000xf32>
    %broadcast_in_dim3A_51 = vector.shape_cast %rsqrt3A_50 : vector<2000xf32> to vector<2000x1xf32>
    %mul3A = vector.broadcast %broadcast_in_dim3A : vector<2000x1xf32> to vector<2000x48xf32>
    %mul3A_52 = arith.mulf %add3A_21, %mul3A : vector<2000x48xf32>
    %swap3A = arith.constant 0 : index
    %swap3A_53 = arith.constant 0 : index
    %swap3A_54 = vector.load %arg8[%swap3A, %swap3A_53] : memref<2000x48xf32, #tpu.memory_space<vmem>>, vector<2000x48xf32>
    tpu.vector_store %arg8[%swap3A, %swap3A_53], %mul3A_52 {strides = array<i32>} : memref<2000x48xf32, #tpu.memory_space<vmem>>, vector<2000x48xf32>,
    %mul3A_55 = arith.constant 1.000000e-01 : f32
    %mul3A_56 = vector.broadcast %mul3A_55 : f32 to vector<2000x1xf32>
    %mul3A_57 = arith.mulf %mul3A_56, %broadcast_in_dim3A : vector<2000x1xf32>
    %mul3A_58 = vector.broadcast %mul3A_57 : vector<2000x1xf32> to vector<2000x48xf32>
    %mul3A_59 = arith.mulf %mul3A_58, %add3A_21 : vector<2000x48xf32>
    %swap3A_60 = arith.constant 0 : index
    %swap3A_61 = arith.constant 0 : index
    %swap3A_62 = vector.load %arg9[%swap3A_60, %swap3A_61] : memref<2000x48xf32, #tpu.memory_space<vmem>>, vector<2000x48xf32>
    tpu.vector_store %arg9[%swap3A_60, %swap3A_61], %mul3A_59 {strides = array<i32>} : memref<2000x48xf32, #tpu.memory_space<vmem>>, vector<2000x48xf32>,
    %mul3A_63 = arith.constant 0.899999976 : f32
    %mul3A_64 = vector.broadcast %mul3A_63 : f32 to vector<2000x1xf32>
    %mul3A_65 = arith.mulf %mul3A_64, %broadcast_in_dim3A : vector<2000x1xf32>
    %mul3A_66 = arith.mulf %mul3A_65, %broadcast_in_dim3A_51 : vector<2000x1xf32>
    %broadcast_in_dim3A_67 = vector.shape_cast %mul3A_66 : vector<2000x1xf32> to vector<2000x1xf32>
    %broadcast_in_dim3A_68 = vector.broadcast %broadcast_in_dim3A_67 : vector<2000x1xf32> to vector<2000x48xf32>
    %swap3A_69 = arith.constant 0 : index
    %swap3A_70 = arith.constant 0 : index
    %swap3A_71 = vector.load %arg10[%swap3A_69, %swap3A_70] : memref<2000x48xf32, #tpu.memory_space<vmem>>, vector<2000x48xf32>
    tpu.vector_store %arg10[%swap3A_69, %swap3A_70], %broadcast_in_dim3A_68 {strides = array<i32>} : memref<2000x48xf32, #tpu.memory_space<vmem>>, vector<2000x48xf32>,
    %mul3A_72 = arith.constant 0.899999976 : f32
    %mul3A_73 = vector.broadcast %mul3A_72 : f32 to vector<2000x1xf32>
    %mul3A_74 = arith.mulf %mul3A_73, %broadcast_in_dim3A_51 : vector<2000x1xf32>
    %broadcast_in_dim3A_75 = vector.shape_cast %mul3A_74 : vector<2000x1xf32> to vector<2000x1xf32>
    %broadcast_in_dim3A_76 = vector.broadcast %broadcast_in_dim3A_75 : vector<2000x1xf32> to vector<2000x48xf32>
    %swap3A_77 = arith.constant 0 : index
    %swap3A_78 = arith.constant 0 : index
    %swap3A_79 = vector.load %arg11[%swap3A_77, %swap3A_78] : memref<2000x48xf32, #tpu.memory_space<vmem>>, vector<2000x48xf32>
    tpu.vector_store %arg11[%swap3A_77, %swap3A_78], %broadcast_in_dim3A_76 {strides = array<i32>} : memref<2000x48xf32, #tpu.memory_space<vmem>>, vector<2000x48xf32>,
    %mul3A_80 = arith.constant 1.000000e-01 : f32
    %mul3A_81 = vector.broadcast %mul3A_80 : f32 to vector<2000x48xf32>
    %mul3A_82 = arith.mulf %mul3A_81, %add3A_21 : vector<2000x48xf32>
    %swap3A_83 = arith.constant 0 : index
    %swap3A_84 = arith.constant 0 : index
    %swap3A_85 = vector.load %arg12[%swap3A_83, %swap3A_84] : memref<2000x48xf32, #tpu.memory_space<vmem>>, vector<2000x48xf32>
    tpu.vector_store %arg12[%swap3A_83, %swap3A_84], %mul3A_82 {strides = array<i32>} : memref<2000x48xf32, #tpu.memory_space<vmem>>, vector<2000x48xf32>,
    return
  }
  func.func @transform_0(%arg0: i32) -> (i32, i32) {
    %c0_i32 = arith.constant 0 : i32
    %c0_i32_0 = arith.constant 0 : i32
    return %arg0, %c0_i32 : i32, i32
  }
  func.func @transform_1(%arg0: i32) -> (i32, i32) {
    %c0_i32 = arith.constant 0 : i32
    %c0_i32_0 = arith.constant 0 : i32
    %c0_i32_1 = arith.constant 0 : i32
    return %c0_i32, %c0_i32_0 : i32, i32
  }
  func.func @transform_2(%arg0: i32) -> (i32, i32) {
    %c0_i32 = arith.constant 0 : i32
    %c0_i32_0 = arith.constant 0 : i32
    %c0_i32_1 = arith.constant 0 : i32
    return %c0_i32, %c0_i32_0 : i32, i32
  }
  func.func @transform_3(%arg0: i32) -> (i32, i32) {
    %c0_i32 = arith.constant 0 : i32
    %c0_i32_0 = arith.constant 0 : i32
    %c0_i32_1 = arith.constant 0 : i32
    return %c0_i32, %c0_i32_0 : i32, i32
  }
  func.func @transform_4(%arg0: i32) -> (i32, i32) {
    %c0_i32 = arith.constant 0 : i32
    %c0_i32_0 = arith.constant 0 : i32
    %c0_i32_1 = arith.constant 0 : i32
    return %c0_i32, %c0_i32_0 : i32, i32
  }
  func.func @transform_5(%arg0: i32) -> (i32, i32, i32) {
    %c0_i32 = arith.constant 0 : i32
    %c0_i32_0 = arith.constant 0 : i32
    %c0_i32_1 = arith.constant 0 : i32
    return %c0_i32, %arg0, %c0_i32_0 : i32, i32, i32
  }
  func.func @transform_6(%arg0: i32) -> (i32, i32, i32) {
    %c0_i32 = arith.constant 0 : i32
    %c0_i32_0 = arith.constant 0 : i32
    %c0_i32_1 = arith.constant 0 : i32
    return %c0_i32, %arg0, %c0_i32_0 : i32, i32, i32
  }
  func.func @transform_7(%arg0: i32) -> (i32, i32) {
    %c0_i32 = arith.constant 0 : i32
    %c0_i32_0 = arith.constant 0 : i32
    return %arg0, %c0_i32 : i32, i32
  }
  func.func @transform_8(%arg0: i32) -> (i32, i32) {
    %c0_i32 = arith.constant 0 : i32
    %c0_i32_0 = arith.constant 0 : i32
    return %arg0, %c0_i32 : i32, i32
  }
  func.func @transform_9(%arg0: i32) -> (i32, i32) {
    %c0_i32 = arith.constant 0 : i32
    %c0_i32_0 = arith.constant 0 : i32
    return %arg0, %c0_i32 : i32, i32
  }
  func.func @transform_10(%arg0: i32) -> (i32, i32) {
    %c0_i32 = arith.constant 0 : i32
    %c0_i32_0 = arith.constant 0 : i32
    return %arg0, %c0_i32 : i32, i32
  }
  func.func @transform_11(%arg0: i32) -> (i32, i32) {
    %c0_i32 = arith.constant 0 : i32
    %c0_i32_0 = arith.constant 0 : i32
    return %arg0, %c0_i32 : i32, i32
  }
}

module attributes {stable_mosaic.version = 14 : i64} {
  func.func @_fin_body(%arg0: i32, %arg1: memref<2x2000x48xf32, #tpu.memory_space<vmem>>, %arg2: memref<2000x48xf32, #tpu.memory_space<vmem>>, %arg3: memref<2000x48xf32, #tpu.memory_space<vmem>>, %arg4: memref<2000x40xf32, #tpu.memory_space<vmem>>) attributes {dimension_semantics = [#tpu.dimension_semantics<arbitrary>], iteration_bounds = array<i64: 5>, scalar_prefetch = 0 : i64, scratch_operands = 0 : i64, tpu.core_type = #tpu.core_type<tc>, window_params = [{transform_indices = @transform_0, window_bounds = array<i64: 2, 2000, 48>}, {transform_indices = @transform_1, window_bounds = array<i64: 2000, 48>}, {transform_indices = @transform_2, window_bounds = array<i64: 2000, 48>}, {transform_indices = @transform_3, window_bounds = array<i64: 2000, 40>}]} {
    %get3A = arith.constant 0 : index
    %get3A_0 = arith.constant 0 : index
    %get3A_1 = vector.load %arg2[%get3A, %get3A_0] : memref<2000x48xf32, #tpu.memory_space<vmem>>, vector<2000x48xf32>
    %get3A_2 = arith.constant 0 : index
    %get3A_3 = arith.constant 0 : index
    %get3A_4 = arith.constant 0 : index
    %get3A_5 = vector.load %arg1[%get3A_2, %get3A_3, %get3A_4] : memref<2x2000x48xf32, #tpu.memory_space<vmem>>, vector<1x2000x48xf32>
    %get3A_6 = vector.shape_cast %get3A_5 : vector<1x2000x48xf32> to vector<2000x48xf32>
    %get3A_7 = arith.constant 1 : index
    %get3A_8 = arith.constant 0 : index
    %get3A_9 = arith.constant 0 : index
    %get3A_10 = vector.load %arg1[%get3A_7, %get3A_8, %get3A_9] : memref<2x2000x48xf32, #tpu.memory_space<vmem>>, vector<1x2000x48xf32>
    %get3A_11 = vector.shape_cast %get3A_10 : vector<1x2000x48xf32> to vector<2000x48xf32>
    %add3A = arith.addf %get3A_6, %get3A_11 : vector<2000x48xf32>
    %mul3A = arith.mulf %get3A_1, %add3A : vector<2000x48xf32>
    %get3A_12 = arith.constant 0 : index
    %get3A_13 = arith.constant 0 : index
    %get3A_14 = vector.load %arg3[%get3A_12, %get3A_13] : memref<2000x48xf32, #tpu.memory_space<vmem>>, vector<2000x48xf32>
    %add3A_15 = arith.addf %mul3A, %get3A_14 : vector<2000x48xf32>
    %slice3A = vector.extract_strided_slice %add3A_15 {offsets = [0, 0], sizes = [2000, 40], strides = [1, 1]} : vector<2000x48xf32> to vector<2000x40xf32>
    %swap3A = arith.constant 0 : index
    %swap3A_16 = arith.constant 0 : index
    %swap3A_17 = vector.load %arg4[%swap3A, %swap3A_16] : memref<2000x40xf32, #tpu.memory_space<vmem>>, vector<2000x40xf32>
    tpu.vector_store %arg4[%swap3A, %swap3A_16], %slice3A {strides = array<i32>} : memref<2000x40xf32, #tpu.memory_space<vmem>>, vector<2000x40xf32>,
    return
  }
  func.func @transform_0(%arg0: i32) -> (i32, i32, i32) {
    %c0_i32 = arith.constant 0 : i32
    %c0_i32_0 = arith.constant 0 : i32
    %c0_i32_1 = arith.constant 0 : i32
    return %c0_i32, %arg0, %c0_i32_0 : i32, i32, i32
  }
  func.func @transform_1(%arg0: i32) -> (i32, i32) {
    %c0_i32 = arith.constant 0 : i32
    %c0_i32_0 = arith.constant 0 : i32
    return %arg0, %c0_i32 : i32, i32
  }
  func.func @transform_2(%arg0: i32) -> (i32, i32) {
    %c0_i32 = arith.constant 0 : i32
    %c0_i32_0 = arith.constant 0 : i32
    return %arg0, %c0_i32 : i32, i32
  }
  func.func @transform_3(%arg0: i32) -> (i32, i32) {
    %c0_i32 = arith.constant 0 : i32
    %c0_i32_0 = arith.constant 0 : i32
    return %arg0, %c0_i32 : i32, i32
  }
}

</mosaic_0001>

<sc_bundles>
// kernel: kernel.6.cloned.1.call-start
scs
__scs_entry_jumppad:
0x0: {  	(pc) =	sbr.rel $0x88, $3  }
0x1: {  	(tag) =	ssettag $0x0;
	lr =	simm.s32 $0x1  }
0x2: {  	[smem:$0x3F9B] =	sst lr;
	_ =	strace $0xD0000000  }
0x3: {  	_ = 	snop  }
0x4: {  	_ = 	snop  }
0x5: {  	_ = 	snop  }
0x6: {  	_ = 	snop  }
0x7: {  	_ = 	snop  }
__scs_overlays_trampoline_lowered:
0x8: {  	[smem:$0x3FAA] =	sst s0  }
0x9: {  	[smem:$0x3FAB] =	sst s1  }
0xa: {  	[smem:$0x3FAC] =	sst s2  }
0xb: {  	[smem:$0x3FAD] =	sst s3  }
0xc: {  	[smem:$0x3FAE] =	sst s4  }
0xd: {  	[smem:$0x3FAF] =	sst s5  }
0xe: {  	[smem:$0x3FB0] =	sst s6  }
0xf: {  	[smem:$0x3FB1] =	sst s7  }
0x10: {  	[smem:$0x3FB2] =	sst s8  }
0x11: {  	[smem:$0x3FB3] =	sst s9;
	s0 =	simm.s32 @!p0 $0x0  }
0x12: {  	s1 =	sld [smem:$0x3F99];
	s0 =	simm.s32 @p0 $0x1  }
0x13: {  	[smem:$0x3FB4] =	sst s0;
	s0 =	simm.s32 @!p1 $0x0  }
0x14: {  	s2 =	sld [smem:$0x3F98];
	s0 =	simm.s32 @p1 $0x1  }
0x15: {  	[smem:$0x3FB5] =	sst s0;
	s0 =	simm.s32 @!p2 $0x0  }
0x16: {  	s3 =	sld [smem:$0x3FDB];
	s0 =	simm.s32 @p2 $0x1  }
0x17: {  	s4 =	simm.s32 $0x1BF5;
	[smem:$0x3FB7] =	sst s0  }
0x18: {  	s0 =	sld [smem:$0x3F9A];
	_ =	swait.ge [sflag:s4], $0x0  }
0x19: {  	s7 =	sld [smem:$0x3F9B]  }
0x1a: {  	s8 =	sadd.s32 $0xFFFFE003, lr  }
0x1b: {  	s9 =	sadd.s32 $0xFFFFFEF7, lr;
	s5 =	simm.s32 $0xFFFFFFFF;
	p2 =	slt.u32 s8, $0xFFFFF086  }
0x1c: {  	p1 =	slt.u32 s9, $0xF7A;
	s5 =	simm.s32 @!p2 $0x0  }
0x1d: {  	s5 =	simm.s32 @p1 $0x1;
	p0 =	seq.s32 s7, s2  }
0x1e: {  	s7 =	smul.u32 @!p0 $0xF7A, s2;
	p2 =	seq.s32 @!p0 s5, $0x0  }
0x1f: {  	s9 =	smul.u32 $0xF7A, s1;
	s8 =	simm.s32 @!p0 $0x1BF5;
	p2 =	por !p2, p0  }
0x20: {  	[sflag:s8] =	ssyncset.s32 @!p0 $0xFFFFF086;
	s6 =	sadd.s32 @!p0 s3, s7;
	s7 =	simm.s32 @!p0 $0x108  }
0x21: {  	s3 =	sadd.s32 s3, s9;
	s6 =	sadd.s32 @!p0 $0x88, s6;
	s7 =	simm.s32 @p2 $0x1082  }
0x22: {  	[simem:s7], [sflag:s8] =	dma.local @!p0 [hbm:s6], $0xF7A  }
0x23: {  	s9 =	sor.u32 $0xD0000000, s2;
	s6 =	simm.s32 $0x108;
	_ =	swait.ge @!p0 [sflag:s8], $0x0  }
0x24: {  	s3 =	sadd.s32 $0x88, s3;
	s6 =	simm.s32 @!p1 $0x1082;
	[sflag:s4] =	ssyncset.s32 $0xFFFFF086  }
0x25: {  	[simem:s6], [sflag:s4] =	dma.local [hbm:s3], $0xF7A  }
0x26: {  	[smem:$0x3F9B] =	sst s1;
	(tag) =	ssettag s2;
	_ =	strace s9  }
0x27: {  	s1 =	sld [smem:$0x3FAB]  }
0x28: {  	s2 =	sld [smem:$0x3FAC]  }
0x29: {  	s4 =	sld [smem:$0x3FAE]  }
0x2a: {  	p0 =	seq.s32 s5, $0x0;
	s5 =	sld [smem:$0x3FAF]  }
0x2b: {  	s6 =	sld [smem:$0x3FB0]  }
0x2c: {  	s7 =	sld [smem:$0x3FB1]  }
0x2d: {  	s3 =	simm.s32 $0x108;
	s8 =	sld [smem:$0x3FB2]  }
0x2e: {  	s3 =	simm.s32 @!p0 $0x1082;
	s9 =	sld [smem:$0x3FB3]  }
0x2f: {  	lr =	sadd.s32 s0, s3;
	s0 =	sld [smem:$0x3FAA]  }
0x30: {  	s3 =	sld [smem:$0x3FAD]  }
0x31: {  	[smem:$0x3FB6] =	sst s10  }
0x32: {  	s10 =	sld [smem:$0x3FB4];
	_ =	sdelay $0x3  }
0x33: {  	p0 =	seq.s32 s10, $0x1;
	s10 =	sld [smem:$0x3FB6];
	_ =	sdelay $0x3  }
0x34: {  	[smem:$0x3FB6] =	sst s10  }
0x35: {  	s10 =	sld [smem:$0x3FB5];
	_ =	sdelay $0x3  }
0x36: {  	p1 =	seq.s32 s10, $0x1;
	s10 =	sld [smem:$0x3FB6];
	_ =	sdelay $0x3  }
0x37: {  	[smem:$0x3FB6] =	sst s10  }
0x38: {  	s10 =	sld [smem:$0x3FB7]  }
0x39: {  	_ = 	snop;
	(pc) =	sbr.ind lr, $3  }
0x3a: {  	_ = 	snop  }
0x3b: {  	_ = 	snop  }
0x3c: {  	p2 =	seq.s32 s10, $0x1;
	s10 =	sld [smem:$0x3FB6]  }
0x3d: {  	_ =	shalt  }
0x3e: {  	_ =	shalt  }
0x3f: {  	_ =	shalt  }
0x40: {  	_ =	shalt  }
0x41: {  	_ =	shalt  }
0x42: {  	_ =	shalt  }
0x43: {  	_ =	shalt  }
0x44: {  	_ =	shalt  }
0x45: {  	_ =	shalt  }
0x46: {  	_ =	shalt  }
0x47: {  	_ =	shalt  }
0x48: {  	_ =	shalt  }
0x49: {  	_ =	shalt  }
0x4a: {  	_ =	shalt  }
0x4b: {  	_ =	shalt  }
0x4c: {  	_ =	shalt  }
0x4d: {  	_ =	shalt  }
0x4e: {  	_ =	shalt  }
0x4f: {  	_ =	shalt  }
0x50: {  	_ =	shalt  }
0x51: {  	_ =	shalt  }
0x52: {  	_ =	shalt  }
0x53: {  	_ =	shalt  }
0x54: {  	_ =	shalt  }
0x55: {  	_ =	shalt  }
0x56: {  	_ =	shalt  }
0x57: {  	_ =	shalt  }
0x58: {  	_ =	shalt  }
0x59: {  	_ =	shalt  }
0x5a: {  	_ =	shalt  }
0x5b: {  	_ =	shalt  }
0x5c: {  	_ =	shalt  }
0x5d: {  	_ =	shalt  }
0x5e: {  	_ =	shalt  }
0x5f: {  	_ =	shalt  }
0x60: {  	_ =	shalt  }
0x61: {  	_ =	shalt  }
0x62: {  	_ =	shalt  }
0x63: {  	_ =	shalt  }
0x64: {  	_ =	shalt  }
0x65: {  	_ =	shalt  }
0x66: {  	_ =	shalt  }
0x67: {  	_ =	shalt  }
0x68: {  	_ =	shalt  }
0x69: {  	_ =	shalt  }
0x6a: {  	_ =	shalt  }
0x6b: {  	_ =	shalt  }
0x6c: {  	_ =	shalt  }
0x6d: {  	_ =	shalt  }
0x6e: {  	_ =	shalt  }
0x6f: {  	_ =	shalt  }
0x70: {  	_ =	shalt  }
0x71: {  	_ =	shalt  }
0x72: {  	_ =	shalt  }
0x73: {  	_ =	shalt  }
0x74: {  	_ =	shalt  }
0x75: {  	_ =	shalt  }
0x76: {  	_ =	shalt  }
0x77: {  	_ =	shalt  }
0x78: {  	_ =	shalt  }
0x79: {  	_ =	shalt  }
0x7a: {  	_ =	shalt  }
0x7b: {  	_ =	shalt  }
0x7c: {  	_ =	shalt  }
0x7d: {  	_ =	shalt  }
0x7e: {  	_ =	shalt  }
0x7f: {  	_ =	shalt  }
0x80: {  	_ =	shalt  }
0x81: {  	_ =	shalt  }
0x82: {  	_ =	shalt  }
0x83: {  	_ =	shalt  }
0x84: {  	_ =	shalt  }
0x85: {  	_ =	shalt  }
0x86: {  	_ =	shalt  }
0x87: {  	_ =	shalt  }
.Lfunc_end0:
.L_simem_size_0:
called_computation_lowered:
.L_overlay_start_0:
0x88: {  	s2 =	sld [smem:$0x3FD9]  }
0x89: {  	s3 =	sld [smem:$0x3FFE];
	_ =	sdelay $0x1  }
0x8a: {  	s1 =	srdreg.scid  }
0x8b: {  	s0 =	sand.u32 $0x1, s1  }
0x8c: {  	s17 =	sshll.u32 s0, $0xA;
	s2 =	sadd.s32 s3, s2  }
0x8d: {  	s2 =	sadd.s32 s2, s17  }
0x8e: {  	[smem:$0x3FC2] =	sst s2  }
0x8f: {  	_ = 	snop  }
0x90: {  	s2 =	sld [smem:$0x3FD0];
	(tm) =	ssettm $0x1  }
0x91: {  	s18 =	sld [smem:$0x3FFB];
	_ =	sdelay $0x3  }
0x92: {  	_ =	strace s18  }
0x93: {  	s3 =	sld [smem:$0x3FFC];
	_ =	sdelay $0x3  }
0x94: {  	_ =	strace s3  }
0x95: {  	s3 =	sld [smem:$0x3FFD];
	_ =	sdelay $0x3  }
0x96: {  	_ =	strace s3  }
0x97: {  	_ =	strace $0x8FFFFFFF  }
0x98: {  	s19 =	sld [smem:$0x3FDB];
	_ =	sdelay $0x1  }
0x99: {  	s4 =	simm.s32 $_scs_section_size  }
0x9a: {  	s5 =	simm.s32 $_size__tile_overlayer_lowered;
	s6 =	simm.s32 $_tile_overlayer_lowered  }
0x9b: {  	s22 =	simm.s32 $0x1BFF;
	s21 =	sshll.u32 s6, $0x1;
	s3 =	sadd.s32 s4, s19  }
0x9c: {  	s7 =	simm.s32 $0x0;
	s20 =	sshll.u32 s5, $0x1;
	s5 =	sadd.s32 s21, s3  }
0x9d: {  	[timem:s7], [sflag:s22] =	dma.local [hbm:s5], s20  }
0x9e: {  	_ =	swait.ge [sflag:s22], s20  }
0x9f: {  	s4 =	ssub.s32 $0x0, s20;
	[sflag:s22] =	ssyncset.done $0x0  }
0xa0: {  	[sflag:s22] =	ssyncadd.s32 s4;
	_ =	sdelay $0x1  }
0xa1: {  	s23 =	simm.s32 $0x1B8B  }
0xa2: {  	_ =	swait.ge [sflag:s23], $0x1  }
0xa3: {  	[sflag:s23] =	ssyncset.done $0x0  }
0xa4: {  	s25 =	simm.s32 $0x1B8E;
	s24 =	sld [smem:$0x3FFE];
	[sflag:s23] =	ssyncadd.s32 $0xFFFFFFFF  }
0xa5: {  	s26 =	simm.s32 $execute0_lowered;
	[smem:$0x3FD2] =	sst s25  }
0xa6: {  	s5 =	sshll.u32 s26, $0x1;
	_ =	strace $0x80000046;
	[dreg:$0x1] =	wrdreg $0xFFFFFFFF  }
0xa7: {  	s28 =	simm.s32 $_size_execute0_lowered;
	s3 =	sadd.s32 s3, s5;
	[dreg:$0x0] =	wrdreg $0x0  }
0xa8: {  	s5 =	sshll.u32 s28, $0x1;
	[dreg:$0x2] =	wrdreg s3  }
0xa9: {  	[dreg:$0x3] =	wrdreg s5  }
0xaa: {  	[dreg:$0x4] =	wrdreg $0xC0  }
0xab: {  	_ =	task [dreg:s7], $0x5FFFF  }
0xac: {  	[dreg:$0x1] =	wrdreg $0xFFFFFFFF  }
0xad: {  	[dreg:$0x0] =	wrdreg $0x60  }
0xae: {  	[dreg:$0x2] =	wrdreg s2  }
0xaf: {  	[dreg:$0x3] =	wrdreg s24  }
0xb0: {  	[dreg:$0x4] =	wrdreg $0x57D00  }
0xb1: {  	[dreg:$0x5] =	wrdreg $0x7FD00  }
0xb2: {  	[dreg:$0x6] =	wrdreg $0x9  }
0xb3: {  	_ =	task.clear_ibuf [dreg:s7], $0x7FFFF;
	_ =	strace $0x90000046  }
0xb4: {  	s29 =	simm.s32 $0x9;
	_ =	strace $0x80000048  }
0xb5: {  	_ =	swait.ge [sflag:s29], $0x1  }
0xb6: {  	[sflag:s29] =	ssyncadd.s32 $0xFFFFFFFF  }
0xb7: {  	_ =	strace $0x90000048  }
0xb8: {  	_ =	sfence  }
0xb9: {  	s30 =	sld [smem:$0x0];
	_ =	sdelay $0x2  }
0xba: {  	s31 =	sshll.u32 s1, $0xD;
	s1 =	sshrl.u32 s1, $0x2  }
0xbb: {  	s3 =	sand.u32 $0x4000, s31;
	s1 =	sadd.s32 s1, s30  }
0xbc: {  	s0 =	sor.u32 s3, s0;
	s1 =	sshll.u32 s1, $0x11  }
0xbd: {  	s0 =	sor.u32 s1, s0  }
0xbe: {  	s0 =	sadd.s32 $0x8F2B, s0  }
0xbf: {  	[sflag:s0] =	ssyncadd.remote.s32 $0x1  }
0xc0: {  	_ =	sfence.sel $0xFFFF  }
0xc1: {  	[dreg:$0x0] =	wrdreg $0xFFFFFFFF;
	(pc) =	sbr.abs _section_cstart, $3  }
0xc2: {  	[dreg:$0x1] =	wrdreg $0xFFFFFFFF  }
0xc3: {  	_ =	task.clear_ibuf [dreg:s7], $0x2FFFF;
	_ =	strace $0x9FFFFFFF  }
0xc4: {  	(tm) =	ssettm $0x7FFFFFFF  }
0xc5: {  	_ =	shalt  }
tec
execute0_lowered:
.L_overlay_start_1:
0x0: {  	(tag) =	ssettag $0x1  }
0x1: {  	s6 =	rddreg [dreg:$0x0]  }
0x2: {  	s8 =	rddreg [dreg:$0x1]  }
0x3: {  	s2 =	rddreg [dreg:$0x2]  }
0x4: {  	s0 =	srdreg.scid;
	s3 =	rddreg [dreg:$0x3]  }
0x5: {  	s4 =	simm.s32 $0x0;
	s7 =	sand.u32 $0x1, s0;
	s0 =	stileid.u32  }
0x6: {  	s18 =	simm.s32 $0x7D;
	s19 =	simm.s32 $0x0;
	s10 =	smul.u32 $0x280, s0  }
0x7: {  	[smem:$0x7FF] =	sst s4;
	s5 =	sadd.s32 $0x10C00, s8;
	s11 =	smul.u32 $0x2800, s7  }
0x8: {  	s1 =	sshll.u32 s7, $0x4;
	s12 =	smul.u32 $0x2800, s0;
	s7 =	ssub.s32 $0x2, s7  }
0x9: {  	s15 =	sshll.u32 s0, $0x6;
	s1 =	sor.u32 s0, s1;
	s31 =	sshrl.u32 s7, $0x1  }
0xa: {  	s15 =	sor.u32 $0x1C01, s15;
	s9 =	smul.u32 $0x500, s1;
	s1 =	rddreg [dreg:$0x4]  }
0xb: {  	_ =	strace $0x80000047;
	s10 =	sadd.s32 s10, s11;
	s30 =	sshrl.u32 s12, $0x3  }
0xc: {  	s14 =	ssub.s32 s7, s31;
	s16 =	sadd.s32 s12, s2;
	s17 =	sadd.s32 s12, s3  }
0xd: {  	s12 =	simm.s32 $0x1;
	s10 =	sshll.u32 s10, $0x1;
	s11 =	sadd.s32 s30, s8  }
0xe: {  	s16 =	sshrl.u32 s16, $0x3;
	s17 =	sshrl.u32 s17, $0x3;
	s13 =	sadd.s32 s9, s8  }
0xf: {  	s10 =	sadd.s32 s10, s8;
	s6 =	sadd.s32 s6, s9;
	s8 =	sadd.s32 $0xBC00, s11  }
0x10: {  	s11 =	smax.u32 s14, $0x1;
	s14 =	simm.s32 $0x5000;
	s7 =	sadd.s32 $0x1C00, s13  }
0x11: {  	s9 =	sadd.s32 $0x10E00, s10;
	s10 =	sadd.s32 $0x1AE00, s10;
	s13 =	simm.s32 $0x2800  }
.LBB2_1:
0x12: {  	[tilespmem:s4], [sflag:$0x1] =	stream.linear.gather [hbm4b:s6+s4], $0x2800, $0x38;
	[tilespmem:$0xA7D0] =	vst v63  }
0x13: {  	_ =	swait.ge [sflag:s12], $0x2800  }
0x14: {  	[sflag:s12] =	ssyncset.done $0x0  }
0x15: {  	[sflag:s12] =	ssyncadd.s32 $0xFFFFD800  }
0x16: {  	[tilespmem:s13], [sflag:$0x1] =	stream.linear.gather [hbm4b:s7+s4], $0x2800, $0x38;
	[tilespmem:$0xA7D0] =	vst v63  }
0x17: {  	_ =	swait.ge [sflag:s12], $0x2800  }
0x18: {  	[sflag:s12] =	ssyncset.done $0x0  }
0x19: {  	[sflag:s12] =	ssyncadd.s32 $0xFFFFD800  }
0x1a: {  	[tilespmem:s14], [sflag:$0x1] =	stream.linear.gather [hbm4b:s5+s4], $0x7D0, $0x38;
	[tilespmem:$0xA7D0] =	vst v63  }
0x1b: {  	_ =	swait.ge [sflag:s12], $0x7D0  }
0x1c: {  	[sflag:s12] =	ssyncset.done $0x0  }
0x1d: {  	[sflag:s12] =	ssyncadd.s32 $0xFFFFF830  }
0x1e: {  	[spmem:s16], [sflag:s15] =	dma.local [hbm:s8], $0x500  }
0x1f: {  	_ =	swait.ge [sflag:s12], $0x500  }
0x20: {  	[sflag:s12] =	ssyncset.done $0x0  }
0x21: {  	[sflag:s12] =	ssyncadd.s32 $0xFFFFFB00  }
0x22: {  	[spmem:s17], [sflag:s15] =	dma.local [hbm:s8], $0x500  }
0x23: {  	_ =	swait.ge [sflag:s12], $0x500  }
0x24: {  	[sflag:s12] =	ssyncset.done $0x0  }
0x25: {  	[sflag:s12] =	ssyncadd.s32 $0xFFFFFB00  }
0x26: {  	s20 =	simm.s32 $0x0;
	[bflag:$0x0] =	sbarrier.arrive $0xFFFF  }
0x27: {  	[spmem:s2] =	stream.indirect.scatter.add.f32 [tilespmem:s14], [sflag:$0x1], $0x10, s20, s18, $0xb8;
	[tilespmem:$0xA7D0] =	vst v63  }
0x28: {  	_ =	swait.ge [sflag:s12], $0x7D0  }
0x29: {  	[sflag:s12] =	ssyncset.done $0x0  }
0x2a: {  	s31 =	simm.s32 $0x2800;
	[sflag:s12] =	ssyncadd.s32 $0xFFFFF830  }
0x2b: {  	[spmem:s3] =	stream.indirect.scatter.add.f32 [tilespmem:s14], [sflag:$0x1], $0x10, s31, s18, $0xb8;
	[tilespmem:$0xA7D0] =	vst v63  }
0x2c: {  	_ =	swait.ge [sflag:s12], $0x7D0  }
0x2d: {  	s21 =	simm.s32 $0x400;
	s20 =	simm.s32 $0x200;
	[sflag:s12] =	ssyncset.done $0x0  }
.LBB2_2:
0x2e: {  	s22 =	sshra.s32 s20, $0x2  }
0x2f: {  	[sflag:s12] =	ssyncadd.s32 $0xFFFFF830;
	s20 =	smov.u32 s21;
	s23 =	sadd.s32 $0x200, s21  }
0x30: {  	[spmem:s2] =	stream.indirect.scatter.add.f32 [tilespmem:s14], [sflag:$0x1], $0x10, s22, s18, $0xb8;
	[tilespmem:$0xA7D0] =	vst v63  }
0x31: {  	p0 =	sne.s32 s21, $0x9E00;
	_ =	swait.ge [sflag:s12], $0x7D0  }
.Ltmp0:
0x32: {  	[sflag:s12] =	ssyncset.done $0x0;
	(pc) =	sbr.rel @p0 .LBB2_2-.Ltmp0, $4  }
0x33: {  	s21 =	sadd.s32 $0x2800, s22;
	[sflag:s12] =	ssyncadd.s32 $0xFFFFF830  }
0x34: {  	[spmem:s3] =	stream.indirect.scatter.add.f32 [tilespmem:s14], [sflag:$0x1], $0x10, s21, s18, $0xb8;
	[tilespmem:$0xA7D0] =	vst v63  }
0x35: {  	_ =	swait.ge [sflag:s12], $0x7D0  }
0x36: {  	s21 =	smov.u32 s23;
	[sflag:s12] =	ssyncset.done $0x0  }
0x37: {  	s20 =	sshra.s32 s20, $0x2;
	[sflag:s12] =	ssyncadd.s32 $0xFFFFF830  }
0x38: {  	[spmem:s2] =	stream.indirect.scatter.add.f32 [tilespmem:s14], [sflag:$0x1], $0x10, s20, s18, $0xb8;
	[tilespmem:$0xA7D0] =	vst v63  }
0x39: {  	_ =	swait.ge [sflag:s12], $0x7D0  }
0x3a: {  	[sflag:s12] =	ssyncset.done $0x0  }
0x3b: {  	s20 =	sadd.s32 $0x2800, s20;
	[sflag:s12] =	ssyncadd.s32 $0xFFFFF830  }
0x3c: {  	[spmem:s3] =	stream.indirect.scatter.add.f32 [tilespmem:s14], [sflag:$0x1], $0x10, s20, s18, $0xb8;
	[tilespmem:$0xA7D0] =	vst v63  }
0x3d: {  	_ =	swait.ge [sflag:s12], $0x7D0  }
0x3e: {  	[sflag:s12] =	ssyncset.done $0x0  }
0x3f: {  	[sflag:s12] =	ssyncadd.s32 $0xFFFFF830  }
0x40: {  	[bflag:$0x0] =	sbarrier.arrive $0xFFFF  }
0x41: {  	[hbm:s9], [sflag:s15] =	dma.local [spmem:s16], $0x500  }
0x42: {  	s19 =	sadd.s32 $0x1, s19;
	_ =	swait.ge [sflag:s12], $0x500  }
0x43: {  	p0 =	sne.s32 s19, s11;
	[sflag:s12] =	ssyncset.done $0x0  }
.Ltmp1:
0x44: {  	[sflag:s12] =	ssyncadd.s32 $0xFFFFFB00;
	(pc) =	sbr.rel @p0 .LBB2_1-.Ltmp1, $4  }
0x45: {  	[hbm:s10], [sflag:s15] =	dma.local [spmem:s17], $0x500  }
0x46: {  	_ =	swait.ge [sflag:s12], $0x500  }
0x47: {  	[sflag:s12] =	ssyncset.done $0x0  }
0x48: {  	[sflag:s12] =	ssyncadd.s32 $0xFFFFFB00  }
0x49: {  	_ =	sfence.sel $0x180000  }
0x4a: {  	[bflag:$0x0] =	sbarrier.arrive $0xFFFF  }
0x4b: {  	p0 =	sne.s32 s0, $0x0;
	_ =	strace $0x90000047  }
0x4c: {  	s0 =	sadd.s32 @!p0 $0x100000, s1;
	[bflag:$0x2] =	sbarrier.arrive $0xFFFF  }
0x4d: {  	[sflag:s0] =	ssyncadd.tile.s32 @!p0 $0x1;
	_ =	shalt  }
.Lfunc_end2:
_tile_overlayer_lowered:
.L_overlay_start_2:
0x4e: {  	(tag) =	ssettag $0x2  }
0x4f: {  	s0 =	rddreg [dreg:$0x0];
	s2 =	stileid.u32  }
0x50: {  	s1 =	rddreg [dreg:$0x1];
	p0 =	sne.s32 s2, $0x0  }
0x51: {  	s3 =	rddreg [dreg:$0x2];
	[bflag:$0x3] =	sbarrier.arrive $0xFFFF;
	s2 =	simm.s32 @!p0 $0x1C01  }
0x52: {  	[timem:s3], [sflag:s2] =	dma.local @!p0 [hbm:s0], s1  }
0x53: {  	s0 =	simm.s32 @!p0 $0x1  }
0x54: {  	_ =	swait.ge @!p0 [sflag:s0], s1  }
0x55: {  	s1 =	ssub.s32 @!p0 $0x0, s1;
	[sflag:s0] =	ssyncset.done @!p0 $0x0  }
0x56: {  	[sflag:s0] =	ssyncadd.s32 @!p0 s1  }
0x57: {  	[bflag:$0x3] =	sbarrier.arrive $0xFFFF  }
0x58: {  	_ =	shalt  }

// kernel: kernel.9.cloned.1.call-start
scs
__scs_entry_jumppad:
0x0: {  	(pc) =	sbr.rel $0x88, $3  }
0x1: {  	(tag) =	ssettag $0x0;
	lr =	simm.s32 $0x1  }
0x2: {  	[smem:$0x3F9B] =	sst lr;
	_ =	strace $0xD0000000  }
0x3: {  	_ = 	snop  }
0x4: {  	_ = 	snop  }
0x5: {  	_ = 	snop  }
0x6: {  	_ = 	snop  }
0x7: {  	_ = 	snop  }
__scs_overlays_trampoline_lowered:
0x8: {  	[smem:$0x3FAA] =	sst s0  }
0x9: {  	[smem:$0x3FAB] =	sst s1  }
0xa: {  	[smem:$0x3FAC] =	sst s2  }
0xb: {  	[smem:$0x3FAD] =	sst s3  }
0xc: {  	[smem:$0x3FAE] =	sst s4  }
0xd: {  	[smem:$0x3FAF] =	sst s5  }
0xe: {  	[smem:$0x3FB0] =	sst s6  }
0xf: {  	[smem:$0x3FB1] =	sst s7  }
0x10: {  	[smem:$0x3FB2] =	sst s8  }
0x11: {  	[smem:$0x3FB3] =	sst s9;
	s0 =	simm.s32 @!p0 $0x0  }
0x12: {  	s1 =	sld [smem:$0x3F99];
	s0 =	simm.s32 @p0 $0x1  }
0x13: {  	[smem:$0x3FB4] =	sst s0;
	s0 =	simm.s32 @!p1 $0x0  }
0x14: {  	s2 =	sld [smem:$0x3F98];
	s0 =	simm.s32 @p1 $0x1  }
0x15: {  	[smem:$0x3FB5] =	sst s0;
	s0 =	simm.s32 @!p2 $0x0  }
0x16: {  	s3 =	sld [smem:$0x3FDB];
	s0 =	simm.s32 @p2 $0x1  }
0x17: {  	s4 =	simm.s32 $0x1BF5;
	[smem:$0x3FB7] =	sst s0  }
0x18: {  	s0 =	sld [smem:$0x3F9A];
	_ =	swait.ge [sflag:s4], $0x0  }
0x19: {  	s7 =	sld [smem:$0x3F9B]  }
0x1a: {  	s8 =	sadd.s32 $0xFFFFE003, lr  }
0x1b: {  	s9 =	sadd.s32 $0xFFFFFEF7, lr;
	s5 =	simm.s32 $0xFFFFFFFF;
	p2 =	slt.u32 s8, $0xFFFFF086  }
0x1c: {  	p1 =	slt.u32 s9, $0xF7A;
	s5 =	simm.s32 @!p2 $0x0  }
0x1d: {  	s5 =	simm.s32 @p1 $0x1;
	p0 =	seq.s32 s7, s2  }
0x1e: {  	s7 =	smul.u32 @!p0 $0xF7A, s2;
	p2 =	seq.s32 @!p0 s5, $0x0  }
0x1f: {  	s9 =	smul.u32 $0xF7A, s1;
	s8 =	simm.s32 @!p0 $0x1BF5;
	p2 =	por !p2, p0  }
0x20: {  	[sflag:s8] =	ssyncset.s32 @!p0 $0xFFFFF086;
	s6 =	sadd.s32 @!p0 s3, s7;
	s7 =	simm.s32 @!p0 $0x108  }
0x21: {  	s3 =	sadd.s32 s3, s9;
	s6 =	sadd.s32 @!p0 $0x88, s6;
	s7 =	simm.s32 @p2 $0x1082  }
0x22: {  	[simem:s7], [sflag:s8] =	dma.local @!p0 [hbm:s6], $0xF7A  }
0x23: {  	s9 =	sor.u32 $0xD0000000, s2;
	s6 =	simm.s32 $0x108;
	_ =	swait.ge @!p0 [sflag:s8], $0x0  }
0x24: {  	s3 =	sadd.s32 $0x88, s3;
	s6 =	simm.s32 @!p1 $0x1082;
	[sflag:s4] =	ssyncset.s32 $0xFFFFF086  }
0x25: {  	[simem:s6], [sflag:s4] =	dma.local [hbm:s3], $0xF7A  }
0x26: {  	[smem:$0x3F9B] =	sst s1;
	(tag) =	ssettag s2;
	_ =	strace s9  }
0x27: {  	s1 =	sld [smem:$0x3FAB]  }
0x28: {  	s2 =	sld [smem:$0x3FAC]  }
0x29: {  	s4 =	sld [smem:$0x3FAE]  }
0x2a: {  	p0 =	seq.s32 s5, $0x0;
	s5 =	sld [smem:$0x3FAF]  }
0x2b: {  	s6 =	sld [smem:$0x3FB0]  }
0x2c: {  	s7 =	sld [smem:$0x3FB1]  }
0x2d: {  	s3 =	simm.s32 $0x108;
	s8 =	sld [smem:$0x3FB2]  }
0x2e: {  	s3 =	simm.s32 @!p0 $0x1082;
	s9 =	sld [smem:$0x3FB3]  }
0x2f: {  	lr =	sadd.s32 s0, s3;
	s0 =	sld [smem:$0x3FAA]  }
0x30: {  	s3 =	sld [smem:$0x3FAD]  }
0x31: {  	[smem:$0x3FB6] =	sst s10  }
0x32: {  	s10 =	sld [smem:$0x3FB4];
	_ =	sdelay $0x3  }
0x33: {  	p0 =	seq.s32 s10, $0x1;
	s10 =	sld [smem:$0x3FB6];
	_ =	sdelay $0x3  }
0x34: {  	[smem:$0x3FB6] =	sst s10  }
0x35: {  	s10 =	sld [smem:$0x3FB5];
	_ =	sdelay $0x3  }
0x36: {  	p1 =	seq.s32 s10, $0x1;
	s10 =	sld [smem:$0x3FB6];
	_ =	sdelay $0x3  }
0x37: {  	[smem:$0x3FB6] =	sst s10  }
0x38: {  	s10 =	sld [smem:$0x3FB7]  }
0x39: {  	_ = 	snop;
	(pc) =	sbr.ind lr, $3  }
0x3a: {  	_ = 	snop  }
0x3b: {  	_ = 	snop  }
0x3c: {  	p2 =	seq.s32 s10, $0x1;
	s10 =	sld [smem:$0x3FB6]  }
0x3d: {  	_ =	shalt  }
0x3e: {  	_ =	shalt  }
0x3f: {  	_ =	shalt  }
0x40: {  	_ =	shalt  }
0x41: {  	_ =	shalt  }
0x42: {  	_ =	shalt  }
0x43: {  	_ =	shalt  }
0x44: {  	_ =	shalt  }
0x45: {  	_ =	shalt  }
0x46: {  	_ =	shalt  }
0x47: {  	_ =	shalt  }
0x48: {  	_ =	shalt  }
0x49: {  	_ =	shalt  }
0x4a: {  	_ =	shalt  }
0x4b: {  	_ =	shalt  }
0x4c: {  	_ =	shalt  }
0x4d: {  	_ =	shalt  }
0x4e: {  	_ =	shalt  }
0x4f: {  	_ =	shalt  }
0x50: {  	_ =	shalt  }
0x51: {  	_ =	shalt  }
0x52: {  	_ =	shalt  }
0x53: {  	_ =	shalt  }
0x54: {  	_ =	shalt  }
0x55: {  	_ =	shalt  }
0x56: {  	_ =	shalt  }
0x57: {  	_ =	shalt  }
0x58: {  	_ =	shalt  }
0x59: {  	_ =	shalt  }
0x5a: {  	_ =	shalt  }
0x5b: {  	_ =	shalt  }
0x5c: {  	_ =	shalt  }
0x5d: {  	_ =	shalt  }
0x5e: {  	_ =	shalt  }
0x5f: {  	_ =	shalt  }
0x60: {  	_ =	shalt  }
0x61: {  	_ =	shalt  }
0x62: {  	_ =	shalt  }
0x63: {  	_ =	shalt  }
0x64: {  	_ =	shalt  }
0x65: {  	_ =	shalt  }
0x66: {  	_ =	shalt  }
0x67: {  	_ =	shalt  }
0x68: {  	_ =	shalt  }
0x69: {  	_ =	shalt  }
0x6a: {  	_ =	shalt  }
0x6b: {  	_ =	shalt  }
0x6c: {  	_ =	shalt  }
0x6d: {  	_ =	shalt  }
0x6e: {  	_ =	shalt  }
0x6f: {  	_ =	shalt  }
0x70: {  	_ =	shalt  }
0x71: {  	_ =	shalt  }
0x72: {  	_ =	shalt  }
0x73: {  	_ =	shalt  }
0x74: {  	_ =	shalt  }
0x75: {  	_ =	shalt  }
0x76: {  	_ =	shalt  }
0x77: {  	_ =	shalt  }
0x78: {  	_ =	shalt  }
0x79: {  	_ =	shalt  }
0x7a: {  	_ =	shalt  }
0x7b: {  	_ =	shalt  }
0x7c: {  	_ =	shalt  }
0x7d: {  	_ =	shalt  }
0x7e: {  	_ =	shalt  }
0x7f: {  	_ =	shalt  }
0x80: {  	_ =	shalt  }
0x81: {  	_ =	shalt  }
0x82: {  	_ =	shalt  }
0x83: {  	_ =	shalt  }
0x84: {  	_ =	shalt  }
0x85: {  	_ =	shalt  }
0x86: {  	_ =	shalt  }
0x87: {  	_ =	shalt  }
.Lfunc_end0:
.L_simem_size_0:
called_computation.1_lowered:
.L_overlay_start_0:
0x88: {  	s2 =	sld [smem:$0x3FD9]  }
0x89: {  	s3 =	sld [smem:$0x3FFE];
	_ =	sdelay $0x1  }
0x8a: {  	s1 =	srdreg.scid  }
0x8b: {  	s0 =	sand.u32 $0x1, s1  }
0x8c: {  	s17 =	sshll.u32 s0, $0xA;
	s2 =	sadd.s32 s3, s2  }
0x8d: {  	s2 =	sadd.s32 s2, s17  }
0x8e: {  	[smem:$0x3FC2] =	sst s2  }
0x8f: {  	_ = 	snop  }
0x90: {  	s2 =	sld [smem:$0x3FD0];
	(tm) =	ssettm $0x1  }
0x91: {  	s18 =	sld [smem:$0x3FFB];
	_ =	sdelay $0x3  }
0x92: {  	_ =	strace s18  }
0x93: {  	s3 =	sld [smem:$0x3FFC];
	_ =	sdelay $0x3  }
0x94: {  	_ =	strace s3  }
0x95: {  	s3 =	sld [smem:$0x3FFD];
	_ =	sdelay $0x3  }
0x96: {  	_ =	strace s3  }
0x97: {  	_ =	strace $0x8FFFFFFF  }
0x98: {  	s19 =	sld [smem:$0x3FDB];
	_ =	sdelay $0x1  }
0x99: {  	s4 =	simm.s32 $_scs_section_size  }
0x9a: {  	s5 =	simm.s32 $_size__tile_overlayer_lowered;
	s6 =	simm.s32 $_tile_overlayer_lowered  }
0x9b: {  	s22 =	simm.s32 $0x1BFF;
	s21 =	sshll.u32 s6, $0x1;
	s3 =	sadd.s32 s4, s19  }
0x9c: {  	s7 =	simm.s32 $0x0;
	s20 =	sshll.u32 s5, $0x1;
	s5 =	sadd.s32 s21, s3  }
0x9d: {  	[timem:s7], [sflag:s22] =	dma.local [hbm:s5], s20  }
0x9e: {  	_ =	swait.ge [sflag:s22], s20  }
0x9f: {  	s4 =	ssub.s32 $0x0, s20;
	[sflag:s22] =	ssyncset.done $0x0  }
0xa0: {  	[sflag:s22] =	ssyncadd.s32 s4;
	_ =	sdelay $0x1  }
0xa1: {  	s23 =	simm.s32 $0x1B8B  }
0xa2: {  	_ =	swait.ge [sflag:s23], $0x1  }
0xa3: {  	[sflag:s23] =	ssyncset.done $0x0  }
0xa4: {  	s25 =	simm.s32 $0x1B8E;
	s24 =	sld [smem:$0x3FFE];
	[sflag:s23] =	ssyncadd.s32 $0xFFFFFFFF  }
0xa5: {  	s26 =	simm.s32 $execute0_lowered;
	[smem:$0x3FD2] =	sst s25  }
0xa6: {  	s5 =	sshll.u32 s26, $0x1;
	_ =	strace $0x80000049;
	[dreg:$0x1] =	wrdreg $0xFFFFFFFF  }
0xa7: {  	s28 =	simm.s32 $_size_execute0_lowered;
	s3 =	sadd.s32 s3, s5;
	[dreg:$0x0] =	wrdreg $0x0  }
0xa8: {  	s5 =	sshll.u32 s28, $0x1;
	[dreg:$0x2] =	wrdreg s3  }
0xa9: {  	[dreg:$0x3] =	wrdreg s5  }
0xaa: {  	[dreg:$0x4] =	wrdreg $0xC0  }
0xab: {  	_ =	task [dreg:s7], $0x5FFFF  }
0xac: {  	[dreg:$0x1] =	wrdreg $0xFFFFFFFF  }
0xad: {  	[dreg:$0x0] =	wrdreg $0x60  }
0xae: {  	[dreg:$0x2] =	wrdreg s24  }
0xaf: {  	[dreg:$0x3] =	wrdreg s2  }
0xb0: {  	[dreg:$0x4] =	wrdreg $0x17FC00  }
0xb1: {  	[dreg:$0x5] =	wrdreg $0x9  }
0xb2: {  	_ =	task.clear_ibuf [dreg:s7], $0x6FFFF;
	_ =	strace $0x90000049  }
0xb3: {  	s29 =	simm.s32 $0x9;
	_ =	strace $0x8000004B  }
0xb4: {  	_ =	swait.ge [sflag:s29], $0x1  }
0xb5: {  	[sflag:s29] =	ssyncadd.s32 $0xFFFFFFFF  }
0xb6: {  	_ =	strace $0x9000004B  }
0xb7: {  	_ =	sfence  }
0xb8: {  	s30 =	sld [smem:$0x0];
	_ =	sdelay $0x2  }
0xb9: {  	s31 =	sshll.u32 s1, $0xD;
	s1 =	sshrl.u32 s1, $0x2  }
0xba: {  	s3 =	sand.u32 $0x4000, s31;
	s1 =	sadd.s32 s1, s30  }
0xbb: {  	s0 =	sor.u32 s3, s0;
	s1 =	sshll.u32 s1, $0x11  }
0xbc: {  	s0 =	sor.u32 s1, s0  }
0xbd: {  	s0 =	sadd.s32 $0x8F2B, s0  }
0xbe: {  	[sflag:s0] =	ssyncadd.remote.s32 $0x1  }
0xbf: {  	_ =	sfence.sel $0xFFFF  }
0xc0: {  	[dreg:$0x0] =	wrdreg $0xFFFFFFFF;
	(pc) =	sbr.abs _section_cstart, $3  }
0xc1: {  	[dreg:$0x1] =	wrdreg $0xFFFFFFFF  }
0xc2: {  	_ =	task.clear_ibuf [dreg:s7], $0x2FFFF;
	_ =	strace $0x9FFFFFFF  }
0xc3: {  	(tm) =	ssettm $0x7FFFFFFF  }
tec
execute0_lowered:
.L_overlay_start_1:
0x0: {  	(tag) =	ssettag $0x1  }
0x1: {  	s6 =	rddreg [dreg:$0x0]  }
0x2: {  	s0 =	srdreg.scid;
	s7 =	rddreg [dreg:$0x1]  }
0x3: {  	s28 =	stileid.u32;
	s2 =	rddreg [dreg:$0x2]  }
0x4: {  	s9 =	simm.s32 $0x0;
	s31 =	simm.s32 $0x6;
	s29 =	simm.s32 $0x3  }
0x5: {  	s30 =	simm.s32 $0x4;
	s3 =	sand.u32 $0x1, s0;
	s5 =	smul.u32 $0x140, s28  }
0x6: {  	[smem:$0x7FF] =	sst s9;
	s11 =	sadd.s32 $0x29C00, s6;
	s13 =	sadd.s32 $0xBC00, s6  }
0x7: {  	s15 =	sadd.s32 $0x38C00, s6;
	s17 =	smul.u32 $0x7800, s28;
	s23 =	sand.u32 $0x2, s0  }
0x8: {  	p0 =	sne.s32 s28, $0x0;
	s1 =	smul.u32 $0x1400, s3;
	s4 =	sshll.u32 s3, $0x4  }
0x9: {  	_ =	strace $0x8000004A;
	s16 =	ssub.s32 $0x2, s3;
	s18 =	sxor.u32 $0x1, s3  }
0xa: {  	s26 =	smul.u32 $0x2800, s3;
	s3 =	ssub.s32 s23, s3;
	s4 =	sor.u32 s28, s4  }
0xb: {  	s19 =	sshrl.u32 s16, $0x1;
	s20 =	smul.u32 $0x1400, s18;
	s28 =	simm.s32 $0x2  }
0xc: {  	s8 =	sadd.s32 s5, s1;
	s10 =	smul.u32 $0x500, s4;
	s4 =	sadd.s32 $0x47C00, s6  }
0xd: {  	s16 =	ssub.s32 s16, s19;
	s1 =	smul.u32 $0x30, s8;
	s5 =	sadd.s32 s5, s20  }
0xe: {  	s20 =	smul.u32 $0x2800, s18;
	s14 =	sadd.s32 s10, s6;
	s7 =	sadd.s32 s7, s10  }
0xf: {  	s10 =	sadd.s32 s17, s2;
	s22 =	sadd.s32 s26, s5;
	s17 =	sshrl.u32 s17, $0x3  }
0x10: {  	s5 =	smul.u32 $0x30, s5;
	s9 =	sshrl.u32 s1, $0x3;
	[dreg:$0x4] =	wrdreg s7  }
0x11: {  	s21 =	sadd.s32 $0x1C00, s14;
	s14 =	smul.u32 $0x6, s22;
	s7 =	sadd.s32 s8, s20  }
0x12: {  	s8 =	sadd.s32 s26, s8;
	s17 =	sadd.s32 s15, s17;
	s20 =	sor.u32 s18, s23  }
0x13: {  	s25 =	sadd.s32 $0x1E00, s1;
	s12 =	sadd.s32 s9, s6;
	s24 =	smul.u32 $0x6, s7  }
0x14: {  	s6 =	sadd.s32 $0x56C00, s6;
	[dreg:$0x5] =	wrdreg s21;
	s7 =	smul.u32 $0x30, s7  }
0x15: {  	[dreg:$0x6] =	wrdreg s17;
	s26 =	smul.u32 $0x6, s8;
	s22 =	sadd.s32 s11, s9  }
0x16: {  	s23 =	sshrl.u32 s25, $0x3;
	s8 =	sadd.s32 s15, s9;
	s25 =	sadd.s32 s25, s2  }
0x17: {  	s18 =	sadd.s32 s6, s14;
	[dreg:$0x9] =	wrdreg s22;
	s11 =	sadd.s32 s11, s23  }
0x18: {  	s14 =	sadd.s32 s4, s9;
	[dreg:$0xc] =	wrdreg s8;
	s9 =	sadd.s32 s13, s9  }
0x19: {  	s19 =	sadd.s32 s4, s23;
	s17 =	sadd.s32 $0x1AC00, s12;
	s22 =	sadd.s32 s5, s2  }
0x1a: {  	s12 =	simm.s32 $0x1;
	s8 =	simm.s32 $0x0;
	[dreg:$0x14] =	wrdreg s18  }
0x1b: {  	s7 =	sshrl.u32 s7, $0x3;
	s21 =	sadd.s32 s6, s24;
	[dreg:$0xa] =	wrdreg s11  }
0x1c: {  	s24 =	sshrl.u32 s5, $0x3;
	[dreg:$0xd] =	wrdreg s9;
	s11 =	sadd.s32 s15, s23  }
0x1d: {  	[dreg:$0x10] =	wrdreg s17;
	s18 =	smax.u32 s16, $0x1;
	s5 =	simm.s32 $0x5000  }
0x1e: {  	[dreg:$0x7] =	wrdreg s21;
	s7 =	sadd.s32 s6, s7;
	s6 =	sadd.s32 s6, s26  }
0x1f: {  	s26 =	sadd.s32 s15, s24;
	[dreg:$0xe] =	wrdreg s11;
	s15 =	sadd.s32 s13, s23  }
0x20: {  	s21 =	sshrl.u32 s0, $0x2;
	s0 =	sadd.s32 $0x5, s3;
	[dreg:$0x11] =	wrdreg s18  }
0x21: {  	s23 =	sor.u32 $0x4, s20;
	s24 =	sadd.s32 s1, s2;
	[dreg:$0x8] =	wrdreg s6  }
.Ltmp0:
0x22: {  	s20 =	sshrl.u32 s10, $0x3;
	[dreg:$0xb] =	wrdreg s26;
	(pc) =	sbr.rel .LBB2_1-.Ltmp0, $4  }
0x23: {  	s1 =	simm.s32 $0x7D;
	s11 =	simm.s32 $0x7EE0;
	[dreg:$0xf] =	wrdreg s15  }
0x24: {  	s10 =	simm.s32 $0xE9C0;
	s26 =	sadd.s32 $0x3C0, s7;
	[dreg:$0x12] =	wrdreg s20  }
0x25: {  	s0 =	sshll.u32 @!p0 s0, $0xE;
	s7 =	simm.s32 $0x6770;
	s20 =	simm.s32 $0x9650  }
0x26: {  	s6 =	simm.s32 $0x161C0;
	[dreg:$0x13] =	wrdreg s0;
	s0 =	simm.s32 $0xADC0  }
.LBB2_10:
0x27: {  	s9 =	rddreg [dreg:$0x8]  }
0x28: {  	[hbm:s9], [sflag:s3] =	dma.local [spmem:s15], $0x780  }
0x29: {  	_ =	swait.ge [sflag:s31], $0x780  }
0x2a: {  	s8 =	rddreg [dreg:$0x15]  }
0x2b: {  	s18 =	rddreg [dreg:$0x11];
	s8 =	sadd.s32 $0x1, s8  }
0x2c: {  	p1 =	sne.s32 s8, s18  }
.Ltmp1:
0x2d: {  	_ = 	snop;
	(pc) =	sbr.rel @!p1 .LBB2_11-.Ltmp1, $3  }
0x2e: {  	_ =	sdelay $0x1  }
0x2f: {  	[sflag:s31] =	ssyncset.done $0x0  }
0x30: {  	[sflag:s31] =	ssyncadd.s32 $0xFFFFF880  }
.LBB2_1:
0x31: {  	[dreg:$0x15] =	wrdreg s8  }
0x32: {  	s9 =	simm.s32 $0x0;
	s3 =	rddreg [dreg:$0x4]  }
0x33: {  	[tilespmem:s9], [sflag:$0x6] =	stream.linear.gather [hbm4b:s3+s9], $0x2800, $0x38;
	[tilespmem:$0x1F7C0] =	vst v63  }
0x34: {  	_ =	swait.ge [sflag:s31], $0x2800  }
0x35: {  	[sflag:s31] =	ssyncset.done $0x0  }
0x36: {  	s13 =	simm.s32 $0x2800;
	s17 =	rddreg [dreg:$0x5];
	[sflag:s31] =	ssyncadd.s32 $0xFFFFD800  }
0x37: {  	[tilespmem:s13], [sflag:$0x6] =	stream.linear.gather [hbm4b:s17+s9], $0x2800, $0x38;
	[tilespmem:$0x1F7C0] =	vst v63  }
0x38: {  	s18 =	stileid.u32;
	_ =	swait.ge [sflag:s31], $0x2800  }
0x39: {  	s3 =	sshll.u32 s18, $0x6;
	[sflag:s31] =	ssyncset.done $0x0;
	s8 =	rddreg [dreg:$0x6]  }
0x3a: {  	s3 =	sor.u32 $0x1C06, s3;
	s15 =	rddreg [dreg:$0x12];
	[sflag:s31] =	ssyncadd.s32 $0xFFFFD800  }
0x3b: {  	[spmem:s15], [sflag:s3] =	dma.local [hbm:s8], $0xF00  }
0x3c: {  	_ =	swait.ge [sflag:s31], $0xF00  }
0x3d: {  	[sflag:s31] =	ssyncset.done $0x0  }
0x3e: {  	s15 =	rddreg [dreg:$0x9];
	[sflag:s31] =	ssyncadd.s32 $0xFFFFF100  }
0x3f: {  	[tilespmem:s0], [sflag:$0x6] =	stream.linear.gather [hbm4b:s15+s9], $0x1E00, $0x38;
	[tilespmem:$0x1F7C0] =	vst v63  }
0x40: {  	_ =	swait.ge [sflag:s31], $0x1E00  }
0x41: {  	[sflag:s31] =	ssyncset.done $0x0  }
0x42: {  	[sflag:s31] =	ssyncadd.s32 $0xFFFFE200  }
0x43: {  	[hbm4b:s14+s9] =	stream.linear.scatter [tilespmem:s0], [sflag:$0x6], $0x1E00, $0x38;
	[tilespmem:$0x1F7C0] =	vst v63  }
0x44: {  	_ =	swait.ge [sflag:s31], $0x1E00  }
0x45: {  	[sflag:s31] =	ssyncset.done $0x0  }
0x46: {  	s16 =	rddreg [dreg:$0xa];
	[sflag:s31] =	ssyncadd.s32 $0xFFFFE200  }
0x47: {  	[tilespmem:s0], [sflag:$0x6] =	stream.linear.gather [hbm4b:s16+s9], $0x1E00, $0x38;
	[tilespmem:$0x1F7C0] =	vst v63  }
0x48: {  	_ =	swait.ge [sflag:s31], $0x1E00  }
0x49: {  	[sflag:s31] =	ssyncset.done $0x0  }
0x4a: {  	[sflag:s31] =	ssyncadd.s32 $0xFFFFE200  }
0x4b: {  	[hbm4b:s19+s9] =	stream.linear.scatter [tilespmem:s0], [sflag:$0x6], $0x1E00, $0x38;
	[tilespmem:$0x1F7C0] =	vst v63  }
0x4c: {  	_ =	swait.ge [sflag:s31], $0x1E00  }
0x4d: {  	[sflag:s31] =	ssyncset.done $0x0  }
0x4e: {  	s18 =	simm.s32 $0x125C0;
	s17 =	rddreg [dreg:$0x10];
	[sflag:s31] =	ssyncadd.s32 $0xFFFFE200  }
0x4f: {  	[tilespmem:s18], [sflag:$0x6] =	stream.linear.gather [hbm4b:s17+s9], $0x3C00, $0x38;
	[tilespmem:$0x1F7C0] =	vst v63  }
0x50: {  	_ =	swait.ge [sflag:s31], $0x3C00  }
0x51: {  	[sflag:s31] =	ssyncset.done $0x0  }
0x52: {  	[sflag:s31] =	ssyncadd.s32 $0xFFFFC400  }
0x53: {  	s9 =	simm.s32 @!p0 $0x100000;
	[bflag:$0x0] =	sbarrier.arrive $0xFFFF  }
0x54: {  	[smem:s9], [sflag:$0x0] =	smem.add.s32 @!p0 $0x0;
	s9 =	simm.s32 @!p0 $0x0  }
0x55: {  	_ =	swait.done @!p0 [sflag:s9]  }
0x56: {  	s13 =	ssyncread @!p0 [sflag:$0x0];
	_ =	sdelay $0x2  }
0x57: {  	s13 =	sadd.s32 @!p0 s21, s13  }
0x58: {  	s15 =	rddreg [dreg:$0x13];
	s13 =	sshll.u32 @!p0 s13, $0x11  }
0x59: {  	[sflag:s9] =	ssyncset.s32 @!p0 $0x0;
	s13 =	sor.u32 @!p0 s13, s15  }
0x5a: {  	[sflag:s9] =	ssyncset.done @!p0 $0x0;
	s9 =	sor.u32 @!p0 $0x1C05, s13  }
0x5b: {  	[sflag:s9] =	ssyncadd.remote.s32 @!p0 $0x1;
	s9 =	simm.s32 @!p0 $0x5  }
0x5c: {  	_ =	swait.ge @!p0 [sflag:s9], $0x1  }
0x5d: {  	[sflag:s9] =	ssyncset.done @!p0 $0x0  }
0x5e: {  	[sflag:s9] =	ssyncadd.s32 @!p0 $0xFFFFFFFF  }
0x5f: {  	s9 =	simm.s32 $0x0;
	[bflag:$0x0] =	sbarrier.arrive $0xFFFF  }
.LBB2_2:
0x60: {  	s13 =	simm.s32 $0x0  }
0x61: {  	[tilespmem:s5], [sflag:$0x1] =	stream.indirect.gather [hbm4b:s4+s1], $0x30, s13, s1, $0xb8;
	[tilespmem:$0x1F7C0] =	vst v63  }
0x62: {  	s8 =	simm.s32 $0x80  }
0x63: {  	[tilespmem:s7], [sflag:$0x2] =	stream.indirect.gather [hbm4b:s4+s1], $0x30, s8, s1, $0xb8;
	[tilespmem:$0x1F7C0] =	vst v63  }
0x64: {  	s15 =	simm.s32 $0x100  }
0x65: {  	[tilespmem:s11], [sflag:$0x3] =	stream.indirect.gather [hbm4b:s4+s1], $0x30, s15, s1, $0xb8;
	[tilespmem:$0x1F7C0] =	vst v63  }
0x66: {  	_ =	swait.ge [sflag:s12], $0x1770  }
0x67: {  	[sflag:s12] =	ssyncset.done $0x0  }
0x68: {  	s16 =	simm.s32 $0x180;
	[sflag:s12] =	ssyncadd.s32 $0xFFFFE890  }
0x69: {  	[tilespmem:s20], [sflag:$0x4] =	stream.indirect.gather [hbm4b:s4+s1], $0x30, s16, s1, $0xb8;
	[tilespmem:$0x1F7C0] =	vst v63  }
0x6a: {  	s17 =	simm.s32 $0x2800  }
0x6b: {  	[spmem:s2] =	stream.indirect.scatter.add.f32 [tilespmem:s5], [sflag:$0x6], $0x30, s17, s1, $0xb8;
	[tilespmem:$0x1F7C0] =	vst v63  }
0x6c: {  	_ =	swait.ge [sflag:s31], $0x1770  }
0x6d: {  	[sflag:s31] =	ssyncset.done $0x0  }
0x6e: {  	[sflag:s31] =	ssyncadd.s32 $0xFFFFE890  }
0x6f: {  	_ =	swait.ge [sflag:s28], $0x1770  }
0x70: {  	[sflag:s28] =	ssyncset.done $0x0  }
0x71: {  	s18 =	simm.s32 $0x200;
	[sflag:s28] =	ssyncadd.s32 $0xFFFFE890  }
0x72: {  	[tilespmem:s5], [sflag:$0x1] =	stream.indirect.gather [hbm4b:s4+s1], $0x30, s18, s1, $0xb8;
	[tilespmem:$0x1F7C0] =	vst v63  }
0x73: {  	s8 =	simm.s32 $0x2880  }
0x74: {  	[spmem:s2] =	stream.indirect.scatter.add.f32 [tilespmem:s7], [sflag:$0x6], $0x30, s8, s1, $0xb8;
	[tilespmem:$0x1F7C0] =	vst v63  }
0x75: {  	_ =	swait.ge [sflag:s31], $0x1770  }
0x76: {  	[sflag:s31] =	ssyncset.done $0x0  }
0x77: {  	[sflag:s31] =	ssyncadd.s32 $0xFFFFE890  }
0x78: {  	_ =	swait.ge [sflag:s29], $0x1770  }
0x79: {  	[sflag:s29] =	ssyncset.done $0x0  }
0x7a: {  	s15 =	simm.s32 $0x280;
	[sflag:s29] =	ssyncadd.s32 $0xFFFFE890  }
0x7b: {  	[tilespmem:s7], [sflag:$0x2] =	stream.indirect.gather [hbm4b:s4+s1], $0x30, s15, s1, $0xb8;
	[tilespmem:$0x1F7C0] =	vst v63  }
0x7c: {  	s16 =	simm.s32 $0x2900  }
0x7d: {  	[spmem:s2] =	stream.indirect.scatter.add.f32 [tilespmem:s11], [sflag:$0x6], $0x30, s16, s1, $0xb8;
	[tilespmem:$0x1F7C0] =	vst v63  }
0x7e: {  	_ =	swait.ge [sflag:s31], $0x1770  }
0x7f: {  	[sflag:s31] =	ssyncset.done $0x0  }
0x80: {  	[sflag:s31] =	ssyncadd.s32 $0xFFFFE890  }
0x81: {  	_ =	swait.ge [sflag:s30], $0x1770  }
0x82: {  	[sflag:s30] =	ssyncset.done $0x0  }
0x83: {  	s17 =	simm.s32 $0x300;
	[sflag:s30] =	ssyncadd.s32 $0xFFFFE890  }
0x84: {  	[tilespmem:s11], [sflag:$0x3] =	stream.indirect.gather [hbm4b:s4+s1], $0x30, s17, s1, $0xb8;
	[tilespmem:$0x1F7C0] =	vst v63  }
0x85: {  	s18 =	simm.s32 $0x2980  }
0x86: {  	[spmem:s2] =	stream.indirect.scatter.add.f32 [tilespmem:s20], [sflag:$0x6], $0x30, s18, s1, $0xb8;
	[tilespmem:$0x1F7C0] =	vst v63  }
0x87: {  	_ =	swait.ge [sflag:s31], $0x1770  }
0x88: {  	s13 =	simm.s32 $0x800;
	[sflag:s31] =	ssyncset.done $0x0  }
.LBB2_3:
0x89: {  	p1 =	sne.s32 s13, $0x9000  }
0x8a: {  	[sflag:s31] =	ssyncadd.s32 $0xFFFFE890;
	s15 =	smov.u32 s13;
	s13 =	sadd.s32 $0x800, s13  }
0x8b: {  	_ = 	snop  }
0x8c: {  	_ =	swait.ge [sflag:s12], $0x1770  }
0x8d: {  	s15 =	sshra.s32 s15, $0x2;
	[sflag:s12] =	ssyncset.done $0x0  }
0x8e: {  	s16 =	sadd.s32 $0x180, s15;
	[sflag:s12] =	ssyncadd.s32 $0xFFFFE890  }
0x8f: {  	[tilespmem:s20], [sflag:$0x4] =	stream.indirect.gather [hbm4b:s4+s1], $0x30, s16, s1, $0xb8;
	[tilespmem:$0x1F7C0] =	vst v63  }
0x90: {  	s16 =	sadd.s32 $0x2800, s15  }
0x91: {  	[spmem:s2] =	stream.indirect.scatter.add.f32 [tilespmem:s5], [sflag:$0x6], $0x30, s16, s1, $0xb8;
	[tilespmem:$0x1F7C0] =	vst v63  }
0x92: {  	_ =	swait.ge [sflag:s31], $0x1770  }
0x93: {  	[sflag:s31] =	ssyncset.done $0x0  }
0x94: {  	[sflag:s31] =	ssyncadd.s32 $0xFFFFE890  }
0x95: {  	_ =	swait.ge [sflag:s28], $0x1770  }
0x96: {  	[sflag:s28] =	ssyncset.done $0x0  }
0x97: {  	s16 =	sadd.s32 $0x200, s15;
	[sflag:s28] =	ssyncadd.s32 $0xFFFFE890  }
0x98: {  	[tilespmem:s5], [sflag:$0x1] =	stream.indirect.gather [hbm4b:s4+s1], $0x30, s16, s1, $0xb8;
	[tilespmem:$0x1F7C0] =	vst v63  }
0x99: {  	s16 =	sadd.s32 $0x2880, s15  }
0x9a: {  	[spmem:s2] =	stream.indirect.scatter.add.f32 [tilespmem:s7], [sflag:$0x6], $0x30, s16, s1, $0xb8;
	[tilespmem:$0x1F7C0] =	vst v63  }
0x9b: {  	_ =	swait.ge [sflag:s31], $0x1770  }
0x9c: {  	[sflag:s31] =	ssyncset.done $0x0  }
0x9d: {  	[sflag:s31] =	ssyncadd.s32 $0xFFFFE890  }
0x9e: {  	_ =	swait.ge [sflag:s29], $0x1770  }
0x9f: {  	[sflag:s29] =	ssyncset.done $0x0  }
0xa0: {  	s16 =	sadd.s32 $0x280, s15;
	[sflag:s29] =	ssyncadd.s32 $0xFFFFE890  }
0xa1: {  	[tilespmem:s7], [sflag:$0x2] =	stream.indirect.gather [hbm4b:s4+s1], $0x30, s16, s1, $0xb8;
	[tilespmem:$0x1F7C0] =	vst v63  }
0xa2: {  	s16 =	sadd.s32 $0x2900, s15  }
0xa3: {  	[spmem:s2] =	stream.indirect.scatter.add.f32 [tilespmem:s11], [sflag:$0x6], $0x30, s16, s1, $0xb8;
	[tilespmem:$0x1F7C0] =	vst v63  }
0xa4: {  	_ =	swait.ge [sflag:s31], $0x1770  }
0xa5: {  	[sflag:s31] =	ssyncset.done $0x0  }
0xa6: {  	[sflag:s31] =	ssyncadd.s32 $0xFFFFE890  }
0xa7: {  	_ =	swait.ge [sflag:s30], $0x1770  }
0xa8: {  	[sflag:s30] =	ssyncset.done $0x0  }
0xa9: {  	s16 =	sadd.s32 $0x300, s15;
	[sflag:s30] =	ssyncadd.s32 $0xFFFFE890  }
0xaa: {  	[tilespmem:s11], [sflag:$0x3] =	stream.indirect.gather [hbm4b:s4+s1], $0x30, s16, s1, $0xb8;
	[tilespmem:$0x1F7C0] =	vst v63  }
.Ltmp2:
0xab: {  	_ = 	snop;
	(pc) =	sbr.rel @p1 .LBB2_3-.Ltmp2, $4  }
0xac: {  	s15 =	sadd.s32 $0x2980, s15  }
0xad: {  	[spmem:s2] =	stream.indirect.scatter.add.f32 [tilespmem:s20], [sflag:$0x6], $0x30, s15, s1, $0xb8;
	[tilespmem:$0x1F7C0] =	vst v63  }
0xae: {  	_ =	swait.ge [sflag:s31], $0x1770  }
0xaf: {  	[sflag:s31] =	ssyncset.done $0x0  }
0xb0: {  	[sflag:s31] =	ssyncadd.s32 $0xFFFFE890  }
0xb1: {  	_ =	swait.ge [sflag:s12], $0x1770  }
0xb2: {  	[sflag:s12] =	ssyncset.done $0x0  }
0xb3: {  	s13 =	simm.s32 $0x2780;
	[sflag:s12] =	ssyncadd.s32 $0xFFFFE890  }
0xb4: {  	[tilespmem:s20], [sflag:$0x4] =	stream.indirect.gather [hbm4b:s4+s1], $0x30, s13, s1, $0xb8;
	[tilespmem:$0x1F7C0] =	vst v63  }
0xb5: {  	s15 =	simm.s32 $0x4E00  }
0xb6: {  	[spmem:s2] =	stream.indirect.scatter.add.f32 [tilespmem:s5], [sflag:$0x6], $0x30, s15, s1, $0xb8;
	[tilespmem:$0x1F7C0] =	vst v63  }
0xb7: {  	_ =	swait.ge [sflag:s31], $0x1770  }
0xb8: {  	[sflag:s31] =	ssyncset.done $0x0  }
0xb9: {  	[sflag:s31] =	ssyncadd.s32 $0xFFFFE890  }
0xba: {  	_ =	swait.ge [sflag:s28], $0x1770  }
0xbb: {  	[sflag:s28] =	ssyncset.done $0x0  }
0xbc: {  	s16 =	simm.s32 $0x4E80;
	[sflag:s28] =	ssyncadd.s32 $0xFFFFE890  }
0xbd: {  	[spmem:s2] =	stream.indirect.scatter.add.f32 [tilespmem:s7], [sflag:$0x6], $0x30, s16, s1, $0xb8;
	[tilespmem:$0x1F7C0] =	vst v63  }
0xbe: {  	_ =	swait.ge [sflag:s31], $0x1770  }
0xbf: {  	[sflag:s31] =	ssyncset.done $0x0  }
0xc0: {  	[sflag:s31] =	ssyncadd.s32 $0xFFFFE890  }
0xc1: {  	_ =	swait.ge [sflag:s29], $0x1770  }
0xc2: {  	[sflag:s29] =	ssyncset.done $0x0  }
0xc3: {  	s17 =	simm.s32 $0x4F00;
	[sflag:s29] =	ssyncadd.s32 $0xFFFFE890  }
0xc4: {  	[spmem:s2] =	stream.indirect.scatter.add.f32 [tilespmem:s11], [sflag:$0x6], $0x30, s17, s1, $0xb8;
	[tilespmem:$0x1F7C0] =	vst v63  }
0xc5: {  	_ =	swait.ge [sflag:s31], $0x1770  }
0xc6: {  	[sflag:s31] =	ssyncset.done $0x0  }
0xc7: {  	[sflag:s31] =	ssyncadd.s32 $0xFFFFE890  }
0xc8: {  	_ =	swait.ge [sflag:s30], $0x1770  }
0xc9: {  	[sflag:s30] =	ssyncset.done $0x0  }
0xca: {  	s18 =	simm.s32 $0x4F80;
	[sflag:s30] =	ssyncadd.s32 $0xFFFFE890  }
0xcb: {  	[spmem:s2] =	stream.indirect.scatter.add.f32 [tilespmem:s20], [sflag:$0x6], $0x30, s18, s1, $0xb8;
	[tilespmem:$0x1F7C0] =	vst v63  }
0xcc: {  	_ =	swait.ge [sflag:s31], $0x1770  }
0xcd: {  	[sflag:s31] =	ssyncset.done $0x0  }
0xce: {  	[sflag:s31] =	ssyncadd.s32 $0xFFFFE890  }
0xcf: {  	p1 =	seq.s32 s9, $0x9;
	[bflag:$0x0] =	sbarrier.arrive $0xFFFF  }
.Ltmp3:
0xd0: {  	s16 =	sshrl.u32 s22, $0x3;
	s8 =	rddreg [dreg:$0x14];
	(pc) =	sbr.rel @p1 .LBB2_10-.Ltmp3, $4  }
0xd1: {  	[hbm:s8], [sflag:s3] =	dma.local [spmem:s16], $0x780  }
0xd2: {  	_ =	swait.ge [sflag:s31], $0x780  }
0xd3: {  	[sflag:s31] =	ssyncset.done $0x0  }
0xd4: {  	s15 =	sshrl.u32 s24, $0x3;
	[sflag:s31] =	ssyncadd.s32 $0xFFFFF880  }
0xd5: {  	[bflag:$0x0] =	sbarrier.arrive $0xFFFF;
	s13 =	simm.s32 @!p0 $0x100000  }
0xd6: {  	s17 =	simm.s32 @!p0 $0x0;
	[smem:s13], [sflag:$0x0] =	smem.add.s32 @!p0 $0x0  }
0xd7: {  	_ =	swait.done @!p0 [sflag:s17]  }
0xd8: {  	s13 =	ssyncread @!p0 [sflag:$0x0];
	_ =	sdelay $0x2  }
0xd9: {  	s18 =	sadd.s32 @!p0 s21, s13  }
0xda: {  	s13 =	sshll.u32 @!p0 s23, $0xE;
	s18 =	sshll.u32 @!p0 s18, $0x11  }
0xdb: {  	[sflag:s17] =	ssyncset.s32 @!p0 $0x0;
	s18 =	sor.u32 @!p0 s18, s13  }
0xdc: {  	[sflag:s17] =	ssyncset.done @!p0 $0x0;
	s17 =	sor.u32 @!p0 $0x1C05, s18  }
0xdd: {  	[sflag:s17] =	ssyncadd.remote.s32 @!p0 $0x1;
	s17 =	simm.s32 @!p0 $0x5  }
0xde: {  	_ =	swait.ge @!p0 [sflag:s17], $0x1  }
0xdf: {  	[sflag:s17] =	ssyncset.done @!p0 $0x0  }
0xe0: {  	[sflag:s17] =	ssyncadd.s32 @!p0 $0xFFFFFFFF  }
0xe1: {  	[bflag:$0x0] =	sbarrier.arrive $0xFFFF  }
0xe2: {  	[tilespmem:s0], [sflag:$0x1] =	stream.linear.gather [spmem:s24], $0x1E00, $0x38;
	[tilespmem:$0x1F7C0] =	vst v63  }
0xe3: {  	s8 =	simm.s32 $0xCBC0;
	s17 =	simm.s32 $0x0;
	s18 =	rddreg [dreg:$0x7]  }
0xe4: {  	[tilespmem:s8], [sflag:$0x2] =	stream.linear.gather [hbm4b:s18+s17], $0x1E00, $0x38;
	[tilespmem:$0x1F7C0] =	vst v63  }
0xe5: {  	_ = 	snop  }
0xe6: {  	[tilespmem:s10], [sflag:$0x3] =	stream.linear.gather [spmem:s25], $0x1E00, $0x38;
	[tilespmem:$0x1F7C0] =	vst v63  }
0xe7: {  	s18 =	simm.s32 $0x107C0;
	s8 =	rddreg [dreg:$0xb]  }
0xe8: {  	[tilespmem:s18], [sflag:$0x4] =	stream.linear.gather [hbm4b:s26+s17], $0x1E00, $0x38;
	[tilespmem:$0x1F7C0] =	vst v63  }
0xe9: {  	[spmem:s16], [sflag:s3] =	dma.local [hbm:s8], $0x780  }
0xea: {  	_ =	swait.ge [sflag:s31], $0x780  }
0xeb: {  	[sflag:s31] =	ssyncset.done $0x0  }
0xec: {  	[sflag:s31] =	ssyncadd.s32 $0xFFFFF880  }
0xed: {  	_ =	swait.ge [sflag:s12], $0x1E00  }
0xee: {  	[sflag:s12] =	ssyncset.done $0x0  }
0xef: {  	s8 =	rddreg [dreg:$0xc];
	[sflag:s12] =	ssyncadd.s32 $0xFFFFE200  }
0xf0: {  	[spmem:s15], [sflag:s3] =	dma.local [hbm:s8], $0x3C0  }
0xf1: {  	_ =	swait.ge [sflag:s31], $0x3C0  }
0xf2: {  	[sflag:s31] =	ssyncset.done $0x0  }
0xf3: {  	s18 =	rddreg [dreg:$0xd];
	[sflag:s31] =	ssyncadd.s32 $0xFFFFFC40  }
0xf4: {  	[tilespmem:s6], [sflag:$0x6] =	stream.linear.gather [hbm4b:s18+s17], $0x1E00, $0x38;
	[tilespmem:$0x1F7C0] =	vst v63  }
0xf5: {  	_ =	swait.ge [sflag:s31], $0x1E00  }
0xf6: {  	[sflag:s31] =	ssyncset.done $0x0  }
0xf7: {  	[sflag:s31] =	ssyncadd.s32 $0xFFFFE200  }
0xf8: {  	_ =	swait.ge [sflag:s28], $0x1E00  }
0xf9: {  	[sflag:s28] =	ssyncset.done $0x0  }
0xfa: {  	s15 =	simm.s32 $0x0;
	[sflag:s28] =	ssyncadd.s32 $0xFFFFE200  }
0xfb: {  	v1 =	vld [tilespmem:s15+$0x161C0]  }
0xfc: {  	v0 =	vld [tilespmem:s15+$0x125C0]  }
0xfd: {  	v4 =	vld [tilespmem:s15+$0xCBC0]  }
0xfe: {  	v3 =	vld [tilespmem:s15+$0xCBD0]  }
0xff: {  	v2 =	vld [tilespmem:s15+$0xCBE0]  }
0x100: {  	v6 =	vld [tilespmem:s15+$0xADC0]  }
0x101: {  	s16 =	simm.s32 $0xC0;
	v5 =	vld [tilespmem:s15+$0xADD0]  }
.LBB2_6:
0x102: {  	p1 =	sne.s32 s16, $0x7740;
	v7 =	vld [tilespmem:s15+$0xADE0]  }
0x103: {  	v8 =	vld [tilespmem:s15+$0x125D0]  }
0x104: {  	v9 =	vld [tilespmem:s15+$0x125E0]  }
0x105: {  	v4 =	vadd.f32 v4, v6;
	v6 =	vld [tilespmem:s15+$0x161D0]  }
0x106: {  	s17 =	sshra.s32 s16, $0x2;
	v3 =	vadd.f32 v3, v5;
	v5 =	vld [tilespmem:s15+$0x161E0]  }
0x107: {  	v10 =	vld [tilespmem:s17+$0x161C0];
	v11 =	vmul.f32 v4, v0;
	v2 =	vadd.f32 v2, v7  }
0x108: {  	v0 =	vld [tilespmem:s17+$0x125C0];
	v7 =	vmul.f32 v3, v8  }
.Ltmp4:
0x109: {  	v4 =	vld [tilespmem:s17+$0xCBC0];
	v11 =	vadd.f32 v11, v1;
	v8 =	vmul.f32 v2, v9;
	(pc) =	sbr.rel @p1 .LBB2_6-.Ltmp4, $4  }
0x10a: {  	v3 =	vld [tilespmem:s17+$0xCBD0];
	v7 =	vadd.f32 v7, v6  }
0x10b: {  	v2 =	vld [tilespmem:s17+$0xCBE0];
	[tilespmem:s15+$0xADC0] =	vst v11;
	v8 =	vadd.f32 v8, v5  }
0x10c: {  	v6 =	vld [tilespmem:s17+$0xADC0];
	[tilespmem:s15+$0xADD0] =	vst v7;
	v1 =	vmov v10  }
0x10d: {  	s16 =	sadd.s32 $0xC0, s16;
	v5 =	vld [tilespmem:s17+$0xADD0];
	[tilespmem:s15+$0xADE0] =	vst v8;
	s15 =	smov.u32 s17  }
0x10e: {  	v7 =	vld [tilespmem:s15+$0xADE0]  }
0x10f: {  	v8 =	vld [tilespmem:s15+$0x125D0]  }
0x110: {  	v9 =	vld [tilespmem:s15+$0x125E0]  }
0x111: {  	v4 =	vadd.f32 v4, v6;
	v6 =	vld [tilespmem:s15+$0x161D0]  }
0x112: {  	v3 =	vadd.f32 v3, v5;
	v5 =	vld [tilespmem:s15+$0x161E0]  }
0x113: {  	v0 =	vmul.f32 v4, v0;
	v2 =	vadd.f32 v2, v7  }
0x114: {  	v3 =	vmul.f32 v3, v8  }
0x115: {  	v0 =	vadd.f32 v0, v1;
	v1 =	vmul.f32 v2, v9  }
0x116: {  	v2 =	vadd.f32 v3, v6  }
0x117: {  	[tilespmem:s15+$0xADC0] =	vst v0;
	v0 =	vadd.f32 v1, v5  }
0x118: {  	[tilespmem:s15+$0xADD0] =	vst v2  }
0x119: {  	s8 =	simm.s32 $0x0;
	[tilespmem:s15+$0xADE0] =	vst v0  }
0x11a: {  	[hbm4b:s14+s8] =	stream.linear.scatter [tilespmem:s0], [sflag:$0x6], $0x1E00, $0x38;
	[tilespmem:$0x1F7C0] =	vst v63  }
0x11b: {  	_ =	swait.ge [sflag:s31], $0x1E00  }
0x11c: {  	[sflag:s31] =	ssyncset.done $0x0  }
0x11d: {  	[sflag:s31] =	ssyncadd.s32 $0xFFFFE200  }
0x11e: {  	_ =	swait.ge [sflag:s29], $0x1E00  }
0x11f: {  	[sflag:s29] =	ssyncset.done $0x0  }
0x120: {  	s16 =	sshrl.u32 s25, $0x3;
	s17 =	rddreg [dreg:$0xe];
	[sflag:s29] =	ssyncadd.s32 $0xFFFFE200  }
0x121: {  	[spmem:s16], [sflag:s3] =	dma.local [hbm:s17], $0x3C0  }
0x122: {  	_ =	swait.ge [sflag:s31], $0x3C0  }
0x123: {  	[sflag:s31] =	ssyncset.done $0x0  }
0x124: {  	s18 =	rddreg [dreg:$0xf];
	[sflag:s31] =	ssyncadd.s32 $0xFFFFFC40  }
0x125: {  	[tilespmem:s6], [sflag:$0x6] =	stream.linear.gather [hbm4b:s18+s8], $0x1E00, $0x38;
	[tilespmem:$0x1F7C0] =	vst v63  }
0x126: {  	_ =	swait.ge [sflag:s31], $0x1E00  }
0x127: {  	[sflag:s31] =	ssyncset.done $0x0  }
0x128: {  	[sflag:s31] =	ssyncadd.s32 $0xFFFFE200  }
0x129: {  	_ =	swait.ge [sflag:s30], $0x1E00  }
0x12a: {  	[sflag:s30] =	ssyncset.done $0x0  }
0x12b: {  	s15 =	simm.s32 $0x0;
	[sflag:s30] =	ssyncadd.s32 $0xFFFFE200  }
0x12c: {  	v1 =	vld [tilespmem:s15+$0x161C0]  }
0x12d: {  	v0 =	vld [tilespmem:s15+$0x143C0]  }
0x12e: {  	v4 =	vld [tilespmem:s15+$0x107C0]  }
0x12f: {  	v3 =	vld [tilespmem:s15+$0x107D0]  }
0x130: {  	v2 =	vld [tilespmem:s15+$0x107E0]  }
0x131: {  	v6 =	vld [tilespmem:s15+$0xE9C0]  }
0x132: {  	s16 =	simm.s32 $0xC0;
	v5 =	vld [tilespmem:s15+$0xE9D0]  }
.LBB2_8:
0x133: {  	p1 =	sne.s32 s16, $0x7740;
	v7 =	vld [tilespmem:s15+$0xE9E0]  }
0x134: {  	v8 =	vld [tilespmem:s15+$0x143D0]  }
0x135: {  	v9 =	vld [tilespmem:s15+$0x143E0]  }
0x136: {  	v4 =	vadd.f32 v4, v6;
	v6 =	vld [tilespmem:s15+$0x161D0]  }
0x137: {  	s17 =	sshra.s32 s16, $0x2;
	v3 =	vadd.f32 v3, v5;
	v5 =	vld [tilespmem:s15+$0x161E0]  }
0x138: {  	v10 =	vld [tilespmem:s17+$0x161C0];
	v11 =	vmul.f32 v4, v0;
	v2 =	vadd.f32 v2, v7  }
0x139: {  	v0 =	vld [tilespmem:s17+$0x143C0];
	v7 =	vmul.f32 v3, v8  }
.Ltmp5:
0x13a: {  	v4 =	vld [tilespmem:s17+$0x107C0];
	v11 =	vadd.f32 v11, v1;
	v8 =	vmul.f32 v2, v9;
	(pc) =	sbr.rel @p1 .LBB2_8-.Ltmp5, $4  }
0x13b: {  	v3 =	vld [tilespmem:s17+$0x107D0];
	v7 =	vadd.f32 v7, v6  }
0x13c: {  	v2 =	vld [tilespmem:s17+$0x107E0];
	[tilespmem:s15+$0xE9C0] =	vst v11;
	v8 =	vadd.f32 v8, v5  }
0x13d: {  	v6 =	vld [tilespmem:s17+$0xE9C0];
	[tilespmem:s15+$0xE9D0] =	vst v7;
	v1 =	vmov v10  }
0x13e: {  	s16 =	sadd.s32 $0xC0, s16;
	v5 =	vld [tilespmem:s17+$0xE9D0];
	[tilespmem:s15+$0xE9E0] =	vst v8;
	s15 =	smov.u32 s17  }
0x13f: {  	v7 =	vld [tilespmem:s15+$0xE9E0]  }
0x140: {  	v8 =	vld [tilespmem:s15+$0x143D0]  }
0x141: {  	v9 =	vld [tilespmem:s15+$0x143E0]  }
0x142: {  	v59 =	vld [tilespmem:s15+$0x161D0];
	v4 =	vadd.f32 v4, v6  }
0x143: {  	v60 =	vld [tilespmem:s15+$0x161E0];
	v3 =	vadd.f32 v3, v5  }
0x144: {  	v0 =	vmul.f32 v4, v0;
	v2 =	vadd.f32 v2, v7  }
0x145: {  	v3 =	vmul.f32 v3, v8  }
0x146: {  	v0 =	vadd.f32 v0, v1;
	v61 =	vmul.f32 v2, v9  }
0x147: {  	v62 =	vadd.f32 v3, v59  }
0x148: {  	[tilespmem:s15+$0xE9C0] =	vst v0;
	v63 =	vadd.f32 v61, v60  }
0x149: {  	[tilespmem:s15+$0xE9D0] =	vst v62  }
0x14a: {  	s18 =	simm.s32 $0x0;
	[tilespmem:s15+$0xE9E0] =	vst v63  }
0x14b: {  	[hbm4b:s19+s18] =	stream.linear.scatter [tilespmem:s10], [sflag:$0x6], $0x1E00, $0x38;
	[tilespmem:$0x1F7C0] =	vst v63  }
0x14c: {  	_ =	swait.ge [sflag:s31], $0x1E00  }
0x14d: {  	[sflag:s31] =	ssyncset.done $0x0  }
0x14e: {  	[sflag:s31] =	ssyncadd.s32 $0xFFFFE200  }
0x14f: {  	s15 =	simm.s32 @!p0 $0x100000;
	[bflag:$0x0] =	sbarrier.arrive $0xFFFF  }
0x150: {  	[smem:s15], [sflag:$0x0] =	smem.add.s32 @!p0 $0x0;
	s15 =	simm.s32 @!p0 $0x0  }
0x151: {  	_ =	swait.done @!p0 [sflag:s15]  }
0x152: {  	s16 =	ssyncread @!p0 [sflag:$0x0];
	_ =	sdelay $0x2  }
0x153: {  	s16 =	sadd.s32 @!p0 s21, s16  }
0x154: {  	s16 =	sshll.u32 @!p0 s16, $0x11  }
0x155: {  	[sflag:s15] =	ssyncset.s32 @!p0 $0x0;
	s13 =	sor.u32 @!p0 s16, s13  }
0x156: {  	[sflag:s15] =	ssyncset.done @!p0 $0x0;
	s13 =	sor.u32 @!p0 $0x1C05, s13  }
0x157: {  	[sflag:s13] =	ssyncadd.remote.s32 @!p0 $0x1;
	s13 =	simm.s32 @!p0 $0x5  }
.Ltmp6:
0x158: {  	_ =	swait.ge @!p0 [sflag:s13], $0x1;
	(pc) =	sbr.rel .LBB2_2-.Ltmp6, $4  }
0x159: {  	[sflag:s13] =	ssyncset.done @!p0 $0x0  }
0x15a: {  	[sflag:s13] =	ssyncadd.s32 @!p0 $0xFFFFFFFF  }
0x15b: {  	[bflag:$0x0] =	sbarrier.arrive $0xFFFF  }
0x15c: {  	s9 =	sadd.s32 $0x1, s9  }
.LBB2_11:
0x15d: {  	_ =	sfence.sel $0x180000  }
0x15e: {  	[bflag:$0x0] =	sbarrier.arrive $0xFFFF  }
0x15f: {  	_ =	strace $0x9000004A  }
0x160: {  	[bflag:$0x2] =	sbarrier.arrive $0xFFFF  }
0x161: {  	s0 =	rddreg [dreg:$0x3]  }
0x162: {  	s0 =	sadd.s32 @!p0 $0x100000, s0  }
0x163: {  	[sflag:s0] =	ssyncadd.tile.s32 @!p0 $0x1;
	_ =	shalt  }
.Lfunc_end2:
_tile_overlayer_lowered:
.L_overlay_start_2:
0x164: {  	(tag) =	ssettag $0x2  }
0x165: {  	s0 =	rddreg [dreg:$0x0];
	s2 =	stileid.u32  }
0x166: {  	s1 =	rddreg [dreg:$0x1];
	p0 =	sne.s32 s2, $0x0  }
0x167: {  	s3 =	rddreg [dreg:$0x2];
	[bflag:$0x3] =	sbarrier.arrive $0xFFFF;
	s2 =	simm.s32 @!p0 $0x1C06  }
0x168: {  	[timem:s3], [sflag:s2] =	dma.local @!p0 [hbm:s0], s1  }
0x169: {  	s0 =	simm.s32 @!p0 $0x6  }
0x16a: {  	_ =	swait.ge @!p0 [sflag:s0], s1  }
0x16b: {  	s1 =	ssub.s32 @!p0 $0x0, s1;
	[sflag:s0] =	ssyncset.done @!p0 $0x0  }
0x16c: {  	[sflag:s0] =	ssyncadd.s32 @!p0 s1  }
0x16d: {  	[bflag:$0x3] =	sbarrier.arrive $0xFFFF  }
0x16e: {  	_ =	shalt  }

</sc_bundles>
